<compile_context>
chip_gen: v7x
topology: tpu7x:2x2x1
jax: 0.10.2.dev20260603
libtpu: 0.0.44.dev20260713+nightly
codegen_flags: <defaults>
</compile_context>

<pallas_src>
import functools

import jax
import jax.numpy as jnp
from jax import lax
from jax.experimental import pallas as pl
from jax.experimental.pallas import tpu as pltpu
from jax.experimental.pallas import tpu_sc as plsc

_SELU_ALPHA = 1.6732632423543772
_SELU_SCALE = 1.0507009873554805
_PACK = 16


def _selu(v):
    return _SELU_SCALE * jnp.where(v > 0, v, _SELU_ALPHA * (jnp.exp(v) - 1.0))


def _sigmoid(v):
    return 1.0 / (1.0 + jnp.exp(-v))


def _round_up(a, b):
    return -(-a // b) * b


def _pick_block(total, cap, mult):
    for k in range(cap - cap % mult, mult - 1, -mult):
        if total % k == 0:
            return k
    return None


def _expand(w):
    return jnp.kron(jnp.eye(_PACK, dtype=jnp.float32), w)


def _expand_bias(b):
    return jnp.tile(b, _PACK).reshape(1, -1)



def _lin_selu_body(x_ref, w_ref, b_ref, o_ref):
    o_ref[...] = _selu(
        jnp.dot(x_ref[...], w_ref[...], preferred_element_type=jnp.float32)
        + b_ref[...])


def _tc_lin_selu(xk, w_e, b_e):
    return pl.pallas_call(
        _lin_selu_body,
        out_shape=jax.ShapeDtypeStruct(xk.shape, jnp.float32),
    )(xk, w_e, b_e)


def _gru_body(aggp_ref, degp_ref, h_ref,
              wir_ref, wiz_ref, win_ref, bi_ref,
              whr_ref, whz_ref, whn_ref, bh_ref,
              w2_ref, b2_ref, o_ref):
    deg = degp_ref[0] + degp_ref[1]
    rdeg = 1.0 / jnp.maximum(deg, 1.0)
    agg = (aggp_ref[0] + aggp_ref[1]) * rdeg
    h = h_ref[...]

    def mm(a, wref):
        return jnp.dot(a, wref[...], preferred_element_type=jnp.float32)

    bi = bi_ref[...]
    bh = bh_ref[...]
    r = _sigmoid(mm(agg, wir_ref) + bi[:, 0:128]
                 + mm(h, whr_ref) + bh[:, 0:128])
    z = _sigmoid(mm(agg, wiz_ref) + bi[:, 128:256]
                 + mm(h, whz_ref) + bh[:, 128:256])
    nn = jnp.tanh(mm(agg, win_ref) + bi[:, 256:384]
                  + r * (mm(h, whn_ref) + bh[:, 256:384]))
    xn = (1.0 - z) * nn + z * h
    o_ref[...] = _selu(mm(xn, w2_ref) + b2_ref[...])


def _tc_gru(aggk, degk, hk, wir, wiz, win, bi3, whr, whz, whn, bh3, w2e, b2e):
    return pl.pallas_call(
        _gru_body,
        out_shape=jax.ShapeDtypeStruct(hk.shape, jnp.float32),
    )(aggk, degk, hk, wir, wiz, win, bi3, whr, whz, whn, bh3, w2e, b2e)


def _head_body(sums_ref, cnt_ref, w2_ref, b2_ref, w3_ref, b3_ref,
               xo_ref, xf_ref):
    sums = sums_ref[0] + sums_ref[1]
    cnt = cnt_ref[0] + cnt_ref[1]
    x5 = sums / jnp.maximum(cnt, 1.0)
    nrm = jnp.sqrt(jnp.sum(x5 * x5, axis=-1, keepdims=True))
    x7 = x5 / jnp.maximum(nrm, 1e-12)
    xf = _selu(jnp.dot(x7, w2_ref[...], preferred_element_type=jnp.float32)
               + b2_ref[...])
    xf_ref[...] = xf
    xo_ref[...] = (jnp.dot(xf, w3_ref[...], preferred_element_type=jnp.float32)
                   + b3_ref[...])


def _tc_head(sumsp, cntp, wfc2, bfc2, wfc3, bfc3):
    nc, g, hd = sumsp.shape
    f2 = wfc2.shape[1]
    return pl.pallas_call(
        _head_body,
        out_shape=(jax.ShapeDtypeStruct((g, 1), jnp.float32),
                   jax.ShapeDtypeStruct((g, f2), jnp.float32)),
    )(sumsp, cntp, wfc2, bfc2.reshape(1, f2),
      wfc3, bfc3.reshape(1, 1))



def _sc_edge_pass(table, src_e, dst_e, zeros8, k, nchunks, nc, ns):
    npad, hd = table.shape
    per_w = k * nchunks
    rows_per_tile = npad // ns
    nquads = nchunks // 4
    mesh = plsc.VectorSubcoreMesh(core_axis_name="c", subcore_axis_name="s")

    @functools.partial(
        pl.kernel,
        out_type=[jax.ShapeDtypeStruct((nc, npad, hd), jnp.float32)],
        mesh=mesh,
        scratch_types=[
            [pltpu.VMEM((k,), jnp.int32)] * 4,
            [pltpu.VMEM((k,), jnp.int32)] * 4,
            [pltpu.VMEM((k, hd), jnp.float32)] * 4,
            pltpu.VMEM_SHARED((npad, hd), jnp.float32),
            [pltpu.SemaphoreType.DMA] * 4,
        ],
        compiler_params=pltpu.CompilerParams(use_tc_tiling_on_sc=False))
    def run(table_h, srce_h, dste_h, z8_h, agg_o,
            srcs, dsts, rowss, agg_sh, gsems):
        cid = lax.axis_index("c")
        sid = lax.axis_index("s")
        wid = sid * nc + cid

        @pl.when(sid == 0)
        def _zero():
            pltpu.sync_copy(z8_h, agg_sh)
        plsc.subcore_barrier()

        base_w = wid * per_w

        for b in range(4):
            pltpu.sync_copy(srce_h.at[pl.ds(base_w + b * k, k)], srcs[b])
            pltpu.sync_copy(dste_h.at[pl.ds(base_w + b * k, k)], dsts[b])
            pltpu.async_copy(table_h.at[srcs[b]], rowss[b], gsems[b])

        def quad(j, carry):
            for b in range(4):
                pltpu.make_async_copy(table_h.at[srcs[b]], rowss[b],
                                      gsems[b]).wait()
                pltpu.sync_copy(rowss[b], agg_sh.at[dsts[b]], add=True)

                @pl.when(j < nquads - 1)
                def _pref(b=b):
                    nb = base_w + (4 * j + b + 4) * k
                    pltpu.sync_copy(srce_h.at[pl.ds(nb, k)], srcs[b])
                    pltpu.sync_copy(dste_h.at[pl.ds(nb, k)], dsts[b])
                    pltpu.async_copy(table_h.at[srcs[b]], rowss[b], gsems[b])
            return carry

        lax.fori_loop(0, nquads, quad, 0)
        plsc.subcore_barrier()

        off = sid * rows_per_tile
        pltpu.sync_copy(agg_sh.at[pl.ds(off, rows_per_tile)],
                        agg_o.at[cid, pl.ds(off, rows_per_tile)])

    return run(table, src_e, dst_e, zeros8)[0]


def _sc_deg(dst_e, ones_k, zeros8, k, nchunks, nc, ns, npad):
    hd = ones_k.shape[1]
    per_w = k * nchunks
    rows_per_tile = npad // ns
    mesh = plsc.VectorSubcoreMesh(core_axis_name="c", subcore_axis_name="s")

    @functools.partial(
        pl.kernel,
        out_type=[jax.ShapeDtypeStruct((nc, npad, hd), jnp.float32)],
        mesh=mesh,
        scratch_types=[
            pltpu.VMEM((k,), jnp.int32), pltpu.VMEM((k,), jnp.int32),
            pltpu.VMEM((k, hd), jnp.float32),
            pltpu.VMEM_SHARED((npad, hd), jnp.float32),
            pltpu.SemaphoreType.DMA,
        ],
        compiler_params=pltpu.CompilerParams(use_tc_tiling_on_sc=False))
    def run(dste_h, ones_h, z8_h, deg_o, dst0, dst1, ones_v, deg_sh, isem):
        cid = lax.axis_index("c")
        sid = lax.axis_index("s")
        wid = sid * nc + cid

        @pl.when(sid == 0)
        def _zero():
            pltpu.sync_copy(z8_h, deg_sh)
        pltpu.sync_copy(ones_h, ones_v)
        plsc.subcore_barrier()

        base_w = wid * per_w
        npairs = nchunks // 2
        pltpu.sync_copy(dste_h.at[pl.ds(base_w, k)], dst0)

        def pair(j, carry):
            b1 = base_w + (2 * j + 1) * k
            pltpu.async_copy(dste_h.at[pl.ds(b1, k)], dst1, isem)
            pltpu.sync_copy(ones_v, deg_sh.at[dst0], add=True)
            pltpu.make_async_copy(dste_h.at[pl.ds(b1, k)], dst1, isem).wait()

            @pl.when(j < npairs - 1)
            def _pref():
                b2 = base_w + (2 * j + 2) * k
                pltpu.async_copy(dste_h.at[pl.ds(b2, k)], dst0, isem)

            pltpu.sync_copy(ones_v, deg_sh.at[dst1], add=True)

            @pl.when(j < npairs - 1)
            def _drain():
                b2 = base_w + (2 * j + 2) * k
                pltpu.make_async_copy(dste_h.at[pl.ds(b2, k)], dst0,
                                      isem).wait()
            return carry

        lax.fori_loop(0, npairs, pair, 0)
        plsc.subcore_barrier()

        off = sid * rows_per_tile
        pltpu.sync_copy(deg_sh.at[pl.ds(off, rows_per_tile)],
                        deg_o.at[cid, pl.ds(off, rows_per_tile)])

    return run(dst_e, ones_k, zeros8)[0]


def _sc_pool(rows, batch, ones_k, zeros8, k, nc, ns):
    npool, hd = rows.shape
    gp = zeros8.shape[0]
    mesh = plsc.VectorSubcoreMesh(core_axis_name="c", subcore_axis_name="s")

    @functools.partial(
        pl.kernel,
        out_type=[jax.ShapeDtypeStruct((nc, gp, hd), jnp.float32),
                  jax.ShapeDtypeStruct((nc, gp, hd), jnp.float32)],
        mesh=mesh,
        scratch_types=[
            pltpu.VMEM((k,), jnp.int32),
            pltpu.VMEM((k, hd), jnp.float32),
            pltpu.VMEM((k, hd), jnp.float32),
            pltpu.VMEM_SHARED((gp, hd), jnp.float32),
            pltpu.VMEM_SHARED((gp, hd), jnp.float32),
        ],
        compiler_params=pltpu.CompilerParams(use_tc_tiling_on_sc=False))
    def run(rows_h, batch_h, ones_h, z8_h, sums_o, cnt_o,
            dst_v, rows_v, ones_v, sums_sh, cnt_sh):
        cid = lax.axis_index("c")
        sid = lax.axis_index("s")
        wid = sid * nc + cid

        @pl.when(sid == 0)
        def _zero():
            pltpu.sync_copy(z8_h, sums_sh)
            pltpu.sync_copy(z8_h, cnt_sh)

        pltpu.sync_copy(ones_h, ones_v)
        plsc.subcore_barrier()

        base = wid * k
        pltpu.sync_copy(batch_h.at[pl.ds(base, k)], dst_v)
        pltpu.sync_copy(rows_h.at[pl.ds(base, k)], rows_v)
        pltpu.sync_copy(rows_v, sums_sh.at[dst_v], add=True)
        pltpu.sync_copy(ones_v, cnt_sh.at[dst_v], add=True)
        plsc.subcore_barrier()

        @pl.when(sid == 0)
        def _out():
            pltpu.sync_copy(sums_sh, sums_o.at[cid])
            pltpu.sync_copy(cnt_sh, cnt_o.at[cid])

    return run(rows, batch, ones_k, zeros8)



def kernel(x, x_ex, DFS, STATUS, edge_index, batch,
           W1, b1, Wi1, bi1, Wh1, bh1, Wi2, bi2, Wh2, bh2,
           W2, b2, Wfc2, bfc2, Wfc3, bfc3):
    n, f_in = x.shape
    e = edge_index.shape[1]
    g = DFS.shape[0]
    hd = W1.shape[1]

    info = plsc.get_sparse_core_info()
    nc, ns = info.num_cores, info.num_subcores
    nw = nc * ns

    k = None
    if e % (4 * nw) == 0:
        k = _pick_block(e // (4 * nw), 2048, 16)
    if k is None:
        k = 2048
        epad = _round_up(e, 4 * nw * k)
    else:
        epad = e
    nchunks = epad // (nw * k)
    pad_rows = 128 if epad > e else 0
    npad = _round_up(n + pad_rows, _round_up(nw * 16, 128))
    np16 = npad * hd // 128

    src_e, dst_e = edge_index[0], edge_index[1]
    if epad > e:
        npe = epad - e
        pad_idx = (n + (jnp.arange(npe, dtype=jnp.int32) % pad_rows))
        src_e = jnp.concatenate([src_e, pad_idx])
        dst_e = jnp.concatenate([dst_e, pad_idx])

    ones_k = jnp.ones((k, hd), jnp.float32)
    zeros8 = jnp.zeros((npad, hd), jnp.float32)

    kp = npad // nw
    npool = npad
    gp = _round_up(g + 16, 16)
    batch_p = jnp.concatenate(
        [batch, jnp.full((npool - n,), g, jnp.int32)])
    ones_kp = jnp.ones((kp, hd), jnp.float32)
    zeros_g8 = jnp.zeros((gp, hd), jnp.float32)

    w1e, b1e = _expand(W1), _expand_bias(b1)
    wir1, wiz1, win1 = (_expand(Wi1[:, 0:hd]), _expand(Wi1[:, hd:2 * hd]),
                        _expand(Wi1[:, 2 * hd:3 * hd]))
    whr1, whz1, whn1 = (_expand(Wh1[:, 0:hd]), _expand(Wh1[:, hd:2 * hd]),
                        _expand(Wh1[:, 2 * hd:3 * hd]))
    bi1e = jnp.concatenate([_expand_bias(bi1[0:hd]),
                            _expand_bias(bi1[hd:2 * hd]),
                            _expand_bias(bi1[2 * hd:3 * hd])], axis=1)
    bh1e = jnp.concatenate([_expand_bias(bh1[0:hd]),
                            _expand_bias(bh1[hd:2 * hd]),
                            _expand_bias(bh1[2 * hd:3 * hd])], axis=1)
    wir2, wiz2, win2 = (_expand(Wi2[:, 0:hd]), _expand(Wi2[:, hd:2 * hd]),
                        _expand(Wi2[:, 2 * hd:3 * hd]))
    whr2, whz2, whn2 = (_expand(Wh2[:, 0:hd]), _expand(Wh2[:, hd:2 * hd]),
                        _expand(Wh2[:, 2 * hd:3 * hd]))
    bi2e = jnp.concatenate([_expand_bias(bi2[0:hd]),
                            _expand_bias(bi2[hd:2 * hd]),
                            _expand_bias(bi2[2 * hd:3 * hd])], axis=1)
    bh2e = jnp.concatenate([_expand_bias(bh2[0:hd]),
                            _expand_bias(bh2[hd:2 * hd]),
                            _expand_bias(bh2[2 * hd:3 * hd])], axis=1)
    w2e, b2e = _expand(W2), _expand_bias(b2)

    xp = jnp.concatenate([x, jnp.zeros((npad - n, f_in), jnp.float32)])
    xk = xp.reshape(np16, 128)

    degp = _sc_deg(dst_e, ones_k, zeros8, k, nchunks, nc, ns, npad)
    degk = degp.reshape(nc, np16, 128)

    x1k = _tc_lin_selu(xk, w1e, b1e)
    table1 = x1k.reshape(npad, hd)

    agg1p = _sc_edge_pass(table1, src_e, dst_e, zeros8, k, nchunks, nc, ns)
    agg1k = agg1p.reshape(nc, np16, 128)

    x2k = _tc_gru(agg1k, degk, x1k, wir1, wiz1, win1, bi1e,
                  whr1, whz1, whn1, bh1e, w2e, b2e)
    table2 = x2k.reshape(npad, hd)

    agg2p = _sc_edge_pass(table2, src_e, dst_e, zeros8, k, nchunks, nc, ns)
    agg2k = agg2p.reshape(nc, np16, 128)

    x4k = _tc_gru(agg2k, degk, x2k, wir2, wiz2, win2, bi2e,
                  whr2, whz2, whn2, bh2e, w2e, b2e)
    x4s = x4k.reshape(npad, hd)

    sumsp, cntp = _sc_pool(x4s, batch_p, ones_kp, zeros_g8, kp, nc, ns)

    x_out, x_feat = _tc_head(sumsp[:, :g], cntp[:, :g, 0:1], Wfc2, bfc2,
                             Wfc3, bfc3)
    return (x_out, x_feat)

# --- scband reference (transcript-rebuilt; emitter-appended) ---
"""Pipeline reference for scband-ignn-68556267979297 (READ-ONLY COPY).

The authoritative reference and input builder live on the scoring server;
editing this copy changes nothing except your own understanding.
"""

import jax, jax.numpy as jnp
import numpy as np

N = 100000
E = 6400000
F_IN = 8
H = 8
G = 512


def _lin_init(k, fan_in, fan_out):
    kw, kb = jax.random.split(k)
    bound = 1.0 / np.sqrt(fan_in)
    W = jax.random.uniform(kw, (fan_in, fan_out), jnp.float32, -bound, bound)
    b = jax.random.uniform(kb, (fan_out,), jnp.float32, -bound, bound)
    return W, b


def setup_inputs(seed: int = 0) -> dict:
    key = jax.random.key(seed)
    ks = jax.random.split(key, 16)
    inp = {}
    inp['x'] = jax.random.normal(ks[0], (N, F_IN), jnp.float32)
    inp['x_ex'] = jax.random.normal(ks[1], (G, 8), jnp.float32)
    inp['DFS'] = jax.random.uniform(ks[2], (G,), jnp.float32)
    inp['STATUS'] = jax.random.uniform(ks[3], (G,), jnp.float32)
    inp['edge_index'] = jax.random.randint(ks[4], (2, E), 0, N, jnp.int32)
    inp['batch'] = jnp.sort(jax.random.randint(ks[5], (N,), 0, G, jnp.int32))
    inp['W1'], inp['b1'] = _lin_init(ks[6], F_IN, 8)
    # GRU conv layer 1 params (gates r,z,n stacked -> 3*H)
    inp['Wi1'], inp['bi1'] = _lin_init(ks[7], 8, 3 * H)
    inp['Wh1'], inp['bh1'] = _lin_init(ks[8], H, 3 * H)
    # GRU conv layer 2 params
    inp['Wi2'], inp['bi2'] = _lin_init(ks[9], 8, 3 * H)
    inp['Wh2'], inp['bh2'] = _lin_init(ks[10], H, 3 * H)
    inp['W2'], inp['b2'] = _lin_init(ks[11], 8, 8)
    inp['Wfc2'], inp['bfc2'] = _lin_init(ks[12], 8, 32)
    inp['Wfc3'], inp['bfc3'] = _lin_init(ks[13], 32, 1)
    return inp


def _gru_conv(h, edge_index, Wi, Wh, bi, bh):
    n_nodes = h.shape[0]
    src = edge_index[0]
    dst = edge_index[1]
    msg = jnp.take(h, src, axis=0)
    agg = jax.ops.segment_sum(msg, dst, num_segments=n_nodes)
    deg = jax.ops.segment_sum(jnp.ones((edge_index.shape[1],), h.dtype), dst, num_segments=n_nodes)
    agg = agg / jnp.maximum(deg, 1.0)[:, None]
    gi = agg @ Wi + bi
    gh = h @ Wh + bh
    ir, iz, inn = jnp.split(gi, 3, axis=-1)
    hr, hz, hn = jnp.split(gh, 3, axis=-1)
    r = jax.nn.sigmoid(ir + hr)
    z = jax.nn.sigmoid(iz + hz)
    n = jnp.tanh(inn + r * hn)
    return (1.0 - z) * n + z * h


def reference(x, x_ex, DFS, STATUS, edge_index, batch,
              W1, b1, Wi1, bi1, Wh1, bh1, Wi2, bi2, Wh2, bh2,
              W2, b2, Wfc2, bfc2, Wfc3, bfc3):
    # x_ex, DFS, STATUS are passed to the torch forward but unused
    x1 = jax.nn.selu(x @ W1 + b1)
    # dropout is identity in eval mode (result discarded in original anyway)
    x2 = _gru_conv(x1, edge_index, Wi1, Wh1, bi1, bh1)
    x2 = jax.nn.selu(x2 @ W2 + b2)
    x3 = x2  # dropout p=0.1, eval mode -> identity
    x4 = _gru_conv(x3, edge_index, Wi2, Wh2, bi2, bh2)
    x4 = jax.nn.selu(x4 @ W2 + b2)
    # global mean pool over graph ids
    sums = jax.ops.segment_sum(x4, batch, num_segments=G)
    cnt = jax.ops.segment_sum(jnp.ones((x4.shape[0],), x4.dtype), batch, num_segments=G)
    x5 = sums / jnp.maximum(cnt, 1.0)[:, None]
    norm = jnp.maximum(jnp.linalg.norm(x5, axis=-1, keepdims=True), 1e-12)
    x7 = x5 / norm
    x_features = jax.nn.selu(x7 @ Wfc2 + bfc2)
    x_out = x_features @ Wfc3 + bfc3
    return (x_out, x_features)

if __name__ == "__main__":
    import jax
    _d = setup_inputs()
    print(jax.jit(kernel)(*tuple(_d.values())))

</pallas_src>

<mosaic_0001>
#map = affine_map<(d0, d1) -> (0, 0)>
#map1 = affine_map<(d0, d1) -> (0)>
#map2 = affine_map<(d0, d1) -> (0, 0, 0)>
module attributes {stable_mosaic.version = 14 : i64} {
  func.func @run(%arg0: i32, %arg1: i32, %arg2: memref<100352x8xf32, #tpu.memory_space<hbm>>, %arg3: memref<6400000xi32, #tpu.memory_space<hbm>>, %arg4: memref<6400000xi32, #tpu.memory_space<hbm>>, %arg5: memref<100352x8xf32, #tpu.memory_space<hbm>>, %arg6: memref<2x100352x8xf32, #tpu.memory_space<hbm>>, %arg7: memref<2000xi32, #tpu.memory_space<vmem>>, %arg8: memref<2000xi32, #tpu.memory_space<vmem>>, %arg9: memref<2000xi32, #tpu.memory_space<vmem>>, %arg10: memref<2000xi32, #tpu.memory_space<vmem>>, %arg11: memref<2000xi32, #tpu.memory_space<vmem>>, %arg12: memref<2000xi32, #tpu.memory_space<vmem>>, %arg13: memref<2000xi32, #tpu.memory_space<vmem>>, %arg14: memref<2000xi32, #tpu.memory_space<vmem>>, %arg15: memref<2000x8xf32, #tpu.memory_space<vmem>>, %arg16: memref<2000x8xf32, #tpu.memory_space<vmem>>, %arg17: memref<2000x8xf32, #tpu.memory_space<vmem>>, %arg18: memref<2000x8xf32, #tpu.memory_space<vmem>>, %arg19: memref<100352x8xf32, #tpu.memory_space<vmem_shared>>, %arg20: memref<!tpu.dma_semaphore, #tpu.memory_space<semaphore_mem>>, %arg21: memref<!tpu.dma_semaphore, #tpu.memory_space<semaphore_mem>>, %arg22: memref<!tpu.dma_semaphore, #tpu.memory_space<semaphore_mem>>, %arg23: memref<!tpu.dma_semaphore, #tpu.memory_space<semaphore_mem>>) attributes {dimension_semantics = [#tpu.dimension_semantics<core_parallel>, #tpu.dimension_semantics<subcore_parallel>], iteration_bounds = array<i64: 2, 16>, scalar_prefetch = 0 : i64, scratch_operands = 17 : i64, tpu.core_type = #tpu.core_type<sc_vector_subcore>, window_params = [{transform_indices = #map}, {transform_indices = #map1}, {transform_indices = #map1}, {transform_indices = #map}, {transform_indices = #map2}]} {
    %mul3A = arith.constant 2 : i32
    %mul3A_0 = arith.muli %arg1, %mul3A : i32
    %add3A = arith.addi %mul3A_0, %arg0 : i32
    %eq3A = arith.constant 0 : i32
    %eq3A_1 = arith.cmpi eq, %arg1, %eq3A : i32
    %convert_element_type3A = arith.extui %eq3A_1 : i1 to i32
    %cond3A = arith.constant 0 : i32
    %cond3A_2 = arith.cmpi ne, %convert_element_type3A, %cond3A : i32
    scf.if %cond3A_2 {
      "tpu.region"() ({
        %run_scoped3A = tpu.sem_alloc : memref<!tpu.dma_semaphore, #tpu.memory_space<semaphore_mem>>
        tpu.enqueue_dma source(%arg5 : memref<100352x8xf32, #tpu.memory_space<hbm>>) target(%arg19 : memref<100352x8xf32, #tpu.memory_space<vmem_shared>>) target_semaphore(%run_scoped3A : memref<!tpu.dma_semaphore, #tpu.memory_space<semaphore_mem>>)
        tpu.wait_dma2 semaphore(%run_scoped3A : memref<!tpu.dma_semaphore, #tpu.memory_space<semaphore_mem>>) src(%arg5 : memref<100352x8xf32, #tpu.memory_space<hbm>>) dst(%arg19 : memref<100352x8xf32, #tpu.memory_space<vmem_shared>>)
        tpu.yield
      }) : () -> ()
    } else {
    }
    %barrier3A = arith.constant 0 : index
    tpu.barrier barrier_id(%barrier3A)
    %mul3A_3 = arith.constant 200000 : i32
    %mul3A_4 = arith.muli %add3A, %mul3A_3 : i32
    %add3A_5 = arith.constant 0 : i32
    %add3A_6 = arith.addi %mul3A_4, %add3A_5 : i32
    "tpu.region"() ({
      %run_scoped3A = tpu.sem_alloc : memref<!tpu.dma_semaphore, #tpu.memory_space<semaphore_mem>>
      %dma_start3A_40 = tpu.memref_slice %arg3[%add3A_6] : memref<6400000xi32, #tpu.memory_space<hbm>> -> memref<2000xi32, #tpu.memory_space<hbm>>
      %dma_start3A_41 = tpu.memref_slice %arg3[%add3A_6] : memref<6400000xi32, #tpu.memory_space<hbm>> -> memref<2000xi32, #tpu.memory_space<hbm>>
      tpu.enqueue_dma source(%dma_start3A_41 : memref<2000xi32, #tpu.memory_space<hbm>>) target(%arg7 : memref<2000xi32, #tpu.memory_space<vmem>>) target_semaphore(%run_scoped3A : memref<!tpu.dma_semaphore, #tpu.memory_space<semaphore_mem>>)
      %dma_wait3A = tpu.memref_slice %arg3[%add3A_6] : memref<6400000xi32, #tpu.memory_space<hbm>> -> memref<2000xi32, #tpu.memory_space<hbm>>
      %dma_wait3A_42 = tpu.memref_slice %arg3[%add3A_6] : memref<6400000xi32, #tpu.memory_space<hbm>> -> memref<2000xi32, #tpu.memory_space<hbm>>
      tpu.wait_dma2 semaphore(%run_scoped3A : memref<!tpu.dma_semaphore, #tpu.memory_space<semaphore_mem>>) src(%dma_wait3A_42 : memref<2000xi32, #tpu.memory_space<hbm>>) dst(%arg7 : memref<2000xi32, #tpu.memory_space<vmem>>)
      tpu.yield
    }) : () -> ()
    %add3A_7 = arith.constant 0 : i32
    %add3A_8 = arith.addi %mul3A_4, %add3A_7 : i32
    "tpu.region"() ({
      %run_scoped3A = tpu.sem_alloc : memref<!tpu.dma_semaphore, #tpu.memory_space<semaphore_mem>>
      %dma_start3A_40 = tpu.memref_slice %arg4[%add3A_8] : memref<6400000xi32, #tpu.memory_space<hbm>> -> memref<2000xi32, #tpu.memory_space<hbm>>
      %dma_start3A_41 = tpu.memref_slice %arg4[%add3A_8] : memref<6400000xi32, #tpu.memory_space<hbm>> -> memref<2000xi32, #tpu.memory_space<hbm>>
      tpu.enqueue_dma source(%dma_start3A_41 : memref<2000xi32, #tpu.memory_space<hbm>>) target(%arg11 : memref<2000xi32, #tpu.memory_space<vmem>>) target_semaphore(%run_scoped3A : memref<!tpu.dma_semaphore, #tpu.memory_space<semaphore_mem>>)
      %dma_wait3A = tpu.memref_slice %arg4[%add3A_8] : memref<6400000xi32, #tpu.memory_space<hbm>> -> memref<2000xi32, #tpu.memory_space<hbm>>
      %dma_wait3A_42 = tpu.memref_slice %arg4[%add3A_8] : memref<6400000xi32, #tpu.memory_space<hbm>> -> memref<2000xi32, #tpu.memory_space<hbm>>
      tpu.wait_dma2 semaphore(%run_scoped3A : memref<!tpu.dma_semaphore, #tpu.memory_space<semaphore_mem>>) src(%dma_wait3A_42 : memref<2000xi32, #tpu.memory_space<hbm>>) dst(%arg11 : memref<2000xi32, #tpu.memory_space<vmem>>)
      tpu.yield
    }) : () -> ()
    %dma_start3A = arith.constant 0 : i32
    %dma_start3A_9 = arith.constant 0 : i32
    %dma_start3A_10 = tpu.memref_slice %arg2[%dma_start3A, %dma_start3A_9] : memref<100352x8xf32, #tpu.memory_space<hbm>> -> memref<100352x8xf32, #tpu.memory_space<hbm>>
    tpu.enqueue_indirect_dma source(%dma_start3A_10 : memref<100352x8xf32, #tpu.memory_space<hbm>>) target(%arg15 : memref<2000x8xf32, #tpu.memory_space<vmem>>) offsets(%arg7 : memref<2000xi32, #tpu.memory_space<vmem>>) semaphore(%arg20 : memref<!tpu.dma_semaphore, #tpu.memory_space<semaphore_mem>>)
    %add3A_11 = arith.constant 2000 : i32
    %add3A_12 = arith.addi %mul3A_4, %add3A_11 : i32
    "tpu.region"() ({
      %run_scoped3A = tpu.sem_alloc : memref<!tpu.dma_semaphore, #tpu.memory_space<semaphore_mem>>
      %dma_start3A_40 = tpu.memref_slice %arg3[%add3A_12] : memref<6400000xi32, #tpu.memory_space<hbm>> -> memref<2000xi32, #tpu.memory_space<hbm>>
      %dma_start3A_41 = tpu.memref_slice %arg3[%add3A_12] : memref<6400000xi32, #tpu.memory_space<hbm>> -> memref<2000xi32, #tpu.memory_space<hbm>>
      tpu.enqueue_dma source(%dma_start3A_41 : memref<2000xi32, #tpu.memory_space<hbm>>) target(%arg8 : memref<2000xi32, #tpu.memory_space<vmem>>) target_semaphore(%run_scoped3A : memref<!tpu.dma_semaphore, #tpu.memory_space<semaphore_mem>>)
      %dma_wait3A = tpu.memref_slice %arg3[%add3A_12] : memref<6400000xi32, #tpu.memory_space<hbm>> -> memref<2000xi32, #tpu.memory_space<hbm>>
      %dma_wait3A_42 = tpu.memref_slice %arg3[%add3A_12] : memref<6400000xi32, #tpu.memory_space<hbm>> -> memref<2000xi32, #tpu.memory_space<hbm>>
      tpu.wait_dma2 semaphore(%run_scoped3A : memref<!tpu.dma_semaphore, #tpu.memory_space<semaphore_mem>>) src(%dma_wait3A_42 : memref<2000xi32, #tpu.memory_space<hbm>>) dst(%arg8 : memref<2000xi32, #tpu.memory_space<vmem>>)
      tpu.yield
    }) : () -> ()
    %add3A_13 = arith.constant 2000 : i32
    %add3A_14 = arith.addi %mul3A_4, %add3A_13 : i32
    "tpu.region"() ({
      %run_scoped3A = tpu.sem_alloc : memref<!tpu.dma_semaphore, #tpu.memory_space<semaphore_mem>>
      %dma_start3A_40 = tpu.memref_slice %arg4[%add3A_14] : memref<6400000xi32, #tpu.memory_space<hbm>> -> memref<2000xi32, #tpu.memory_space<hbm>>
      %dma_start3A_41 = tpu.memref_slice %arg4[%add3A_14] : memref<6400000xi32, #tpu.memory_space<hbm>> -> memref<2000xi32, #tpu.memory_space<hbm>>
      tpu.enqueue_dma source(%dma_start3A_41 : memref<2000xi32, #tpu.memory_space<hbm>>) target(%arg12 : memref<2000xi32, #tpu.memory_space<vmem>>) target_semaphore(%run_scoped3A : memref<!tpu.dma_semaphore, #tpu.memory_space<semaphore_mem>>)
      %dma_wait3A = tpu.memref_slice %arg4[%add3A_14] : memref<6400000xi32, #tpu.memory_space<hbm>> -> memref<2000xi32, #tpu.memory_space<hbm>>
      %dma_wait3A_42 = tpu.memref_slice %arg4[%add3A_14] : memref<6400000xi32, #tpu.memory_space<hbm>> -> memref<2000xi32, #tpu.memory_space<hbm>>
      tpu.wait_dma2 semaphore(%run_scoped3A : memref<!tpu.dma_semaphore, #tpu.memory_space<semaphore_mem>>) src(%dma_wait3A_42 : memref<2000xi32, #tpu.memory_space<hbm>>) dst(%arg12 : memref<2000xi32, #tpu.memory_space<vmem>>)
      tpu.yield
    }) : () -> ()
    %dma_start3A_15 = arith.constant 0 : i32
    %dma_start3A_16 = arith.constant 0 : i32
    %dma_start3A_17 = tpu.memref_slice %arg2[%dma_start3A_15, %dma_start3A_16] : memref<100352x8xf32, #tpu.memory_space<hbm>> -> memref<100352x8xf32, #tpu.memory_space<hbm>>
    tpu.enqueue_indirect_dma source(%dma_start3A_17 : memref<100352x8xf32, #tpu.memory_space<hbm>>) target(%arg16 : memref<2000x8xf32, #tpu.memory_space<vmem>>) offsets(%arg8 : memref<2000xi32, #tpu.memory_space<vmem>>) semaphore(%arg21 : memref<!tpu.dma_semaphore, #tpu.memory_space<semaphore_mem>>)
    %add3A_18 = arith.constant 4000 : i32
    %add3A_19 = arith.addi %mul3A_4, %add3A_18 : i32
    "tpu.region"() ({
      %run_scoped3A = tpu.sem_alloc : memref<!tpu.dma_semaphore, #tpu.memory_space<semaphore_mem>>
      %dma_start3A_40 = tpu.memref_slice %arg3[%add3A_19] : memref<6400000xi32, #tpu.memory_space<hbm>> -> memref<2000xi32, #tpu.memory_space<hbm>>
      %dma_start3A_41 = tpu.memref_slice %arg3[%add3A_19] : memref<6400000xi32, #tpu.memory_space<hbm>> -> memref<2000xi32, #tpu.memory_space<hbm>>
      tpu.enqueue_dma source(%dma_start3A_41 : memref<2000xi32, #tpu.memory_space<hbm>>) target(%arg9 : memref<2000xi32, #tpu.memory_space<vmem>>) target_semaphore(%run_scoped3A : memref<!tpu.dma_semaphore, #tpu.memory_space<semaphore_mem>>)
      %dma_wait3A = tpu.memref_slice %arg3[%add3A_19] : memref<6400000xi32, #tpu.memory_space<hbm>> -> memref<2000xi32, #tpu.memory_space<hbm>>
      %dma_wait3A_42 = tpu.memref_slice %arg3[%add3A_19] : memref<6400000xi32, #tpu.memory_space<hbm>> -> memref<2000xi32, #tpu.memory_space<hbm>>
      tpu.wait_dma2 semaphore(%run_scoped3A : memref<!tpu.dma_semaphore, #tpu.memory_space<semaphore_mem>>) src(%dma_wait3A_42 : memref<2000xi32, #tpu.memory_space<hbm>>) dst(%arg9 : memref<2000xi32, #tpu.memory_space<vmem>>)
      tpu.yield
    }) : () -> ()
    %add3A_20 = arith.constant 4000 : i32
    %add3A_21 = arith.addi %mul3A_4, %add3A_20 : i32
    "tpu.region"() ({
      %run_scoped3A = tpu.sem_alloc : memref<!tpu.dma_semaphore, #tpu.memory_space<semaphore_mem>>
      %dma_start3A_40 = tpu.memref_slice %arg4[%add3A_21] : memref<6400000xi32, #tpu.memory_space<hbm>> -> memref<2000xi32, #tpu.memory_space<hbm>>
      %dma_start3A_41 = tpu.memref_slice %arg4[%add3A_21] : memref<6400000xi32, #tpu.memory_space<hbm>> -> memref<2000xi32, #tpu.memory_space<hbm>>
      tpu.enqueue_dma source(%dma_start3A_41 : memref<2000xi32, #tpu.memory_space<hbm>>) target(%arg13 : memref<2000xi32, #tpu.memory_space<vmem>>) target_semaphore(%run_scoped3A : memref<!tpu.dma_semaphore, #tpu.memory_space<semaphore_mem>>)
      %dma_wait3A = tpu.memref_slice %arg4[%add3A_21] : memref<6400000xi32, #tpu.memory_space<hbm>> -> memref<2000xi32, #tpu.memory_space<hbm>>
      %dma_wait3A_42 = tpu.memref_slice %arg4[%add3A_21] : memref<6400000xi32, #tpu.memory_space<hbm>> -> memref<2000xi32, #tpu.memory_space<hbm>>
      tpu.wait_dma2 semaphore(%run_scoped3A : memref<!tpu.dma_semaphore, #tpu.memory_space<semaphore_mem>>) src(%dma_wait3A_42 : memref<2000xi32, #tpu.memory_space<hbm>>) dst(%arg13 : memref<2000xi32, #tpu.memory_space<vmem>>)
      tpu.yield
    }) : () -> ()
    %dma_start3A_22 = arith.constant 0 : i32
    %dma_start3A_23 = arith.constant 0 : i32
    %dma_start3A_24 = tpu.memref_slice %arg2[%dma_start3A_22, %dma_start3A_23] : memref<100352x8xf32, #tpu.memory_space<hbm>> -> memref<100352x8xf32, #tpu.memory_space<hbm>>
    tpu.enqueue_indirect_dma source(%dma_start3A_24 : memref<100352x8xf32, #tpu.memory_space<hbm>>) target(%arg17 : memref<2000x8xf32, #tpu.memory_space<vmem>>) offsets(%arg9 : memref<2000xi32, #tpu.memory_space<vmem>>) semaphore(%arg22 : memref<!tpu.dma_semaphore, #tpu.memory_space<semaphore_mem>>)
    %add3A_25 = arith.constant 6000 : i32
    %add3A_26 = arith.addi %mul3A_4, %add3A_25 : i32
    "tpu.region"() ({
      %run_scoped3A = tpu.sem_alloc : memref<!tpu.dma_semaphore, #tpu.memory_space<semaphore_mem>>
      %dma_start3A_40 = tpu.memref_slice %arg3[%add3A_26] : memref<6400000xi32, #tpu.memory_space<hbm>> -> memref<2000xi32, #tpu.memory_space<hbm>>
      %dma_start3A_41 = tpu.memref_slice %arg3[%add3A_26] : memref<6400000xi32, #tpu.memory_space<hbm>> -> memref<2000xi32, #tpu.memory_space<hbm>>
      tpu.enqueue_dma source(%dma_start3A_41 : memref<2000xi32, #tpu.memory_space<hbm>>) target(%arg10 : memref<2000xi32, #tpu.memory_space<vmem>>) target_semaphore(%run_scoped3A : memref<!tpu.dma_semaphore, #tpu.memory_space<semaphore_mem>>)
      %dma_wait3A = tpu.memref_slice %arg3[%add3A_26] : memref<6400000xi32, #tpu.memory_space<hbm>> -> memref<2000xi32, #tpu.memory_space<hbm>>
      %dma_wait3A_42 = tpu.memref_slice %arg3[%add3A_26] : memref<6400000xi32, #tpu.memory_space<hbm>> -> memref<2000xi32, #tpu.memory_space<hbm>>
      tpu.wait_dma2 semaphore(%run_scoped3A : memref<!tpu.dma_semaphore, #tpu.memory_space<semaphore_mem>>) src(%dma_wait3A_42 : memref<2000xi32, #tpu.memory_space<hbm>>) dst(%arg10 : memref<2000xi32, #tpu.memory_space<vmem>>)
      tpu.yield
    }) : () -> ()
    %add3A_27 = arith.constant 6000 : i32
    %add3A_28 = arith.addi %mul3A_4, %add3A_27 : i32
    "tpu.region"() ({
      %run_scoped3A = tpu.sem_alloc : memref<!tpu.dma_semaphore, #tpu.memory_space<semaphore_mem>>
      %dma_start3A_40 = tpu.memref_slice %arg4[%add3A_28] : memref<6400000xi32, #tpu.memory_space<hbm>> -> memref<2000xi32, #tpu.memory_space<hbm>>
      %dma_start3A_41 = tpu.memref_slice %arg4[%add3A_28] : memref<6400000xi32, #tpu.memory_space<hbm>> -> memref<2000xi32, #tpu.memory_space<hbm>>
      tpu.enqueue_dma source(%dma_start3A_41 : memref<2000xi32, #tpu.memory_space<hbm>>) target(%arg14 : memref<2000xi32, #tpu.memory_space<vmem>>) target_semaphore(%run_scoped3A : memref<!tpu.dma_semaphore, #tpu.memory_space<semaphore_mem>>)
      %dma_wait3A = tpu.memref_slice %arg4[%add3A_28] : memref<6400000xi32, #tpu.memory_space<hbm>> -> memref<2000xi32, #tpu.memory_space<hbm>>
      %dma_wait3A_42 = tpu.memref_slice %arg4[%add3A_28] : memref<6400000xi32, #tpu.memory_space<hbm>> -> memref<2000xi32, #tpu.memory_space<hbm>>
      tpu.wait_dma2 semaphore(%run_scoped3A : memref<!tpu.dma_semaphore, #tpu.memory_space<semaphore_mem>>) src(%dma_wait3A_42 : memref<2000xi32, #tpu.memory_space<hbm>>) dst(%arg14 : memref<2000xi32, #tpu.memory_space<vmem>>)
      tpu.yield
    }) : () -> ()
    %dma_start3A_29 = arith.constant 0 : i32
    %dma_start3A_30 = arith.constant 0 : i32
    %dma_start3A_31 = tpu.memref_slice %arg2[%dma_start3A_29, %dma_start3A_30] : memref<100352x8xf32, #tpu.memory_space<hbm>> -> memref<100352x8xf32, #tpu.memory_space<hbm>>
    tpu.enqueue_indirect_dma source(%dma_start3A_31 : memref<100352x8xf32, #tpu.memory_space<hbm>>) target(%arg18 : memref<2000x8xf32, #tpu.memory_space<vmem>>) offsets(%arg10 : memref<2000xi32, #tpu.memory_space<vmem>>) semaphore(%arg23 : memref<!tpu.dma_semaphore, #tpu.memory_space<semaphore_mem>>)
    %scan3A = arith.constant 0 : i32
    %scan3A_32 = arith.constant 0 : i32
    %scan3A_33 = arith.constant 25 : i32
    %scan3A_34 = arith.addi %scan3A_32, %scan3A_33 : i32
    %scan3A_35 = arith.constant 1 : i32
    scf.for %scan3A_40 = %scan3A_32 to %scan3A_34 step %scan3A_35  : i32 {
      %dma_wait3A = arith.constant 0 : i32
      %dma_wait3A_41 = arith.constant 0 : i32
      %dma_wait3A_42 = tpu.memref_slice %arg2[%dma_wait3A, %dma_wait3A_41] : memref<100352x8xf32, #tpu.memory_space<hbm>> -> memref<100352x8xf32, #tpu.memory_space<hbm>>
      tpu.wait_indirect_dma semaphore(%arg20 : memref<!tpu.dma_semaphore, #tpu.memory_space<semaphore_mem>>) src(%dma_wait3A_42 : memref<100352x8xf32, #tpu.memory_space<hbm>>) dst(%arg15 : memref<2000x8xf32, #tpu.memory_space<vmem>>)
      "tpu.region"() ({
        %run_scoped3A = tpu.sem_alloc : memref<!tpu.dma_semaphore, #tpu.memory_space<semaphore_mem>>
        %dma_start3A_71 = arith.constant 0 : i32
        %dma_start3A_72 = arith.constant 0 : i32
        %dma_start3A_73 = tpu.memref_slice %arg19[%dma_start3A_71, %dma_start3A_72] : memref<100352x8xf32, #tpu.memory_space<vmem_shared>> -> memref<100352x8xf32, #tpu.memory_space<vmem_shared>>
        tpu.enqueue_indirect_dma source(%arg15 : memref<2000x8xf32, #tpu.memory_space<vmem>>) target(%dma_start3A_73 : memref<100352x8xf32, #tpu.memory_space<vmem_shared>>) offsets(%arg11 : memref<2000xi32, #tpu.memory_space<vmem>>) semaphore(%run_scoped3A : memref<!tpu.dma_semaphore, #tpu.memory_space<semaphore_mem>>) {add = true}
        %dma_wait3A_74 = arith.constant 0 : i32
        %dma_wait3A_75 = arith.constant 0 : i32
        %dma_wait3A_76 = tpu.memref_slice %arg19[%dma_wait3A_74, %dma_wait3A_75] : memref<100352x8xf32, #tpu.memory_space<vmem_shared>> -> memref<100352x8xf32, #tpu.memory_space<vmem_shared>>
        tpu.wait_indirect_dma semaphore(%run_scoped3A : memref<!tpu.dma_semaphore, #tpu.memory_space<semaphore_mem>>) src(%arg15 : memref<2000x8xf32, #tpu.memory_space<vmem>>) dst(%dma_wait3A_76 : memref<100352x8xf32, #tpu.memory_space<vmem_shared>>)
        tpu.yield
      }) : () -> ()
      %lt3A = arith.constant 24 : i32
      %lt3A_43 = arith.cmpi slt, %scan3A_40, %lt3A : i32
      %convert_element_type3A_44 = arith.extui %lt3A_43 : i1 to i32
      %cond3A_45 = arith.constant 0 : i32
      %cond3A_46 = arith.cmpi ne, %convert_element_type3A_44, %cond3A_45 : i32
      scf.if %cond3A_46 {
        %mul3A_71 = arith.constant 4 : i32
        %mul3A_72 = arith.muli %mul3A_71, %scan3A_40 : i32
        %add3A_73 = arith.constant 0 : i32
        %add3A_74 = arith.addi %mul3A_72, %add3A_73 : i32
        %add3A_75 = arith.constant 4 : i32
        %add3A_76 = arith.addi %add3A_74, %add3A_75 : i32
        %mul3A_77 = arith.constant 2000 : i32
        %mul3A_78 = arith.muli %add3A_76, %mul3A_77 : i32
        %add3A_79 = arith.addi %mul3A_4, %mul3A_78 : i32
        "tpu.region"() ({
          %run_scoped3A = tpu.sem_alloc : memref<!tpu.dma_semaphore, #tpu.memory_space<semaphore_mem>>
          %dma_start3A_83 = tpu.memref_slice %arg3[%add3A_79] : memref<6400000xi32, #tpu.memory_space<hbm>> -> memref<2000xi32, #tpu.memory_space<hbm>>
          %dma_start3A_84 = tpu.memref_slice %arg3[%add3A_79] : memref<6400000xi32, #tpu.memory_space<hbm>> -> memref<2000xi32, #tpu.memory_space<hbm>>
          tpu.enqueue_dma source(%dma_start3A_84 : memref<2000xi32, #tpu.memory_space<hbm>>) target(%arg7 : memref<2000xi32, #tpu.memory_space<vmem>>) target_semaphore(%run_scoped3A : memref<!tpu.dma_semaphore, #tpu.memory_space<semaphore_mem>>)
          %dma_wait3A_85 = tpu.memref_slice %arg3[%add3A_79] : memref<6400000xi32, #tpu.memory_space<hbm>> -> memref<2000xi32, #tpu.memory_space<hbm>>
          %dma_wait3A_86 = tpu.memref_slice %arg3[%add3A_79] : memref<6400000xi32, #tpu.memory_space<hbm>> -> memref<2000xi32, #tpu.memory_space<hbm>>
          tpu.wait_dma2 semaphore(%run_scoped3A : memref<!tpu.dma_semaphore, #tpu.memory_space<semaphore_mem>>) src(%dma_wait3A_86 : memref<2000xi32, #tpu.memory_space<hbm>>) dst(%arg7 : memref<2000xi32, #tpu.memory_space<vmem>>)
          tpu.yield
        }) : () -> ()
        "tpu.region"() ({
          %run_scoped3A = tpu.sem_alloc : memref<!tpu.dma_semaphore, #tpu.memory_space<semaphore_mem>>
          %dma_start3A_83 = tpu.memref_slice %arg4[%add3A_79] : memref<6400000xi32, #tpu.memory_space<hbm>> -> memref<2000xi32, #tpu.memory_space<hbm>>
          %dma_start3A_84 = tpu.memref_slice %arg4[%add3A_79] : memref<6400000xi32, #tpu.memory_space<hbm>> -> memref<2000xi32, #tpu.memory_space<hbm>>
          tpu.enqueue_dma source(%dma_start3A_84 : memref<2000xi32, #tpu.memory_space<hbm>>) target(%arg11 : memref<2000xi32, #tpu.memory_space<vmem>>) target_semaphore(%run_scoped3A : memref<!tpu.dma_semaphore, #tpu.memory_space<semaphore_mem>>)
          %dma_wait3A_85 = tpu.memref_slice %arg4[%add3A_79] : memref<6400000xi32, #tpu.memory_space<hbm>> -> memref<2000xi32, #tpu.memory_space<hbm>>
          %dma_wait3A_86 = tpu.memref_slice %arg4[%add3A_79] : memref<6400000xi32, #tpu.memory_space<hbm>> -> memref<2000xi32, #tpu.memory_space<hbm>>
          tpu.wait_dma2 semaphore(%run_scoped3A : memref<!tpu.dma_semaphore, #tpu.memory_space<semaphore_mem>>) src(%dma_wait3A_86 : memref<2000xi32, #tpu.memory_space<hbm>>) dst(%arg11 : memref<2000xi32, #tpu.memory_space<vmem>>)
          tpu.yield
        }) : () -> ()
        %dma_start3A_80 = arith.constant 0 : i32
        %dma_start3A_81 = arith.constant 0 : i32
        %dma_start3A_82 = tpu.memref_slice %arg2[%dma_start3A_80, %dma_start3A_81] : memref<100352x8xf32, #tpu.memory_space<hbm>> -> memref<100352x8xf32, #tpu.memory_space<hbm>>
        tpu.enqueue_indirect_dma source(%dma_start3A_82 : memref<100352x8xf32, #tpu.memory_space<hbm>>) target(%arg15 : memref<2000x8xf32, #tpu.memory_space<vmem>>) offsets(%arg7 : memref<2000xi32, #tpu.memory_space<vmem>>) semaphore(%arg20 : memref<!tpu.dma_semaphore, #tpu.memory_space<semaphore_mem>>)
      } else {
      }
      %dma_wait3A_47 = arith.constant 0 : i32
      %dma_wait3A_48 = arith.constant 0 : i32
      %dma_wait3A_49 = tpu.memref_slice %arg2[%dma_wait3A_47, %dma_wait3A_48] : memref<100352x8xf32, #tpu.memory_space<hbm>> -> memref<100352x8xf32, #tpu.memory_space<hbm>>
      tpu.wait_indirect_dma semaphore(%arg21 : memref<!tpu.dma_semaphore, #tpu.memory_space<semaphore_mem>>) src(%dma_wait3A_49 : memref<100352x8xf32, #tpu.memory_space<hbm>>) dst(%arg16 : memref<2000x8xf32, #tpu.memory_space<vmem>>)
      "tpu.region"() ({
        %run_scoped3A = tpu.sem_alloc : memref<!tpu.dma_semaphore, #tpu.memory_space<semaphore_mem>>
        %dma_start3A_71 = arith.constant 0 : i32
        %dma_start3A_72 = arith.constant 0 : i32
        %dma_start3A_73 = tpu.memref_slice %arg19[%dma_start3A_71, %dma_start3A_72] : memref<100352x8xf32, #tpu.memory_space<vmem_shared>> -> memref<100352x8xf32, #tpu.memory_space<vmem_shared>>
        tpu.enqueue_indirect_dma source(%arg16 : memref<2000x8xf32, #tpu.memory_space<vmem>>) target(%dma_start3A_73 : memref<100352x8xf32, #tpu.memory_space<vmem_shared>>) offsets(%arg12 : memref<2000xi32, #tpu.memory_space<vmem>>) semaphore(%run_scoped3A : memref<!tpu.dma_semaphore, #tpu.memory_space<semaphore_mem>>) {add = true}
        %dma_wait3A_74 = arith.constant 0 : i32
        %dma_wait3A_75 = arith.constant 0 : i32
        %dma_wait3A_76 = tpu.memref_slice %arg19[%dma_wait3A_74, %dma_wait3A_75] : memref<100352x8xf32, #tpu.memory_space<vmem_shared>> -> memref<100352x8xf32, #tpu.memory_space<vmem_shared>>
        tpu.wait_indirect_dma semaphore(%run_scoped3A : memref<!tpu.dma_semaphore, #tpu.memory_space<semaphore_mem>>) src(%arg16 : memref<2000x8xf32, #tpu.memory_space<vmem>>) dst(%dma_wait3A_76 : memref<100352x8xf32, #tpu.memory_space<vmem_shared>>)
        tpu.yield
      }) : () -> ()
      %lt3A_50 = arith.constant 24 : i32
      %lt3A_51 = arith.cmpi slt, %scan3A_40, %lt3A_50 : i32
      %convert_element_type3A_52 = arith.extui %lt3A_51 : i1 to i32
      %cond3A_53 = arith.constant 0 : i32
      %cond3A_54 = arith.cmpi ne, %convert_element_type3A_52, %cond3A_53 : i32
      scf.if %cond3A_54 {
        %mul3A_71 = arith.constant 4 : i32
        %mul3A_72 = arith.muli %mul3A_71, %scan3A_40 : i32
        %add3A_73 = arith.constant 1 : i32
        %add3A_74 = arith.addi %mul3A_72, %add3A_73 : i32
        %add3A_75 = arith.constant 4 : i32
        %add3A_76 = arith.addi %add3A_74, %add3A_75 : i32
        %mul3A_77 = arith.constant 2000 : i32
        %mul3A_78 = arith.muli %add3A_76, %mul3A_77 : i32
        %add3A_79 = arith.addi %mul3A_4, %mul3A_78 : i32
        "tpu.region"() ({
          %run_scoped3A = tpu.sem_alloc : memref<!tpu.dma_semaphore, #tpu.memory_space<semaphore_mem>>
          %dma_start3A_83 = tpu.memref_slice %arg3[%add3A_79] : memref<6400000xi32, #tpu.memory_space<hbm>> -> memref<2000xi32, #tpu.memory_space<hbm>>
          %dma_start3A_84 = tpu.memref_slice %arg3[%add3A_79] : memref<6400000xi32, #tpu.memory_space<hbm>> -> memref<2000xi32, #tpu.memory_space<hbm>>
          tpu.enqueue_dma source(%dma_start3A_84 : memref<2000xi32, #tpu.memory_space<hbm>>) target(%arg8 : memref<2000xi32, #tpu.memory_space<vmem>>) target_semaphore(%run_scoped3A : memref<!tpu.dma_semaphore, #tpu.memory_space<semaphore_mem>>)
          %dma_wait3A_85 = tpu.memref_slice %arg3[%add3A_79] : memref<6400000xi32, #tpu.memory_space<hbm>> -> memref<2000xi32, #tpu.memory_space<hbm>>
          %dma_wait3A_86 = tpu.memref_slice %arg3[%add3A_79] : memref<6400000xi32, #tpu.memory_space<hbm>> -> memref<2000xi32, #tpu.memory_space<hbm>>
          tpu.wait_dma2 semaphore(%run_scoped3A : memref<!tpu.dma_semaphore, #tpu.memory_space<semaphore_mem>>) src(%dma_wait3A_86 : memref<2000xi32, #tpu.memory_space<hbm>>) dst(%arg8 : memref<2000xi32, #tpu.memory_space<vmem>>)
          tpu.yield
        }) : () -> ()
        "tpu.region"() ({
          %run_scoped3A = tpu.sem_alloc : memref<!tpu.dma_semaphore, #tpu.memory_space<semaphore_mem>>
          %dma_start3A_83 = tpu.memref_slice %arg4[%add3A_79] : memref<6400000xi32, #tpu.memory_space<hbm>> -> memref<2000xi32, #tpu.memory_space<hbm>>
          %dma_start3A_84 = tpu.memref_slice %arg4[%add3A_79] : memref<6400000xi32, #tpu.memory_space<hbm>> -> memref<2000xi32, #tpu.memory_space<hbm>>
          tpu.enqueue_dma source(%dma_start3A_84 : memref<2000xi32, #tpu.memory_space<hbm>>) target(%arg12 : memref<2000xi32, #tpu.memory_space<vmem>>) target_semaphore(%run_scoped3A : memref<!tpu.dma_semaphore, #tpu.memory_space<semaphore_mem>>)
          %dma_wait3A_85 = tpu.memref_slice %arg4[%add3A_79] : memref<6400000xi32, #tpu.memory_space<hbm>> -> memref<2000xi32, #tpu.memory_space<hbm>>
          %dma_wait3A_86 = tpu.memref_slice %arg4[%add3A_79] : memref<6400000xi32, #tpu.memory_space<hbm>> -> memref<2000xi32, #tpu.memory_space<hbm>>
          tpu.wait_dma2 semaphore(%run_scoped3A : memref<!tpu.dma_semaphore, #tpu.memory_space<semaphore_mem>>) src(%dma_wait3A_86 : memref<2000xi32, #tpu.memory_space<hbm>>) dst(%arg12 : memref<2000xi32, #tpu.memory_space<vmem>>)
          tpu.yield
        }) : () -> ()
        %dma_start3A_80 = arith.constant 0 : i32
        %dma_start3A_81 = arith.constant 0 : i32
        %dma_start3A_82 = tpu.memref_slice %arg2[%dma_start3A_80, %dma_start3A_81] : memref<100352x8xf32, #tpu.memory_space<hbm>> -> memref<100352x8xf32, #tpu.memory_space<hbm>>
        tpu.enqueue_indirect_dma source(%dma_start3A_82 : memref<100352x8xf32, #tpu.memory_space<hbm>>) target(%arg16 : memref<2000x8xf32, #tpu.memory_space<vmem>>) offsets(%arg8 : memref<2000xi32, #tpu.memory_space<vmem>>) semaphore(%arg21 : memref<!tpu.dma_semaphore, #tpu.memory_space<semaphore_mem>>)
      } else {
      }
      %dma_wait3A_55 = arith.constant 0 : i32
      %dma_wait3A_56 = arith.constant 0 : i32
      %dma_wait3A_57 = tpu.memref_slice %arg2[%dma_wait3A_55, %dma_wait3A_56] : memref<100352x8xf32, #tpu.memory_space<hbm>> -> memref<100352x8xf32, #tpu.memory_space<hbm>>
      tpu.wait_indirect_dma semaphore(%arg22 : memref<!tpu.dma_semaphore, #tpu.memory_space<semaphore_mem>>) src(%dma_wait3A_57 : memref<100352x8xf32, #tpu.memory_space<hbm>>) dst(%arg17 : memref<2000x8xf32, #tpu.memory_space<vmem>>)
      "tpu.region"() ({
        %run_scoped3A = tpu.sem_alloc : memref<!tpu.dma_semaphore, #tpu.memory_space<semaphore_mem>>
        %dma_start3A_71 = arith.constant 0 : i32
        %dma_start3A_72 = arith.constant 0 : i32
        %dma_start3A_73 = tpu.memref_slice %arg19[%dma_start3A_71, %dma_start3A_72] : memref<100352x8xf32, #tpu.memory_space<vmem_shared>> -> memref<100352x8xf32, #tpu.memory_space<vmem_shared>>
        tpu.enqueue_indirect_dma source(%arg17 : memref<2000x8xf32, #tpu.memory_space<vmem>>) target(%dma_start3A_73 : memref<100352x8xf32, #tpu.memory_space<vmem_shared>>) offsets(%arg13 : memref<2000xi32, #tpu.memory_space<vmem>>) semaphore(%run_scoped3A : memref<!tpu.dma_semaphore, #tpu.memory_space<semaphore_mem>>) {add = true}
        %dma_wait3A_74 = arith.constant 0 : i32
        %dma_wait3A_75 = arith.constant 0 : i32
        %dma_wait3A_76 = tpu.memref_slice %arg19[%dma_wait3A_74, %dma_wait3A_75] : memref<100352x8xf32, #tpu.memory_space<vmem_shared>> -> memref<100352x8xf32, #tpu.memory_space<vmem_shared>>
        tpu.wait_indirect_dma semaphore(%run_scoped3A : memref<!tpu.dma_semaphore, #tpu.memory_space<semaphore_mem>>) src(%arg17 : memref<2000x8xf32, #tpu.memory_space<vmem>>) dst(%dma_wait3A_76 : memref<100352x8xf32, #tpu.memory_space<vmem_shared>>)
        tpu.yield
      }) : () -> ()
      %lt3A_58 = arith.constant 24 : i32
      %lt3A_59 = arith.cmpi slt, %scan3A_40, %lt3A_58 : i32
      %convert_element_type3A_60 = arith.extui %lt3A_59 : i1 to i32
      %cond3A_61 = arith.constant 0 : i32
      %cond3A_62 = arith.cmpi ne, %convert_element_type3A_60, %cond3A_61 : i32
      scf.if %cond3A_62 {
        %mul3A_71 = arith.constant 4 : i32
        %mul3A_72 = arith.muli %mul3A_71, %scan3A_40 : i32
        %add3A_73 = arith.constant 2 : i32
        %add3A_74 = arith.addi %mul3A_72, %add3A_73 : i32
        %add3A_75 = arith.constant 4 : i32
        %add3A_76 = arith.addi %add3A_74, %add3A_75 : i32
        %mul3A_77 = arith.constant 2000 : i32
        %mul3A_78 = arith.muli %add3A_76, %mul3A_77 : i32
        %add3A_79 = arith.addi %mul3A_4, %mul3A_78 : i32
        "tpu.region"() ({
          %run_scoped3A = tpu.sem_alloc : memref<!tpu.dma_semaphore, #tpu.memory_space<semaphore_mem>>
          %dma_start3A_83 = tpu.memref_slice %arg3[%add3A_79] : memref<6400000xi32, #tpu.memory_space<hbm>> -> memref<2000xi32, #tpu.memory_space<hbm>>
          %dma_start3A_84 = tpu.memref_slice %arg3[%add3A_79] : memref<6400000xi32, #tpu.memory_space<hbm>> -> memref<2000xi32, #tpu.memory_space<hbm>>
          tpu.enqueue_dma source(%dma_start3A_84 : memref<2000xi32, #tpu.memory_space<hbm>>) target(%arg9 : memref<2000xi32, #tpu.memory_space<vmem>>) target_semaphore(%run_scoped3A : memref<!tpu.dma_semaphore, #tpu.memory_space<semaphore_mem>>)
          %dma_wait3A_85 = tpu.memref_slice %arg3[%add3A_79] : memref<6400000xi32, #tpu.memory_space<hbm>> -> memref<2000xi32, #tpu.memory_space<hbm>>
          %dma_wait3A_86 = tpu.memref_slice %arg3[%add3A_79] : memref<6400000xi32, #tpu.memory_space<hbm>> -> memref<2000xi32, #tpu.memory_space<hbm>>
          tpu.wait_dma2 semaphore(%run_scoped3A : memref<!tpu.dma_semaphore, #tpu.memory_space<semaphore_mem>>) src(%dma_wait3A_86 : memref<2000xi32, #tpu.memory_space<hbm>>) dst(%arg9 : memref<2000xi32, #tpu.memory_space<vmem>>)
          tpu.yield
        }) : () -> ()
        "tpu.region"() ({
          %run_scoped3A = tpu.sem_alloc : memref<!tpu.dma_semaphore, #tpu.memory_space<semaphore_mem>>
          %dma_start3A_83 = tpu.memref_slice %arg4[%add3A_79] : memref<6400000xi32, #tpu.memory_space<hbm>> -> memref<2000xi32, #tpu.memory_space<hbm>>
          %dma_start3A_84 = tpu.memref_slice %arg4[%add3A_79] : memref<6400000xi32, #tpu.memory_space<hbm>> -> memref<2000xi32, #tpu.memory_space<hbm>>
          tpu.enqueue_dma source(%dma_start3A_84 : memref<2000xi32, #tpu.memory_space<hbm>>) target(%arg13 : memref<2000xi32, #tpu.memory_space<vmem>>) target_semaphore(%run_scoped3A : memref<!tpu.dma_semaphore, #tpu.memory_space<semaphore_mem>>)
          %dma_wait3A_85 = tpu.memref_slice %arg4[%add3A_79] : memref<6400000xi32, #tpu.memory_space<hbm>> -> memref<2000xi32, #tpu.memory_space<hbm>>
          %dma_wait3A_86 = tpu.memref_slice %arg4[%add3A_79] : memref<6400000xi32, #tpu.memory_space<hbm>> -> memref<2000xi32, #tpu.memory_space<hbm>>
          tpu.wait_dma2 semaphore(%run_scoped3A : memref<!tpu.dma_semaphore, #tpu.memory_space<semaphore_mem>>) src(%dma_wait3A_86 : memref<2000xi32, #tpu.memory_space<hbm>>) dst(%arg13 : memref<2000xi32, #tpu.memory_space<vmem>>)
          tpu.yield
        }) : () -> ()
        %dma_start3A_80 = arith.constant 0 : i32
        %dma_start3A_81 = arith.constant 0 : i32
        %dma_start3A_82 = tpu.memref_slice %arg2[%dma_start3A_80, %dma_start3A_81] : memref<100352x8xf32, #tpu.memory_space<hbm>> -> memref<100352x8xf32, #tpu.memory_space<hbm>>
        tpu.enqueue_indirect_dma source(%dma_start3A_82 : memref<100352x8xf32, #tpu.memory_space<hbm>>) target(%arg17 : memref<2000x8xf32, #tpu.memory_space<vmem>>) offsets(%arg9 : memref<2000xi32, #tpu.memory_space<vmem>>) semaphore(%arg22 : memref<!tpu.dma_semaphore, #tpu.memory_space<semaphore_mem>>)
      } else {
      }
      %dma_wait3A_63 = arith.constant 0 : i32
      %dma_wait3A_64 = arith.constant 0 : i32
      %dma_wait3A_65 = tpu.memref_slice %arg2[%dma_wait3A_63, %dma_wait3A_64] : memref<100352x8xf32, #tpu.memory_space<hbm>> -> memref<100352x8xf32, #tpu.memory_space<hbm>>
      tpu.wait_indirect_dma semaphore(%arg23 : memref<!tpu.dma_semaphore, #tpu.memory_space<semaphore_mem>>) src(%dma_wait3A_65 : memref<100352x8xf32, #tpu.memory_space<hbm>>) dst(%arg18 : memref<2000x8xf32, #tpu.memory_space<vmem>>)
      "tpu.region"() ({
        %run_scoped3A = tpu.sem_alloc : memref<!tpu.dma_semaphore, #tpu.memory_space<semaphore_mem>>
        %dma_start3A_71 = arith.constant 0 : i32
        %dma_start3A_72 = arith.constant 0 : i32
        %dma_start3A_73 = tpu.memref_slice %arg19[%dma_start3A_71, %dma_start3A_72] : memref<100352x8xf32, #tpu.memory_space<vmem_shared>> -> memref<100352x8xf32, #tpu.memory_space<vmem_shared>>
        tpu.enqueue_indirect_dma source(%arg18 : memref<2000x8xf32, #tpu.memory_space<vmem>>) target(%dma_start3A_73 : memref<100352x8xf32, #tpu.memory_space<vmem_shared>>) offsets(%arg14 : memref<2000xi32, #tpu.memory_space<vmem>>) semaphore(%run_scoped3A : memref<!tpu.dma_semaphore, #tpu.memory_space<semaphore_mem>>) {add = true}
        %dma_wait3A_74 = arith.constant 0 : i32
        %dma_wait3A_75 = arith.constant 0 : i32
        %dma_wait3A_76 = tpu.memref_slice %arg19[%dma_wait3A_74, %dma_wait3A_75] : memref<100352x8xf32, #tpu.memory_space<vmem_shared>> -> memref<100352x8xf32, #tpu.memory_space<vmem_shared>>
        tpu.wait_indirect_dma semaphore(%run_scoped3A : memref<!tpu.dma_semaphore, #tpu.memory_space<semaphore_mem>>) src(%arg18 : memref<2000x8xf32, #tpu.memory_space<vmem>>) dst(%dma_wait3A_76 : memref<100352x8xf32, #tpu.memory_space<vmem_shared>>)
        tpu.yield
      }) : () -> ()
      %lt3A_66 = arith.constant 24 : i32
      %lt3A_67 = arith.cmpi slt, %scan3A_40, %lt3A_66 : i32
      %convert_element_type3A_68 = arith.extui %lt3A_67 : i1 to i32
      %cond3A_69 = arith.constant 0 : i32
      %cond3A_70 = arith.cmpi ne, %convert_element_type3A_68, %cond3A_69 : i32
      scf.if %cond3A_70 {
        %mul3A_71 = arith.constant 4 : i32
        %mul3A_72 = arith.muli %mul3A_71, %scan3A_40 : i32
        %add3A_73 = arith.constant 3 : i32
        %add3A_74 = arith.addi %mul3A_72, %add3A_73 : i32
        %add3A_75 = arith.constant 4 : i32
        %add3A_76 = arith.addi %add3A_74, %add3A_75 : i32
        %mul3A_77 = arith.constant 2000 : i32
        %mul3A_78 = arith.muli %add3A_76, %mul3A_77 : i32
        %add3A_79 = arith.addi %mul3A_4, %mul3A_78 : i32
        "tpu.region"() ({
          %run_scoped3A = tpu.sem_alloc : memref<!tpu.dma_semaphore, #tpu.memory_space<semaphore_mem>>
          %dma_start3A_83 = tpu.memref_slice %arg3[%add3A_79] : memref<6400000xi32, #tpu.memory_space<hbm>> -> memref<2000xi32, #tpu.memory_space<hbm>>
          %dma_start3A_84 = tpu.memref_slice %arg3[%add3A_79] : memref<6400000xi32, #tpu.memory_space<hbm>> -> memref<2000xi32, #tpu.memory_space<hbm>>
          tpu.enqueue_dma source(%dma_start3A_84 : memref<2000xi32, #tpu.memory_space<hbm>>) target(%arg10 : memref<2000xi32, #tpu.memory_space<vmem>>) target_semaphore(%run_scoped3A : memref<!tpu.dma_semaphore, #tpu.memory_space<semaphore_mem>>)
          %dma_wait3A_85 = tpu.memref_slice %arg3[%add3A_79] : memref<6400000xi32, #tpu.memory_space<hbm>> -> memref<2000xi32, #tpu.memory_space<hbm>>
          %dma_wait3A_86 = tpu.memref_slice %arg3[%add3A_79] : memref<6400000xi32, #tpu.memory_space<hbm>> -> memref<2000xi32, #tpu.memory_space<hbm>>
          tpu.wait_dma2 semaphore(%run_scoped3A : memref<!tpu.dma_semaphore, #tpu.memory_space<semaphore_mem>>) src(%dma_wait3A_86 : memref<2000xi32, #tpu.memory_space<hbm>>) dst(%arg10 : memref<2000xi32, #tpu.memory_space<vmem>>)
          tpu.yield
        }) : () -> ()
        "tpu.region"() ({
          %run_scoped3A = tpu.sem_alloc : memref<!tpu.dma_semaphore, #tpu.memory_space<semaphore_mem>>
          %dma_start3A_83 = tpu.memref_slice %arg4[%add3A_79] : memref<6400000xi32, #tpu.memory_space<hbm>> -> memref<2000xi32, #tpu.memory_space<hbm>>
          %dma_start3A_84 = tpu.memref_slice %arg4[%add3A_79] : memref<6400000xi32, #tpu.memory_space<hbm>> -> memref<2000xi32, #tpu.memory_space<hbm>>
          tpu.enqueue_dma source(%dma_start3A_84 : memref<2000xi32, #tpu.memory_space<hbm>>) target(%arg14 : memref<2000xi32, #tpu.memory_space<vmem>>) target_semaphore(%run_scoped3A : memref<!tpu.dma_semaphore, #tpu.memory_space<semaphore_mem>>)
          %dma_wait3A_85 = tpu.memref_slice %arg4[%add3A_79] : memref<6400000xi32, #tpu.memory_space<hbm>> -> memref<2000xi32, #tpu.memory_space<hbm>>
          %dma_wait3A_86 = tpu.memref_slice %arg4[%add3A_79] : memref<6400000xi32, #tpu.memory_space<hbm>> -> memref<2000xi32, #tpu.memory_space<hbm>>
          tpu.wait_dma2 semaphore(%run_scoped3A : memref<!tpu.dma_semaphore, #tpu.memory_space<semaphore_mem>>) src(%dma_wait3A_86 : memref<2000xi32, #tpu.memory_space<hbm>>) dst(%arg14 : memref<2000xi32, #tpu.memory_space<vmem>>)
          tpu.yield
        }) : () -> ()
        %dma_start3A_80 = arith.constant 0 : i32
        %dma_start3A_81 = arith.constant 0 : i32
        %dma_start3A_82 = tpu.memref_slice %arg2[%dma_start3A_80, %dma_start3A_81] : memref<100352x8xf32, #tpu.memory_space<hbm>> -> memref<100352x8xf32, #tpu.memory_space<hbm>>
        tpu.enqueue_indirect_dma source(%dma_start3A_82 : memref<100352x8xf32, #tpu.memory_space<hbm>>) target(%arg18 : memref<2000x8xf32, #tpu.memory_space<vmem>>) offsets(%arg10 : memref<2000xi32, #tpu.memory_space<vmem>>) semaphore(%arg23 : memref<!tpu.dma_semaphore, #tpu.memory_space<semaphore_mem>>)
      } else {
      }
    }
    %scan3A_36 = arith.constant 25 : i32
    %barrier3A_37 = arith.constant 0 : index
    tpu.barrier barrier_id(%barrier3A_37)
    %mul3A_38 = arith.constant 6272 : i32
    %mul3A_39 = arith.muli %arg1, %mul3A_38 : i32
    "tpu.region"() ({
      %run_scoped3A = tpu.sem_alloc : memref<!tpu.dma_semaphore, #tpu.memory_space<semaphore_mem>>
      %dma_start3A_40 = arith.constant 0 : i32
      %dma_start3A_41 = tpu.memref_slice %arg6[%arg0, %mul3A_39, %dma_start3A_40] : memref<2x100352x8xf32, #tpu.memory_space<hbm>> -> memref<1x6272x8xf32, #tpu.memory_space<hbm>>
      %dma_start3A_42 = tpu.memref_squeeze %dma_start3A_41 : memref<1x6272x8xf32, #tpu.memory_space<hbm>> -> memref<6272x8xf32, #tpu.memory_space<hbm>>
      %dma_start3A_43 = arith.constant 0 : i32
      %dma_start3A_44 = tpu.memref_slice %arg19[%mul3A_39, %dma_start3A_43] : memref<100352x8xf32, #tpu.memory_space<vmem_shared>> -> memref<6272x8xf32, #tpu.memory_space<vmem_shared>>
      tpu.enqueue_dma source(%dma_start3A_44 : memref<6272x8xf32, #tpu.memory_space<vmem_shared>>) target(%dma_start3A_42 : memref<6272x8xf32, #tpu.memory_space<hbm>>) target_semaphore(%run_scoped3A : memref<!tpu.dma_semaphore, #tpu.memory_space<semaphore_mem>>)
      %dma_wait3A = arith.constant 0 : i32
      %dma_wait3A_45 = tpu.memref_slice %arg6[%arg0, %mul3A_39, %dma_wait3A] : memref<2x100352x8xf32, #tpu.memory_space<hbm>> -> memref<1x6272x8xf32, #tpu.memory_space<hbm>>
      %dma_wait3A_46 = tpu.memref_squeeze %dma_wait3A_45 : memref<1x6272x8xf32, #tpu.memory_space<hbm>> -> memref<6272x8xf32, #tpu.memory_space<hbm>>
      %dma_wait3A_47 = arith.constant 0 : i32
      %dma_wait3A_48 = tpu.memref_slice %arg19[%mul3A_39, %dma_wait3A_47] : memref<100352x8xf32, #tpu.memory_space<vmem_shared>> -> memref<6272x8xf32, #tpu.memory_space<vmem_shared>>
      tpu.wait_dma2 semaphore(%run_scoped3A : memref<!tpu.dma_semaphore, #tpu.memory_space<semaphore_mem>>) src(%dma_wait3A_48 : memref<6272x8xf32, #tpu.memory_space<vmem_shared>>) dst(%dma_wait3A_46 : memref<6272x8xf32, #tpu.memory_space<hbm>>)
      tpu.yield
    }) : () -> ()
    return
  }
}

#map = affine_map<(d0, d1) -> (0, 0)>
#map1 = affine_map<(d0, d1) -> (0)>
#map2 = affine_map<(d0, d1) -> (0, 0, 0)>
module attributes {stable_mosaic.version = 14 : i64} {
  func.func @run(%arg0: i32, %arg1: i32, %arg2: memref<100352x8xf32, #tpu.memory_space<hbm>>, %arg3: memref<6400000xi32, #tpu.memory_space<hbm>>, %arg4: memref<6400000xi32, #tpu.memory_space<hbm>>, %arg5: memref<100352x8xf32, #tpu.memory_space<hbm>>, %arg6: memref<2x100352x8xf32, #tpu.memory_space<hbm>>, %arg7: memref<2000xi32, #tpu.memory_space<vmem>>, %arg8: memref<2000xi32, #tpu.memory_space<vmem>>, %arg9: memref<2000xi32, #tpu.memory_space<vmem>>, %arg10: memref<2000xi32, #tpu.memory_space<vmem>>, %arg11: memref<2000xi32, #tpu.memory_space<vmem>>, %arg12: memref<2000xi32, #tpu.memory_space<vmem>>, %arg13: memref<2000xi32, #tpu.memory_space<vmem>>, %arg14: memref<2000xi32, #tpu.memory_space<vmem>>, %arg15: memref<2000x8xf32, #tpu.memory_space<vmem>>, %arg16: memref<2000x8xf32, #tpu.memory_space<vmem>>, %arg17: memref<2000x8xf32, #tpu.memory_space<vmem>>, %arg18: memref<2000x8xf32, #tpu.memory_space<vmem>>, %arg19: memref<100352x8xf32, #tpu.memory_space<vmem_shared>>, %arg20: memref<!tpu.dma_semaphore, #tpu.memory_space<semaphore_mem>>, %arg21: memref<!tpu.dma_semaphore, #tpu.memory_space<semaphore_mem>>, %arg22: memref<!tpu.dma_semaphore, #tpu.memory_space<semaphore_mem>>, %arg23: memref<!tpu.dma_semaphore, #tpu.memory_space<semaphore_mem>>) attributes {dimension_semantics = [#tpu.dimension_semantics<core_parallel>, #tpu.dimension_semantics<subcore_parallel>], iteration_bounds = array<i64: 2, 16>, scalar_prefetch = 0 : i64, scratch_operands = 17 : i64, tpu.core_type = #tpu.core_type<sc_vector_subcore>, window_params = [{transform_indices = #map}, {transform_indices = #map1}, {transform_indices = #map1}, {transform_indices = #map}, {transform_indices = #map2}]} {
    %mul3A = arith.constant 2 : i32
    %mul3A_0 = arith.muli %arg1, %mul3A : i32
    %add3A = arith.addi %mul3A_0, %arg0 : i32
    %eq3A = arith.constant 0 : i32
    %eq3A_1 = arith.cmpi eq, %arg1, %eq3A : i32
    %convert_element_type3A = arith.extui %eq3A_1 : i1 to i32
    %cond3A = arith.constant 0 : i32
    %cond3A_2 = arith.cmpi ne, %convert_element_type3A, %cond3A : i32
    scf.if %cond3A_2 {
      "tpu.region"() ({
        %run_scoped3A = tpu.sem_alloc : memref<!tpu.dma_semaphore, #tpu.memory_space<semaphore_mem>>
        tpu.enqueue_dma source(%arg5 : memref<100352x8xf32, #tpu.memory_space<hbm>>) target(%arg19 : memref<100352x8xf32, #tpu.memory_space<vmem_shared>>) target_semaphore(%run_scoped3A : memref<!tpu.dma_semaphore, #tpu.memory_space<semaphore_mem>>)
        tpu.wait_dma2 semaphore(%run_scoped3A : memref<!tpu.dma_semaphore, #tpu.memory_space<semaphore_mem>>) src(%arg5 : memref<100352x8xf32, #tpu.memory_space<hbm>>) dst(%arg19 : memref<100352x8xf32, #tpu.memory_space<vmem_shared>>)
        tpu.yield
      }) : () -> ()
    } else {
    }
    %barrier3A = arith.constant 0 : index
    tpu.barrier barrier_id(%barrier3A)
    %mul3A_3 = arith.constant 200000 : i32
    %mul3A_4 = arith.muli %add3A, %mul3A_3 : i32
    %add3A_5 = arith.constant 0 : i32
    %add3A_6 = arith.addi %mul3A_4, %add3A_5 : i32
    "tpu.region"() ({
      %run_scoped3A = tpu.sem_alloc : memref<!tpu.dma_semaphore, #tpu.memory_space<semaphore_mem>>
      %dma_start3A_40 = tpu.memref_slice %arg3[%add3A_6] : memref<6400000xi32, #tpu.memory_space<hbm>> -> memref<2000xi32, #tpu.memory_space<hbm>>
      %dma_start3A_41 = tpu.memref_slice %arg3[%add3A_6] : memref<6400000xi32, #tpu.memory_space<hbm>> -> memref<2000xi32, #tpu.memory_space<hbm>>
      tpu.enqueue_dma source(%dma_start3A_41 : memref<2000xi32, #tpu.memory_space<hbm>>) target(%arg7 : memref<2000xi32, #tpu.memory_space<vmem>>) target_semaphore(%run_scoped3A : memref<!tpu.dma_semaphore, #tpu.memory_space<semaphore_mem>>)
      %dma_wait3A = tpu.memref_slice %arg3[%add3A_6] : memref<6400000xi32, #tpu.memory_space<hbm>> -> memref<2000xi32, #tpu.memory_space<hbm>>
      %dma_wait3A_42 = tpu.memref_slice %arg3[%add3A_6] : memref<6400000xi32, #tpu.memory_space<hbm>> -> memref<2000xi32, #tpu.memory_space<hbm>>
      tpu.wait_dma2 semaphore(%run_scoped3A : memref<!tpu.dma_semaphore, #tpu.memory_space<semaphore_mem>>) src(%dma_wait3A_42 : memref<2000xi32, #tpu.memory_space<hbm>>) dst(%arg7 : memref<2000xi32, #tpu.memory_space<vmem>>)
      tpu.yield
    }) : () -> ()
    %add3A_7 = arith.constant 0 : i32
    %add3A_8 = arith.addi %mul3A_4, %add3A_7 : i32
    "tpu.region"() ({
      %run_scoped3A = tpu.sem_alloc : memref<!tpu.dma_semaphore, #tpu.memory_space<semaphore_mem>>
      %dma_start3A_40 = tpu.memref_slice %arg4[%add3A_8] : memref<6400000xi32, #tpu.memory_space<hbm>> -> memref<2000xi32, #tpu.memory_space<hbm>>
      %dma_start3A_41 = tpu.memref_slice %arg4[%add3A_8] : memref<6400000xi32, #tpu.memory_space<hbm>> -> memref<2000xi32, #tpu.memory_space<hbm>>
      tpu.enqueue_dma source(%dma_start3A_41 : memref<2000xi32, #tpu.memory_space<hbm>>) target(%arg11 : memref<2000xi32, #tpu.memory_space<vmem>>) target_semaphore(%run_scoped3A : memref<!tpu.dma_semaphore, #tpu.memory_space<semaphore_mem>>)
      %dma_wait3A = tpu.memref_slice %arg4[%add3A_8] : memref<6400000xi32, #tpu.memory_space<hbm>> -> memref<2000xi32, #tpu.memory_space<hbm>>
      %dma_wait3A_42 = tpu.memref_slice %arg4[%add3A_8] : memref<6400000xi32, #tpu.memory_space<hbm>> -> memref<2000xi32, #tpu.memory_space<hbm>>
      tpu.wait_dma2 semaphore(%run_scoped3A : memref<!tpu.dma_semaphore, #tpu.memory_space<semaphore_mem>>) src(%dma_wait3A_42 : memref<2000xi32, #tpu.memory_space<hbm>>) dst(%arg11 : memref<2000xi32, #tpu.memory_space<vmem>>)
      tpu.yield
    }) : () -> ()
    %dma_start3A = arith.constant 0 : i32
    %dma_start3A_9 = arith.constant 0 : i32
    %dma_start3A_10 = tpu.memref_slice %arg2[%dma_start3A, %dma_start3A_9] : memref<100352x8xf32, #tpu.memory_space<hbm>> -> memref<100352x8xf32, #tpu.memory_space<hbm>>
    tpu.enqueue_indirect_dma source(%dma_start3A_10 : memref<100352x8xf32, #tpu.memory_space<hbm>>) target(%arg15 : memref<2000x8xf32, #tpu.memory_space<vmem>>) offsets(%arg7 : memref<2000xi32, #tpu.memory_space<vmem>>) semaphore(%arg20 : memref<!tpu.dma_semaphore, #tpu.memory_space<semaphore_mem>>)
    %add3A_11 = arith.constant 2000 : i32
    %add3A_12 = arith.addi %mul3A_4, %add3A_11 : i32
    "tpu.region"() ({
      %run_scoped3A = tpu.sem_alloc : memref<!tpu.dma_semaphore, #tpu.memory_space<semaphore_mem>>
      %dma_start3A_40 = tpu.memref_slice %arg3[%add3A_12] : memref<6400000xi32, #tpu.memory_space<hbm>> -> memref<2000xi32, #tpu.memory_space<hbm>>
      %dma_start3A_41 = tpu.memref_slice %arg3[%add3A_12] : memref<6400000xi32, #tpu.memory_space<hbm>> -> memref<2000xi32, #tpu.memory_space<hbm>>
      tpu.enqueue_dma source(%dma_start3A_41 : memref<2000xi32, #tpu.memory_space<hbm>>) target(%arg8 : memref<2000xi32, #tpu.memory_space<vmem>>) target_semaphore(%run_scoped3A : memref<!tpu.dma_semaphore, #tpu.memory_space<semaphore_mem>>)
      %dma_wait3A = tpu.memref_slice %arg3[%add3A_12] : memref<6400000xi32, #tpu.memory_space<hbm>> -> memref<2000xi32, #tpu.memory_space<hbm>>
      %dma_wait3A_42 = tpu.memref_slice %arg3[%add3A_12] : memref<6400000xi32, #tpu.memory_space<hbm>> -> memref<2000xi32, #tpu.memory_space<hbm>>
      tpu.wait_dma2 semaphore(%run_scoped3A : memref<!tpu.dma_semaphore, #tpu.memory_space<semaphore_mem>>) src(%dma_wait3A_42 : memref<2000xi32, #tpu.memory_space<hbm>>) dst(%arg8 : memref<2000xi32, #tpu.memory_space<vmem>>)
      tpu.yield
    }) : () -> ()
    %add3A_13 = arith.constant 2000 : i32
    %add3A_14 = arith.addi %mul3A_4, %add3A_13 : i32
    "tpu.region"() ({
      %run_scoped3A = tpu.sem_alloc : memref<!tpu.dma_semaphore, #tpu.memory_space<semaphore_mem>>
      %dma_start3A_40 = tpu.memref_slice %arg4[%add3A_14] : memref<6400000xi32, #tpu.memory_space<hbm>> -> memref<2000xi32, #tpu.memory_space<hbm>>
      %dma_start3A_41 = tpu.memref_slice %arg4[%add3A_14] : memref<6400000xi32, #tpu.memory_space<hbm>> -> memref<2000xi32, #tpu.memory_space<hbm>>
      tpu.enqueue_dma source(%dma_start3A_41 : memref<2000xi32, #tpu.memory_space<hbm>>) target(%arg12 : memref<2000xi32, #tpu.memory_space<vmem>>) target_semaphore(%run_scoped3A : memref<!tpu.dma_semaphore, #tpu.memory_space<semaphore_mem>>)
      %dma_wait3A = tpu.memref_slice %arg4[%add3A_14] : memref<6400000xi32, #tpu.memory_space<hbm>> -> memref<2000xi32, #tpu.memory_space<hbm>>
      %dma_wait3A_42 = tpu.memref_slice %arg4[%add3A_14] : memref<6400000xi32, #tpu.memory_space<hbm>> -> memref<2000xi32, #tpu.memory_space<hbm>>
      tpu.wait_dma2 semaphore(%run_scoped3A : memref<!tpu.dma_semaphore, #tpu.memory_space<semaphore_mem>>) src(%dma_wait3A_42 : memref<2000xi32, #tpu.memory_space<hbm>>) dst(%arg12 : memref<2000xi32, #tpu.memory_space<vmem>>)
      tpu.yield
    }) : () -> ()
    %dma_start3A_15 = arith.constant 0 : i32
    %dma_start3A_16 = arith.constant 0 : i32
    %dma_start3A_17 = tpu.memref_slice %arg2[%dma_start3A_15, %dma_start3A_16] : memref<100352x8xf32, #tpu.memory_space<hbm>> -> memref<100352x8xf32, #tpu.memory_space<hbm>>
    tpu.enqueue_indirect_dma source(%dma_start3A_17 : memref<100352x8xf32, #tpu.memory_space<hbm>>) target(%arg16 : memref<2000x8xf32, #tpu.memory_space<vmem>>) offsets(%arg8 : memref<2000xi32, #tpu.memory_space<vmem>>) semaphore(%arg21 : memref<!tpu.dma_semaphore, #tpu.memory_space<semaphore_mem>>)
    %add3A_18 = arith.constant 4000 : i32
    %add3A_19 = arith.addi %mul3A_4, %add3A_18 : i32
    "tpu.region"() ({
      %run_scoped3A = tpu.sem_alloc : memref<!tpu.dma_semaphore, #tpu.memory_space<semaphore_mem>>
      %dma_start3A_40 = tpu.memref_slice %arg3[%add3A_19] : memref<6400000xi32, #tpu.memory_space<hbm>> -> memref<2000xi32, #tpu.memory_space<hbm>>
      %dma_start3A_41 = tpu.memref_slice %arg3[%add3A_19] : memref<6400000xi32, #tpu.memory_space<hbm>> -> memref<2000xi32, #tpu.memory_space<hbm>>
      tpu.enqueue_dma source(%dma_start3A_41 : memref<2000xi32, #tpu.memory_space<hbm>>) target(%arg9 : memref<2000xi32, #tpu.memory_space<vmem>>) target_semaphore(%run_scoped3A : memref<!tpu.dma_semaphore, #tpu.memory_space<semaphore_mem>>)
      %dma_wait3A = tpu.memref_slice %arg3[%add3A_19] : memref<6400000xi32, #tpu.memory_space<hbm>> -> memref<2000xi32, #tpu.memory_space<hbm>>
      %dma_wait3A_42 = tpu.memref_slice %arg3[%add3A_19] : memref<6400000xi32, #tpu.memory_space<hbm>> -> memref<2000xi32, #tpu.memory_space<hbm>>
      tpu.wait_dma2 semaphore(%run_scoped3A : memref<!tpu.dma_semaphore, #tpu.memory_space<semaphore_mem>>) src(%dma_wait3A_42 : memref<2000xi32, #tpu.memory_space<hbm>>) dst(%arg9 : memref<2000xi32, #tpu.memory_space<vmem>>)
      tpu.yield
    }) : () -> ()
    %add3A_20 = arith.constant 4000 : i32
    %add3A_21 = arith.addi %mul3A_4, %add3A_20 : i32
    "tpu.region"() ({
      %run_scoped3A = tpu.sem_alloc : memref<!tpu.dma_semaphore, #tpu.memory_space<semaphore_mem>>
      %dma_start3A_40 = tpu.memref_slice %arg4[%add3A_21] : memref<6400000xi32, #tpu.memory_space<hbm>> -> memref<2000xi32, #tpu.memory_space<hbm>>
      %dma_start3A_41 = tpu.memref_slice %arg4[%add3A_21] : memref<6400000xi32, #tpu.memory_space<hbm>> -> memref<2000xi32, #tpu.memory_space<hbm>>
      tpu.enqueue_dma source(%dma_start3A_41 : memref<2000xi32, #tpu.memory_space<hbm>>) target(%arg13 : memref<2000xi32, #tpu.memory_space<vmem>>) target_semaphore(%run_scoped3A : memref<!tpu.dma_semaphore, #tpu.memory_space<semaphore_mem>>)
      %dma_wait3A = tpu.memref_slice %arg4[%add3A_21] : memref<6400000xi32, #tpu.memory_space<hbm>> -> memref<2000xi32, #tpu.memory_space<hbm>>
      %dma_wait3A_42 = tpu.memref_slice %arg4[%add3A_21] : memref<6400000xi32, #tpu.memory_space<hbm>> -> memref<2000xi32, #tpu.memory_space<hbm>>
      tpu.wait_dma2 semaphore(%run_scoped3A : memref<!tpu.dma_semaphore, #tpu.memory_space<semaphore_mem>>) src(%dma_wait3A_42 : memref<2000xi32, #tpu.memory_space<hbm>>) dst(%arg13 : memref<2000xi32, #tpu.memory_space<vmem>>)
      tpu.yield
    }) : () -> ()
    %dma_start3A_22 = arith.constant 0 : i32
    %dma_start3A_23 = arith.constant 0 : i32
    %dma_start3A_24 = tpu.memref_slice %arg2[%dma_start3A_22, %dma_start3A_23] : memref<100352x8xf32, #tpu.memory_space<hbm>> -> memref<100352x8xf32, #tpu.memory_space<hbm>>
    tpu.enqueue_indirect_dma source(%dma_start3A_24 : memref<100352x8xf32, #tpu.memory_space<hbm>>) target(%arg17 : memref<2000x8xf32, #tpu.memory_space<vmem>>) offsets(%arg9 : memref<2000xi32, #tpu.memory_space<vmem>>) semaphore(%arg22 : memref<!tpu.dma_semaphore, #tpu.memory_space<semaphore_mem>>)
    %add3A_25 = arith.constant 6000 : i32
    %add3A_26 = arith.addi %mul3A_4, %add3A_25 : i32
    "tpu.region"() ({
      %run_scoped3A = tpu.sem_alloc : memref<!tpu.dma_semaphore, #tpu.memory_space<semaphore_mem>>
      %dma_start3A_40 = tpu.memref_slice %arg3[%add3A_26] : memref<6400000xi32, #tpu.memory_space<hbm>> -> memref<2000xi32, #tpu.memory_space<hbm>>
      %dma_start3A_41 = tpu.memref_slice %arg3[%add3A_26] : memref<6400000xi32, #tpu.memory_space<hbm>> -> memref<2000xi32, #tpu.memory_space<hbm>>
      tpu.enqueue_dma source(%dma_start3A_41 : memref<2000xi32, #tpu.memory_space<hbm>>) target(%arg10 : memref<2000xi32, #tpu.memory_space<vmem>>) target_semaphore(%run_scoped3A : memref<!tpu.dma_semaphore, #tpu.memory_space<semaphore_mem>>)
      %dma_wait3A = tpu.memref_slice %arg3[%add3A_26] : memref<6400000xi32, #tpu.memory_space<hbm>> -> memref<2000xi32, #tpu.memory_space<hbm>>
      %dma_wait3A_42 = tpu.memref_slice %arg3[%add3A_26] : memref<6400000xi32, #tpu.memory_space<hbm>> -> memref<2000xi32, #tpu.memory_space<hbm>>
      tpu.wait_dma2 semaphore(%run_scoped3A : memref<!tpu.dma_semaphore, #tpu.memory_space<semaphore_mem>>) src(%dma_wait3A_42 : memref<2000xi32, #tpu.memory_space<hbm>>) dst(%arg10 : memref<2000xi32, #tpu.memory_space<vmem>>)
      tpu.yield
    }) : () -> ()
    %add3A_27 = arith.constant 6000 : i32
    %add3A_28 = arith.addi %mul3A_4, %add3A_27 : i32
    "tpu.region"() ({
      %run_scoped3A = tpu.sem_alloc : memref<!tpu.dma_semaphore, #tpu.memory_space<semaphore_mem>>
      %dma_start3A_40 = tpu.memref_slice %arg4[%add3A_28] : memref<6400000xi32, #tpu.memory_space<hbm>> -> memref<2000xi32, #tpu.memory_space<hbm>>
      %dma_start3A_41 = tpu.memref_slice %arg4[%add3A_28] : memref<6400000xi32, #tpu.memory_space<hbm>> -> memref<2000xi32, #tpu.memory_space<hbm>>
      tpu.enqueue_dma source(%dma_start3A_41 : memref<2000xi32, #tpu.memory_space<hbm>>) target(%arg14 : memref<2000xi32, #tpu.memory_space<vmem>>) target_semaphore(%run_scoped3A : memref<!tpu.dma_semaphore, #tpu.memory_space<semaphore_mem>>)
      %dma_wait3A = tpu.memref_slice %arg4[%add3A_28] : memref<6400000xi32, #tpu.memory_space<hbm>> -> memref<2000xi32, #tpu.memory_space<hbm>>
      %dma_wait3A_42 = tpu.memref_slice %arg4[%add3A_28] : memref<6400000xi32, #tpu.memory_space<hbm>> -> memref<2000xi32, #tpu.memory_space<hbm>>
      tpu.wait_dma2 semaphore(%run_scoped3A : memref<!tpu.dma_semaphore, #tpu.memory_space<semaphore_mem>>) src(%dma_wait3A_42 : memref<2000xi32, #tpu.memory_space<hbm>>) dst(%arg14 : memref<2000xi32, #tpu.memory_space<vmem>>)
      tpu.yield
    }) : () -> ()
    %dma_start3A_29 = arith.constant 0 : i32
    %dma_start3A_30 = arith.constant 0 : i32
    %dma_start3A_31 = tpu.memref_slice %arg2[%dma_start3A_29, %dma_start3A_30] : memref<100352x8xf32, #tpu.memory_space<hbm>> -> memref<100352x8xf32, #tpu.memory_space<hbm>>
    tpu.enqueue_indirect_dma source(%dma_start3A_31 : memref<100352x8xf32, #tpu.memory_space<hbm>>) target(%arg18 : memref<2000x8xf32, #tpu.memory_space<vmem>>) offsets(%arg10 : memref<2000xi32, #tpu.memory_space<vmem>>) semaphore(%arg23 : memref<!tpu.dma_semaphore, #tpu.memory_space<semaphore_mem>>)
    %scan3A = arith.constant 0 : i32
    %scan3A_32 = arith.constant 0 : i32
    %scan3A_33 = arith.constant 25 : i32
    %scan3A_34 = arith.addi %scan3A_32, %scan3A_33 : i32
    %scan3A_35 = arith.constant 1 : i32
    scf.for %scan3A_40 = %scan3A_32 to %scan3A_34 step %scan3A_35  : i32 {
      %dma_wait3A = arith.constant 0 : i32
      %dma_wait3A_41 = arith.constant 0 : i32
      %dma_wait3A_42 = tpu.memref_slice %arg2[%dma_wait3A, %dma_wait3A_41] : memref<100352x8xf32, #tpu.memory_space<hbm>> -> memref<100352x8xf32, #tpu.memory_space<hbm>>
      tpu.wait_indirect_dma semaphore(%arg20 : memref<!tpu.dma_semaphore, #tpu.memory_space<semaphore_mem>>) src(%dma_wait3A_42 : memref<100352x8xf32, #tpu.memory_space<hbm>>) dst(%arg15 : memref<2000x8xf32, #tpu.memory_space<vmem>>)
      "tpu.region"() ({
        %run_scoped3A = tpu.sem_alloc : memref<!tpu.dma_semaphore, #tpu.memory_space<semaphore_mem>>
        %dma_start3A_71 = arith.constant 0 : i32
        %dma_start3A_72 = arith.constant 0 : i32
        %dma_start3A_73 = tpu.memref_slice %arg19[%dma_start3A_71, %dma_start3A_72] : memref<100352x8xf32, #tpu.memory_space<vmem_shared>> -> memref<100352x8xf32, #tpu.memory_space<vmem_shared>>
        tpu.enqueue_indirect_dma source(%arg15 : memref<2000x8xf32, #tpu.memory_space<vmem>>) target(%dma_start3A_73 : memref<100352x8xf32, #tpu.memory_space<vmem_shared>>) offsets(%arg11 : memref<2000xi32, #tpu.memory_space<vmem>>) semaphore(%run_scoped3A : memref<!tpu.dma_semaphore, #tpu.memory_space<semaphore_mem>>) {add = true}
        %dma_wait3A_74 = arith.constant 0 : i32
        %dma_wait3A_75 = arith.constant 0 : i32
        %dma_wait3A_76 = tpu.memref_slice %arg19[%dma_wait3A_74, %dma_wait3A_75] : memref<100352x8xf32, #tpu.memory_space<vmem_shared>> -> memref<100352x8xf32, #tpu.memory_space<vmem_shared>>
        tpu.wait_indirect_dma semaphore(%run_scoped3A : memref<!tpu.dma_semaphore, #tpu.memory_space<semaphore_mem>>) src(%arg15 : memref<2000x8xf32, #tpu.memory_space<vmem>>) dst(%dma_wait3A_76 : memref<100352x8xf32, #tpu.memory_space<vmem_shared>>)
        tpu.yield
      }) : () -> ()
      %lt3A = arith.constant 24 : i32
      %lt3A_43 = arith.cmpi slt, %scan3A_40, %lt3A : i32
      %convert_element_type3A_44 = arith.extui %lt3A_43 : i1 to i32
      %cond3A_45 = arith.constant 0 : i32
      %cond3A_46 = arith.cmpi ne, %convert_element_type3A_44, %cond3A_45 : i32
      scf.if %cond3A_46 {
        %mul3A_71 = arith.constant 4 : i32
        %mul3A_72 = arith.muli %mul3A_71, %scan3A_40 : i32
        %add3A_73 = arith.constant 0 : i32
        %add3A_74 = arith.addi %mul3A_72, %add3A_73 : i32
        %add3A_75 = arith.constant 4 : i32
        %add3A_76 = arith.addi %add3A_74, %add3A_75 : i32
        %mul3A_77 = arith.constant 2000 : i32
        %mul3A_78 = arith.muli %add3A_76, %mul3A_77 : i32
        %add3A_79 = arith.addi %mul3A_4, %mul3A_78 : i32
        "tpu.region"() ({
          %run_scoped3A = tpu.sem_alloc : memref<!tpu.dma_semaphore, #tpu.memory_space<semaphore_mem>>
          %dma_start3A_83 = tpu.memref_slice %arg3[%add3A_79] : memref<6400000xi32, #tpu.memory_space<hbm>> -> memref<2000xi32, #tpu.memory_space<hbm>>
          %dma_start3A_84 = tpu.memref_slice %arg3[%add3A_79] : memref<6400000xi32, #tpu.memory_space<hbm>> -> memref<2000xi32, #tpu.memory_space<hbm>>
          tpu.enqueue_dma source(%dma_start3A_84 : memref<2000xi32, #tpu.memory_space<hbm>>) target(%arg7 : memref<2000xi32, #tpu.memory_space<vmem>>) target_semaphore(%run_scoped3A : memref<!tpu.dma_semaphore, #tpu.memory_space<semaphore_mem>>)
          %dma_wait3A_85 = tpu.memref_slice %arg3[%add3A_79] : memref<6400000xi32, #tpu.memory_space<hbm>> -> memref<2000xi32, #tpu.memory_space<hbm>>
          %dma_wait3A_86 = tpu.memref_slice %arg3[%add3A_79] : memref<6400000xi32, #tpu.memory_space<hbm>> -> memref<2000xi32, #tpu.memory_space<hbm>>
          tpu.wait_dma2 semaphore(%run_scoped3A : memref<!tpu.dma_semaphore, #tpu.memory_space<semaphore_mem>>) src(%dma_wait3A_86 : memref<2000xi32, #tpu.memory_space<hbm>>) dst(%arg7 : memref<2000xi32, #tpu.memory_space<vmem>>)
          tpu.yield
        }) : () -> ()
        "tpu.region"() ({
          %run_scoped3A = tpu.sem_alloc : memref<!tpu.dma_semaphore, #tpu.memory_space<semaphore_mem>>
          %dma_start3A_83 = tpu.memref_slice %arg4[%add3A_79] : memref<6400000xi32, #tpu.memory_space<hbm>> -> memref<2000xi32, #tpu.memory_space<hbm>>
          %dma_start3A_84 = tpu.memref_slice %arg4[%add3A_79] : memref<6400000xi32, #tpu.memory_space<hbm>> -> memref<2000xi32, #tpu.memory_space<hbm>>
          tpu.enqueue_dma source(%dma_start3A_84 : memref<2000xi32, #tpu.memory_space<hbm>>) target(%arg11 : memref<2000xi32, #tpu.memory_space<vmem>>) target_semaphore(%run_scoped3A : memref<!tpu.dma_semaphore, #tpu.memory_space<semaphore_mem>>)
          %dma_wait3A_85 = tpu.memref_slice %arg4[%add3A_79] : memref<6400000xi32, #tpu.memory_space<hbm>> -> memref<2000xi32, #tpu.memory_space<hbm>>
          %dma_wait3A_86 = tpu.memref_slice %arg4[%add3A_79] : memref<6400000xi32, #tpu.memory_space<hbm>> -> memref<2000xi32, #tpu.memory_space<hbm>>
          tpu.wait_dma2 semaphore(%run_scoped3A : memref<!tpu.dma_semaphore, #tpu.memory_space<semaphore_mem>>) src(%dma_wait3A_86 : memref<2000xi32, #tpu.memory_space<hbm>>) dst(%arg11 : memref<2000xi32, #tpu.memory_space<vmem>>)
          tpu.yield
        }) : () -> ()
        %dma_start3A_80 = arith.constant 0 : i32
        %dma_start3A_81 = arith.constant 0 : i32
        %dma_start3A_82 = tpu.memref_slice %arg2[%dma_start3A_80, %dma_start3A_81] : memref<100352x8xf32, #tpu.memory_space<hbm>> -> memref<100352x8xf32, #tpu.memory_space<hbm>>
        tpu.enqueue_indirect_dma source(%dma_start3A_82 : memref<100352x8xf32, #tpu.memory_space<hbm>>) target(%arg15 : memref<2000x8xf32, #tpu.memory_space<vmem>>) offsets(%arg7 : memref<2000xi32, #tpu.memory_space<vmem>>) semaphore(%arg20 : memref<!tpu.dma_semaphore, #tpu.memory_space<semaphore_mem>>)
      } else {
      }
      %dma_wait3A_47 = arith.constant 0 : i32
      %dma_wait3A_48 = arith.constant 0 : i32
      %dma_wait3A_49 = tpu.memref_slice %arg2[%dma_wait3A_47, %dma_wait3A_48] : memref<100352x8xf32, #tpu.memory_space<hbm>> -> memref<100352x8xf32, #tpu.memory_space<hbm>>
      tpu.wait_indirect_dma semaphore(%arg21 : memref<!tpu.dma_semaphore, #tpu.memory_space<semaphore_mem>>) src(%dma_wait3A_49 : memref<100352x8xf32, #tpu.memory_space<hbm>>) dst(%arg16 : memref<2000x8xf32, #tpu.memory_space<vmem>>)
      "tpu.region"() ({
        %run_scoped3A = tpu.sem_alloc : memref<!tpu.dma_semaphore, #tpu.memory_space<semaphore_mem>>
        %dma_start3A_71 = arith.constant 0 : i32
        %dma_start3A_72 = arith.constant 0 : i32
        %dma_start3A_73 = tpu.memref_slice %arg19[%dma_start3A_71, %dma_start3A_72] : memref<100352x8xf32, #tpu.memory_space<vmem_shared>> -> memref<100352x8xf32, #tpu.memory_space<vmem_shared>>
        tpu.enqueue_indirect_dma source(%arg16 : memref<2000x8xf32, #tpu.memory_space<vmem>>) target(%dma_start3A_73 : memref<100352x8xf32, #tpu.memory_space<vmem_shared>>) offsets(%arg12 : memref<2000xi32, #tpu.memory_space<vmem>>) semaphore(%run_scoped3A : memref<!tpu.dma_semaphore, #tpu.memory_space<semaphore_mem>>) {add = true}
        %dma_wait3A_74 = arith.constant 0 : i32
        %dma_wait3A_75 = arith.constant 0 : i32
        %dma_wait3A_76 = tpu.memref_slice %arg19[%dma_wait3A_74, %dma_wait3A_75] : memref<100352x8xf32, #tpu.memory_space<vmem_shared>> -> memref<100352x8xf32, #tpu.memory_space<vmem_shared>>
        tpu.wait_indirect_dma semaphore(%run_scoped3A : memref<!tpu.dma_semaphore, #tpu.memory_space<semaphore_mem>>) src(%arg16 : memref<2000x8xf32, #tpu.memory_space<vmem>>) dst(%dma_wait3A_76 : memref<100352x8xf32, #tpu.memory_space<vmem_shared>>)
        tpu.yield
      }) : () -> ()
      %lt3A_50 = arith.constant 24 : i32
      %lt3A_51 = arith.cmpi slt, %scan3A_40, %lt3A_50 : i32
      %convert_element_type3A_52 = arith.extui %lt3A_51 : i1 to i32
      %cond3A_53 = arith.constant 0 : i32
      %cond3A_54 = arith.cmpi ne, %convert_element_type3A_52, %cond3A_53 : i32
      scf.if %cond3A_54 {
        %mul3A_71 = arith.constant 4 : i32
        %mul3A_72 = arith.muli %mul3A_71, %scan3A_40 : i32
        %add3A_73 = arith.constant 1 : i32
        %add3A_74 = arith.addi %mul3A_72, %add3A_73 : i32
        %add3A_75 = arith.constant 4 : i32
        %add3A_76 = arith.addi %add3A_74, %add3A_75 : i32
        %mul3A_77 = arith.constant 2000 : i32
        %mul3A_78 = arith.muli %add3A_76, %mul3A_77 : i32
        %add3A_79 = arith.addi %mul3A_4, %mul3A_78 : i32
        "tpu.region"() ({
          %run_scoped3A = tpu.sem_alloc : memref<!tpu.dma_semaphore, #tpu.memory_space<semaphore_mem>>
          %dma_start3A_83 = tpu.memref_slice %arg3[%add3A_79] : memref<6400000xi32, #tpu.memory_space<hbm>> -> memref<2000xi32, #tpu.memory_space<hbm>>
          %dma_start3A_84 = tpu.memref_slice %arg3[%add3A_79] : memref<6400000xi32, #tpu.memory_space<hbm>> -> memref<2000xi32, #tpu.memory_space<hbm>>
          tpu.enqueue_dma source(%dma_start3A_84 : memref<2000xi32, #tpu.memory_space<hbm>>) target(%arg8 : memref<2000xi32, #tpu.memory_space<vmem>>) target_semaphore(%run_scoped3A : memref<!tpu.dma_semaphore, #tpu.memory_space<semaphore_mem>>)
          %dma_wait3A_85 = tpu.memref_slice %arg3[%add3A_79] : memref<6400000xi32, #tpu.memory_space<hbm>> -> memref<2000xi32, #tpu.memory_space<hbm>>
          %dma_wait3A_86 = tpu.memref_slice %arg3[%add3A_79] : memref<6400000xi32, #tpu.memory_space<hbm>> -> memref<2000xi32, #tpu.memory_space<hbm>>
          tpu.wait_dma2 semaphore(%run_scoped3A : memref<!tpu.dma_semaphore, #tpu.memory_space<semaphore_mem>>) src(%dma_wait3A_86 : memref<2000xi32, #tpu.memory_space<hbm>>) dst(%arg8 : memref<2000xi32, #tpu.memory_space<vmem>>)
          tpu.yield
        }) : () -> ()
        "tpu.region"() ({
          %run_scoped3A = tpu.sem_alloc : memref<!tpu.dma_semaphore, #tpu.memory_space<semaphore_mem>>
          %dma_start3A_83 = tpu.memref_slice %arg4[%add3A_79] : memref<6400000xi32, #tpu.memory_space<hbm>> -> memref<2000xi32, #tpu.memory_space<hbm>>
          %dma_start3A_84 = tpu.memref_slice %arg4[%add3A_79] : memref<6400000xi32, #tpu.memory_space<hbm>> -> memref<2000xi32, #tpu.memory_space<hbm>>
          tpu.enqueue_dma source(%dma_start3A_84 : memref<2000xi32, #tpu.memory_space<hbm>>) target(%arg12 : memref<2000xi32, #tpu.memory_space<vmem>>) target_semaphore(%run_scoped3A : memref<!tpu.dma_semaphore, #tpu.memory_space<semaphore_mem>>)
          %dma_wait3A_85 = tpu.memref_slice %arg4[%add3A_79] : memref<6400000xi32, #tpu.memory_space<hbm>> -> memref<2000xi32, #tpu.memory_space<hbm>>
          %dma_wait3A_86 = tpu.memref_slice %arg4[%add3A_79] : memref<6400000xi32, #tpu.memory_space<hbm>> -> memref<2000xi32, #tpu.memory_space<hbm>>
          tpu.wait_dma2 semaphore(%run_scoped3A : memref<!tpu.dma_semaphore, #tpu.memory_space<semaphore_mem>>) src(%dma_wait3A_86 : memref<2000xi32, #tpu.memory_space<hbm>>) dst(%arg12 : memref<2000xi32, #tpu.memory_space<vmem>>)
          tpu.yield
        }) : () -> ()
        %dma_start3A_80 = arith.constant 0 : i32
        %dma_start3A_81 = arith.constant 0 : i32
        %dma_start3A_82 = tpu.memref_slice %arg2[%dma_start3A_80, %dma_start3A_81] : memref<100352x8xf32, #tpu.memory_space<hbm>> -> memref<100352x8xf32, #tpu.memory_space<hbm>>
        tpu.enqueue_indirect_dma source(%dma_start3A_82 : memref<100352x8xf32, #tpu.memory_space<hbm>>) target(%arg16 : memref<2000x8xf32, #tpu.memory_space<vmem>>) offsets(%arg8 : memref<2000xi32, #tpu.memory_space<vmem>>) semaphore(%arg21 : memref<!tpu.dma_semaphore, #tpu.memory_space<semaphore_mem>>)
      } else {
      }
      %dma_wait3A_55 = arith.constant 0 : i32
      %dma_wait3A_56 = arith.constant 0 : i32
      %dma_wait3A_57 = tpu.memref_slice %arg2[%dma_wait3A_55, %dma_wait3A_56] : memref<100352x8xf32, #tpu.memory_space<hbm>> -> memref<100352x8xf32, #tpu.memory_space<hbm>>
      tpu.wait_indirect_dma semaphore(%arg22 : memref<!tpu.dma_semaphore, #tpu.memory_space<semaphore_mem>>) src(%dma_wait3A_57 : memref<100352x8xf32, #tpu.memory_space<hbm>>) dst(%arg17 : memref<2000x8xf32, #tpu.memory_space<vmem>>)
      "tpu.region"() ({
        %run_scoped3A = tpu.sem_alloc : memref<!tpu.dma_semaphore, #tpu.memory_space<semaphore_mem>>
        %dma_start3A_71 = arith.constant 0 : i32
        %dma_start3A_72 = arith.constant 0 : i32
        %dma_start3A_73 = tpu.memref_slice %arg19[%dma_start3A_71, %dma_start3A_72] : memref<100352x8xf32, #tpu.memory_space<vmem_shared>> -> memref<100352x8xf32, #tpu.memory_space<vmem_shared>>
        tpu.enqueue_indirect_dma source(%arg17 : memref<2000x8xf32, #tpu.memory_space<vmem>>) target(%dma_start3A_73 : memref<100352x8xf32, #tpu.memory_space<vmem_shared>>) offsets(%arg13 : memref<2000xi32, #tpu.memory_space<vmem>>) semaphore(%run_scoped3A : memref<!tpu.dma_semaphore, #tpu.memory_space<semaphore_mem>>) {add = true}
        %dma_wait3A_74 = arith.constant 0 : i32
        %dma_wait3A_75 = arith.constant 0 : i32
        %dma_wait3A_76 = tpu.memref_slice %arg19[%dma_wait3A_74, %dma_wait3A_75] : memref<100352x8xf32, #tpu.memory_space<vmem_shared>> -> memref<100352x8xf32, #tpu.memory_space<vmem_shared>>
        tpu.wait_indirect_dma semaphore(%run_scoped3A : memref<!tpu.dma_semaphore, #tpu.memory_space<semaphore_mem>>) src(%arg17 : memref<2000x8xf32, #tpu.memory_space<vmem>>) dst(%dma_wait3A_76 : memref<100352x8xf32, #tpu.memory_space<vmem_shared>>)
        tpu.yield
      }) : () -> ()
      %lt3A_58 = arith.constant 24 : i32
      %lt3A_59 = arith.cmpi slt, %scan3A_40, %lt3A_58 : i32
      %convert_element_type3A_60 = arith.extui %lt3A_59 : i1 to i32
      %cond3A_61 = arith.constant 0 : i32
      %cond3A_62 = arith.cmpi ne, %convert_element_type3A_60, %cond3A_61 : i32
      scf.if %cond3A_62 {
        %mul3A_71 = arith.constant 4 : i32
        %mul3A_72 = arith.muli %mul3A_71, %scan3A_40 : i32
        %add3A_73 = arith.constant 2 : i32
        %add3A_74 = arith.addi %mul3A_72, %add3A_73 : i32
        %add3A_75 = arith.constant 4 : i32
        %add3A_76 = arith.addi %add3A_74, %add3A_75 : i32
        %mul3A_77 = arith.constant 2000 : i32
        %mul3A_78 = arith.muli %add3A_76, %mul3A_77 : i32
        %add3A_79 = arith.addi %mul3A_4, %mul3A_78 : i32
        "tpu.region"() ({
          %run_scoped3A = tpu.sem_alloc : memref<!tpu.dma_semaphore, #tpu.memory_space<semaphore_mem>>
          %dma_start3A_83 = tpu.memref_slice %arg3[%add3A_79] : memref<6400000xi32, #tpu.memory_space<hbm>> -> memref<2000xi32, #tpu.memory_space<hbm>>
          %dma_start3A_84 = tpu.memref_slice %arg3[%add3A_79] : memref<6400000xi32, #tpu.memory_space<hbm>> -> memref<2000xi32, #tpu.memory_space<hbm>>
          tpu.enqueue_dma source(%dma_start3A_84 : memref<2000xi32, #tpu.memory_space<hbm>>) target(%arg9 : memref<2000xi32, #tpu.memory_space<vmem>>) target_semaphore(%run_scoped3A : memref<!tpu.dma_semaphore, #tpu.memory_space<semaphore_mem>>)
          %dma_wait3A_85 = tpu.memref_slice %arg3[%add3A_79] : memref<6400000xi32, #tpu.memory_space<hbm>> -> memref<2000xi32, #tpu.memory_space<hbm>>
          %dma_wait3A_86 = tpu.memref_slice %arg3[%add3A_79] : memref<6400000xi32, #tpu.memory_space<hbm>> -> memref<2000xi32, #tpu.memory_space<hbm>>
          tpu.wait_dma2 semaphore(%run_scoped3A : memref<!tpu.dma_semaphore, #tpu.memory_space<semaphore_mem>>) src(%dma_wait3A_86 : memref<2000xi32, #tpu.memory_space<hbm>>) dst(%arg9 : memref<2000xi32, #tpu.memory_space<vmem>>)
          tpu.yield
        }) : () -> ()
        "tpu.region"() ({
          %run_scoped3A = tpu.sem_alloc : memref<!tpu.dma_semaphore, #tpu.memory_space<semaphore_mem>>
          %dma_start3A_83 = tpu.memref_slice %arg4[%add3A_79] : memref<6400000xi32, #tpu.memory_space<hbm>> -> memref<2000xi32, #tpu.memory_space<hbm>>
          %dma_start3A_84 = tpu.memref_slice %arg4[%add3A_79] : memref<6400000xi32, #tpu.memory_space<hbm>> -> memref<2000xi32, #tpu.memory_space<hbm>>
          tpu.enqueue_dma source(%dma_start3A_84 : memref<2000xi32, #tpu.memory_space<hbm>>) target(%arg13 : memref<2000xi32, #tpu.memory_space<vmem>>) target_semaphore(%run_scoped3A : memref<!tpu.dma_semaphore, #tpu.memory_space<semaphore_mem>>)
          %dma_wait3A_85 = tpu.memref_slice %arg4[%add3A_79] : memref<6400000xi32, #tpu.memory_space<hbm>> -> memref<2000xi32, #tpu.memory_space<hbm>>
          %dma_wait3A_86 = tpu.memref_slice %arg4[%add3A_79] : memref<6400000xi32, #tpu.memory_space<hbm>> -> memref<2000xi32, #tpu.memory_space<hbm>>
          tpu.wait_dma2 semaphore(%run_scoped3A : memref<!tpu.dma_semaphore, #tpu.memory_space<semaphore_mem>>) src(%dma_wait3A_86 : memref<2000xi32, #tpu.memory_space<hbm>>) dst(%arg13 : memref<2000xi32, #tpu.memory_space<vmem>>)
          tpu.yield
        }) : () -> ()
        %dma_start3A_80 = arith.constant 0 : i32
        %dma_start3A_81 = arith.constant 0 : i32
        %dma_start3A_82 = tpu.memref_slice %arg2[%dma_start3A_80, %dma_start3A_81] : memref<100352x8xf32, #tpu.memory_space<hbm>> -> memref<100352x8xf32, #tpu.memory_space<hbm>>
        tpu.enqueue_indirect_dma source(%dma_start3A_82 : memref<100352x8xf32, #tpu.memory_space<hbm>>) target(%arg17 : memref<2000x8xf32, #tpu.memory_space<vmem>>) offsets(%arg9 : memref<2000xi32, #tpu.memory_space<vmem>>) semaphore(%arg22 : memref<!tpu.dma_semaphore, #tpu.memory_space<semaphore_mem>>)
      } else {
      }
      %dma_wait3A_63 = arith.constant 0 : i32
      %dma_wait3A_64 = arith.constant 0 : i32
      %dma_wait3A_65 = tpu.memref_slice %arg2[%dma_wait3A_63, %dma_wait3A_64] : memref<100352x8xf32, #tpu.memory_space<hbm>> -> memref<100352x8xf32, #tpu.memory_space<hbm>>
      tpu.wait_indirect_dma semaphore(%arg23 : memref<!tpu.dma_semaphore, #tpu.memory_space<semaphore_mem>>) src(%dma_wait3A_65 : memref<100352x8xf32, #tpu.memory_space<hbm>>) dst(%arg18 : memref<2000x8xf32, #tpu.memory_space<vmem>>)
      "tpu.region"() ({
        %run_scoped3A = tpu.sem_alloc : memref<!tpu.dma_semaphore, #tpu.memory_space<semaphore_mem>>
        %dma_start3A_71 = arith.constant 0 : i32
        %dma_start3A_72 = arith.constant 0 : i32
        %dma_start3A_73 = tpu.memref_slice %arg19[%dma_start3A_71, %dma_start3A_72] : memref<100352x8xf32, #tpu.memory_space<vmem_shared>> -> memref<100352x8xf32, #tpu.memory_space<vmem_shared>>
        tpu.enqueue_indirect_dma source(%arg18 : memref<2000x8xf32, #tpu.memory_space<vmem>>) target(%dma_start3A_73 : memref<100352x8xf32, #tpu.memory_space<vmem_shared>>) offsets(%arg14 : memref<2000xi32, #tpu.memory_space<vmem>>) semaphore(%run_scoped3A : memref<!tpu.dma_semaphore, #tpu.memory_space<semaphore_mem>>) {add = true}
        %dma_wait3A_74 = arith.constant 0 : i32
        %dma_wait3A_75 = arith.constant 0 : i32
        %dma_wait3A_76 = tpu.memref_slice %arg19[%dma_wait3A_74, %dma_wait3A_75] : memref<100352x8xf32, #tpu.memory_space<vmem_shared>> -> memref<100352x8xf32, #tpu.memory_space<vmem_shared>>
        tpu.wait_indirect_dma semaphore(%run_scoped3A : memref<!tpu.dma_semaphore, #tpu.memory_space<semaphore_mem>>) src(%arg18 : memref<2000x8xf32, #tpu.memory_space<vmem>>) dst(%dma_wait3A_76 : memref<100352x8xf32, #tpu.memory_space<vmem_shared>>)
        tpu.yield
      }) : () -> ()
      %lt3A_66 = arith.constant 24 : i32
      %lt3A_67 = arith.cmpi slt, %scan3A_40, %lt3A_66 : i32
      %convert_element_type3A_68 = arith.extui %lt3A_67 : i1 to i32
      %cond3A_69 = arith.constant 0 : i32
      %cond3A_70 = arith.cmpi ne, %convert_element_type3A_68, %cond3A_69 : i32
      scf.if %cond3A_70 {
        %mul3A_71 = arith.constant 4 : i32
        %mul3A_72 = arith.muli %mul3A_71, %scan3A_40 : i32
        %add3A_73 = arith.constant 3 : i32
        %add3A_74 = arith.addi %mul3A_72, %add3A_73 : i32
        %add3A_75 = arith.constant 4 : i32
        %add3A_76 = arith.addi %add3A_74, %add3A_75 : i32
        %mul3A_77 = arith.constant 2000 : i32
        %mul3A_78 = arith.muli %add3A_76, %mul3A_77 : i32
        %add3A_79 = arith.addi %mul3A_4, %mul3A_78 : i32
        "tpu.region"() ({
          %run_scoped3A = tpu.sem_alloc : memref<!tpu.dma_semaphore, #tpu.memory_space<semaphore_mem>>
          %dma_start3A_83 = tpu.memref_slice %arg3[%add3A_79] : memref<6400000xi32, #tpu.memory_space<hbm>> -> memref<2000xi32, #tpu.memory_space<hbm>>
          %dma_start3A_84 = tpu.memref_slice %arg3[%add3A_79] : memref<6400000xi32, #tpu.memory_space<hbm>> -> memref<2000xi32, #tpu.memory_space<hbm>>
          tpu.enqueue_dma source(%dma_start3A_84 : memref<2000xi32, #tpu.memory_space<hbm>>) target(%arg10 : memref<2000xi32, #tpu.memory_space<vmem>>) target_semaphore(%run_scoped3A : memref<!tpu.dma_semaphore, #tpu.memory_space<semaphore_mem>>)
          %dma_wait3A_85 = tpu.memref_slice %arg3[%add3A_79] : memref<6400000xi32, #tpu.memory_space<hbm>> -> memref<2000xi32, #tpu.memory_space<hbm>>
          %dma_wait3A_86 = tpu.memref_slice %arg3[%add3A_79] : memref<6400000xi32, #tpu.memory_space<hbm>> -> memref<2000xi32, #tpu.memory_space<hbm>>
          tpu.wait_dma2 semaphore(%run_scoped3A : memref<!tpu.dma_semaphore, #tpu.memory_space<semaphore_mem>>) src(%dma_wait3A_86 : memref<2000xi32, #tpu.memory_space<hbm>>) dst(%arg10 : memref<2000xi32, #tpu.memory_space<vmem>>)
          tpu.yield
        }) : () -> ()
        "tpu.region"() ({
          %run_scoped3A = tpu.sem_alloc : memref<!tpu.dma_semaphore, #tpu.memory_space<semaphore_mem>>
          %dma_start3A_83 = tpu.memref_slice %arg4[%add3A_79] : memref<6400000xi32, #tpu.memory_space<hbm>> -> memref<2000xi32, #tpu.memory_space<hbm>>
          %dma_start3A_84 = tpu.memref_slice %arg4[%add3A_79] : memref<6400000xi32, #tpu.memory_space<hbm>> -> memref<2000xi32, #tpu.memory_space<hbm>>
          tpu.enqueue_dma source(%dma_start3A_84 : memref<2000xi32, #tpu.memory_space<hbm>>) target(%arg14 : memref<2000xi32, #tpu.memory_space<vmem>>) target_semaphore(%run_scoped3A : memref<!tpu.dma_semaphore, #tpu.memory_space<semaphore_mem>>)
          %dma_wait3A_85 = tpu.memref_slice %arg4[%add3A_79] : memref<6400000xi32, #tpu.memory_space<hbm>> -> memref<2000xi32, #tpu.memory_space<hbm>>
          %dma_wait3A_86 = tpu.memref_slice %arg4[%add3A_79] : memref<6400000xi32, #tpu.memory_space<hbm>> -> memref<2000xi32, #tpu.memory_space<hbm>>
          tpu.wait_dma2 semaphore(%run_scoped3A : memref<!tpu.dma_semaphore, #tpu.memory_space<semaphore_mem>>) src(%dma_wait3A_86 : memref<2000xi32, #tpu.memory_space<hbm>>) dst(%arg14 : memref<2000xi32, #tpu.memory_space<vmem>>)
          tpu.yield
        }) : () -> ()
        %dma_start3A_80 = arith.constant 0 : i32
        %dma_start3A_81 = arith.constant 0 : i32
        %dma_start3A_82 = tpu.memref_slice %arg2[%dma_start3A_80, %dma_start3A_81] : memref<100352x8xf32, #tpu.memory_space<hbm>> -> memref<100352x8xf32, #tpu.memory_space<hbm>>
        tpu.enqueue_indirect_dma source(%dma_start3A_82 : memref<100352x8xf32, #tpu.memory_space<hbm>>) target(%arg18 : memref<2000x8xf32, #tpu.memory_space<vmem>>) offsets(%arg10 : memref<2000xi32, #tpu.memory_space<vmem>>) semaphore(%arg23 : memref<!tpu.dma_semaphore, #tpu.memory_space<semaphore_mem>>)
      } else {
      }
    }
    %scan3A_36 = arith.constant 25 : i32
    %barrier3A_37 = arith.constant 0 : index
    tpu.barrier barrier_id(%barrier3A_37)
    %mul3A_38 = arith.constant 6272 : i32
    %mul3A_39 = arith.muli %arg1, %mul3A_38 : i32
    "tpu.region"() ({
      %run_scoped3A = tpu.sem_alloc : memref<!tpu.dma_semaphore, #tpu.memory_space<semaphore_mem>>
      %dma_start3A_40 = arith.constant 0 : i32
      %dma_start3A_41 = tpu.memref_slice %arg6[%arg0, %mul3A_39, %dma_start3A_40] : memref<2x100352x8xf32, #tpu.memory_space<hbm>> -> memref<1x6272x8xf32, #tpu.memory_space<hbm>>
      %dma_start3A_42 = tpu.memref_squeeze %dma_start3A_41 : memref<1x6272x8xf32, #tpu.memory_space<hbm>> -> memref<6272x8xf32, #tpu.memory_space<hbm>>
      %dma_start3A_43 = arith.constant 0 : i32
      %dma_start3A_44 = tpu.memref_slice %arg19[%mul3A_39, %dma_start3A_43] : memref<100352x8xf32, #tpu.memory_space<vmem_shared>> -> memref<6272x8xf32, #tpu.memory_space<vmem_shared>>
      tpu.enqueue_dma source(%dma_start3A_44 : memref<6272x8xf32, #tpu.memory_space<vmem_shared>>) target(%dma_start3A_42 : memref<6272x8xf32, #tpu.memory_space<hbm>>) target_semaphore(%run_scoped3A : memref<!tpu.dma_semaphore, #tpu.memory_space<semaphore_mem>>)
      %dma_wait3A = arith.constant 0 : i32
      %dma_wait3A_45 = tpu.memref_slice %arg6[%arg0, %mul3A_39, %dma_wait3A] : memref<2x100352x8xf32, #tpu.memory_space<hbm>> -> memref<1x6272x8xf32, #tpu.memory_space<hbm>>
      %dma_wait3A_46 = tpu.memref_squeeze %dma_wait3A_45 : memref<1x6272x8xf32, #tpu.memory_space<hbm>> -> memref<6272x8xf32, #tpu.memory_space<hbm>>
      %dma_wait3A_47 = arith.constant 0 : i32
      %dma_wait3A_48 = tpu.memref_slice %arg19[%mul3A_39, %dma_wait3A_47] : memref<100352x8xf32, #tpu.memory_space<vmem_shared>> -> memref<6272x8xf32, #tpu.memory_space<vmem_shared>>
      tpu.wait_dma2 semaphore(%run_scoped3A : memref<!tpu.dma_semaphore, #tpu.memory_space<semaphore_mem>>) src(%dma_wait3A_48 : memref<6272x8xf32, #tpu.memory_space<vmem_shared>>) dst(%dma_wait3A_46 : memref<6272x8xf32, #tpu.memory_space<hbm>>)
      tpu.yield
    }) : () -> ()
    return
  }
}

#map = affine_map<(d0, d1) -> (0, 0)>
#map1 = affine_map<(d0, d1) -> (0)>
#map2 = affine_map<(d0, d1) -> (0, 0, 0)>
module attributes {stable_mosaic.version = 14 : i64} {
  func.func @run(%arg0: i32, %arg1: i32, %arg2: memref<100352x8xf32, #tpu.memory_space<hbm>>, %arg3: memref<100352xi32, #tpu.memory_space<hbm>>, %arg4: memref<3136x8xf32, #tpu.memory_space<hbm>>, %arg5: memref<528x8xf32, #tpu.memory_space<hbm>>, %arg6: memref<2x528x8xf32, #tpu.memory_space<hbm>>, %arg7: memref<2x528x8xf32, #tpu.memory_space<hbm>>, %arg8: memref<3136xi32, #tpu.memory_space<vmem>>, %arg9: memref<3136x8xf32, #tpu.memory_space<vmem>>, %arg10: memref<3136x8xf32, #tpu.memory_space<vmem>>, %arg11: memref<528x8xf32, #tpu.memory_space<vmem_shared>>, %arg12: memref<528x8xf32, #tpu.memory_space<vmem_shared>>) attributes {dimension_semantics = [#tpu.dimension_semantics<core_parallel>, #tpu.dimension_semantics<subcore_parallel>], iteration_bounds = array<i64: 2, 16>, scalar_prefetch = 0 : i64, scratch_operands = 5 : i64, tpu.core_type = #tpu.core_type<sc_vector_subcore>, window_params = [{transform_indices = #map}, {transform_indices = #map1}, {transform_indices = #map}, {transform_indices = #map}, {transform_indices = #map2}, {transform_indices = #map2}]} {
    %mul3A = arith.constant 2 : i32
    %mul3A_0 = arith.muli %arg1, %mul3A : i32
    %add3A = arith.addi %mul3A_0, %arg0 : i32
    %eq3A = arith.constant 0 : i32
    %eq3A_1 = arith.cmpi eq, %arg1, %eq3A : i32
    %convert_element_type3A = arith.extui %eq3A_1 : i1 to i32
    %cond3A = arith.constant 0 : i32
    %cond3A_2 = arith.cmpi ne, %convert_element_type3A, %cond3A : i32
    scf.if %cond3A_2 {
      "tpu.region"() ({
        %run_scoped3A = tpu.sem_alloc : memref<!tpu.dma_semaphore, #tpu.memory_space<semaphore_mem>>
        tpu.enqueue_dma source(%arg5 : memref<528x8xf32, #tpu.memory_space<hbm>>) target(%arg11 : memref<528x8xf32, #tpu.memory_space<vmem_shared>>) target_semaphore(%run_scoped3A : memref<!tpu.dma_semaphore, #tpu.memory_space<semaphore_mem>>)
        tpu.wait_dma2 semaphore(%run_scoped3A : memref<!tpu.dma_semaphore, #tpu.memory_space<semaphore_mem>>) src(%arg5 : memref<528x8xf32, #tpu.memory_space<hbm>>) dst(%arg11 : memref<528x8xf32, #tpu.memory_space<vmem_shared>>)
        tpu.yield
      }) : () -> ()
      "tpu.region"() ({
        %run_scoped3A = tpu.sem_alloc : memref<!tpu.dma_semaphore, #tpu.memory_space<semaphore_mem>>
        tpu.enqueue_dma source(%arg5 : memref<528x8xf32, #tpu.memory_space<hbm>>) target(%arg12 : memref<528x8xf32, #tpu.memory_space<vmem_shared>>) target_semaphore(%run_scoped3A : memref<!tpu.dma_semaphore, #tpu.memory_space<semaphore_mem>>)
        tpu.wait_dma2 semaphore(%run_scoped3A : memref<!tpu.dma_semaphore, #tpu.memory_space<semaphore_mem>>) src(%arg5 : memref<528x8xf32, #tpu.memory_space<hbm>>) dst(%arg12 : memref<528x8xf32, #tpu.memory_space<vmem_shared>>)
        tpu.yield
      }) : () -> ()
    } else {
    }
    "tpu.region"() ({
      %run_scoped3A = tpu.sem_alloc : memref<!tpu.dma_semaphore, #tpu.memory_space<semaphore_mem>>
      tpu.enqueue_dma source(%arg4 : memref<3136x8xf32, #tpu.memory_space<hbm>>) target(%arg10 : memref<3136x8xf32, #tpu.memory_space<vmem>>) target_semaphore(%run_scoped3A : memref<!tpu.dma_semaphore, #tpu.memory_space<semaphore_mem>>)
      tpu.wait_dma2 semaphore(%run_scoped3A : memref<!tpu.dma_semaphore, #tpu.memory_space<semaphore_mem>>) src(%arg4 : memref<3136x8xf32, #tpu.memory_space<hbm>>) dst(%arg10 : memref<3136x8xf32, #tpu.memory_space<vmem>>)
      tpu.yield
    }) : () -> ()
    %barrier3A = arith.constant 0 : index
    tpu.barrier barrier_id(%barrier3A)
    %mul3A_3 = arith.constant 3136 : i32
    %mul3A_4 = arith.muli %add3A, %mul3A_3 : i32
    "tpu.region"() ({
      %run_scoped3A = tpu.sem_alloc : memref<!tpu.dma_semaphore, #tpu.memory_space<semaphore_mem>>
      %dma_start3A = tpu.memref_slice %arg3[%mul3A_4] : memref<100352xi32, #tpu.memory_space<hbm>> -> memref<3136xi32, #tpu.memory_space<hbm>>
      %dma_start3A_11 = tpu.memref_slice %arg3[%mul3A_4] : memref<100352xi32, #tpu.memory_space<hbm>> -> memref<3136xi32, #tpu.memory_space<hbm>>
      tpu.enqueue_dma source(%dma_start3A_11 : memref<3136xi32, #tpu.memory_space<hbm>>) target(%arg8 : memref<3136xi32, #tpu.memory_space<vmem>>) target_semaphore(%run_scoped3A : memref<!tpu.dma_semaphore, #tpu.memory_space<semaphore_mem>>)
      %dma_wait3A = tpu.memref_slice %arg3[%mul3A_4] : memref<100352xi32, #tpu.memory_space<hbm>> -> memref<3136xi32, #tpu.memory_space<hbm>>
      %dma_wait3A_12 = tpu.memref_slice %arg3[%mul3A_4] : memref<100352xi32, #tpu.memory_space<hbm>> -> memref<3136xi32, #tpu.memory_space<hbm>>
      tpu.wait_dma2 semaphore(%run_scoped3A : memref<!tpu.dma_semaphore, #tpu.memory_space<semaphore_mem>>) src(%dma_wait3A_12 : memref<3136xi32, #tpu.memory_space<hbm>>) dst(%arg8 : memref<3136xi32, #tpu.memory_space<vmem>>)
      tpu.yield
    }) : () -> ()
    "tpu.region"() ({
      %run_scoped3A = tpu.sem_alloc : memref<!tpu.dma_semaphore, #tpu.memory_space<semaphore_mem>>
      %dma_start3A = arith.constant 0 : i32
      %dma_start3A_11 = tpu.memref_slice %arg2[%mul3A_4, %dma_start3A] : memref<100352x8xf32, #tpu.memory_space<hbm>> -> memref<3136x8xf32, #tpu.memory_space<hbm>>
      %dma_start3A_12 = arith.constant 0 : i32
      %dma_start3A_13 = tpu.memref_slice %arg2[%mul3A_4, %dma_start3A_12] : memref<100352x8xf32, #tpu.memory_space<hbm>> -> memref<3136x8xf32, #tpu.memory_space<hbm>>
      tpu.enqueue_dma source(%dma_start3A_13 : memref<3136x8xf32, #tpu.memory_space<hbm>>) target(%arg9 : memref<3136x8xf32, #tpu.memory_space<vmem>>) target_semaphore(%run_scoped3A : memref<!tpu.dma_semaphore, #tpu.memory_space<semaphore_mem>>)
      %dma_wait3A = arith.constant 0 : i32
      %dma_wait3A_14 = tpu.memref_slice %arg2[%mul3A_4, %dma_wait3A] : memref<100352x8xf32, #tpu.memory_space<hbm>> -> memref<3136x8xf32, #tpu.memory_space<hbm>>
      %dma_wait3A_15 = arith.constant 0 : i32
      %dma_wait3A_16 = tpu.memref_slice %arg2[%mul3A_4, %dma_wait3A_15] : memref<100352x8xf32, #tpu.memory_space<hbm>> -> memref<3136x8xf32, #tpu.memory_space<hbm>>
      tpu.wait_dma2 semaphore(%run_scoped3A : memref<!tpu.dma_semaphore, #tpu.memory_space<semaphore_mem>>) src(%dma_wait3A_16 : memref<3136x8xf32, #tpu.memory_space<hbm>>) dst(%arg9 : memref<3136x8xf32, #tpu.memory_space<vmem>>)
      tpu.yield
    }) : () -> ()
    "tpu.region"() ({
      %run_scoped3A = tpu.sem_alloc : memref<!tpu.dma_semaphore, #tpu.memory_space<semaphore_mem>>
      %dma_start3A = arith.constant 0 : i32
      %dma_start3A_11 = arith.constant 0 : i32
      %dma_start3A_12 = tpu.memref_slice %arg11[%dma_start3A, %dma_start3A_11] : memref<528x8xf32, #tpu.memory_space<vmem_shared>> -> memref<528x8xf32, #tpu.memory_space<vmem_shared>>
      tpu.enqueue_indirect_dma source(%arg9 : memref<3136x8xf32, #tpu.memory_space<vmem>>) target(%dma_start3A_12 : memref<528x8xf32, #tpu.memory_space<vmem_shared>>) offsets(%arg8 : memref<3136xi32, #tpu.memory_space<vmem>>) semaphore(%run_scoped3A : memref<!tpu.dma_semaphore, #tpu.memory_space<semaphore_mem>>) {add = true}
      %dma_wait3A = arith.constant 0 : i32
      %dma_wait3A_13 = arith.constant 0 : i32
      %dma_wait3A_14 = tpu.memref_slice %arg11[%dma_wait3A, %dma_wait3A_13] : memref<528x8xf32, #tpu.memory_space<vmem_shared>> -> memref<528x8xf32, #tpu.memory_space<vmem_shared>>
      tpu.wait_indirect_dma semaphore(%run_scoped3A : memref<!tpu.dma_semaphore, #tpu.memory_space<semaphore_mem>>) src(%arg9 : memref<3136x8xf32, #tpu.memory_space<vmem>>) dst(%dma_wait3A_14 : memref<528x8xf32, #tpu.memory_space<vmem_shared>>)
      tpu.yield
    }) : () -> ()
    "tpu.region"() ({
      %run_scoped3A = tpu.sem_alloc : memref<!tpu.dma_semaphore, #tpu.memory_space<semaphore_mem>>
      %dma_start3A = arith.constant 0 : i32
      %dma_start3A_11 = arith.constant 0 : i32
      %dma_start3A_12 = tpu.memref_slice %arg12[%dma_start3A, %dma_start3A_11] : memref<528x8xf32, #tpu.memory_space<vmem_shared>> -> memref<528x8xf32, #tpu.memory_space<vmem_shared>>
      tpu.enqueue_indirect_dma source(%arg10 : memref<3136x8xf32, #tpu.memory_space<vmem>>) target(%dma_start3A_12 : memref<528x8xf32, #tpu.memory_space<vmem_shared>>) offsets(%arg8 : memref<3136xi32, #tpu.memory_space<vmem>>) semaphore(%run_scoped3A : memref<!tpu.dma_semaphore, #tpu.memory_space<semaphore_mem>>) {add = true}
      %dma_wait3A = arith.constant 0 : i32
      %dma_wait3A_13 = arith.constant 0 : i32
      %dma_wait3A_14 = tpu.memref_slice %arg12[%dma_wait3A, %dma_wait3A_13] : memref<528x8xf32, #tpu.memory_space<vmem_shared>> -> memref<528x8xf32, #tpu.memory_space<vmem_shared>>
      tpu.wait_indirect_dma semaphore(%run_scoped3A : memref<!tpu.dma_semaphore, #tpu.memory_space<semaphore_mem>>) src(%arg10 : memref<3136x8xf32, #tpu.memory_space<vmem>>) dst(%dma_wait3A_14 : memref<528x8xf32, #tpu.memory_space<vmem_shared>>)
      tpu.yield
    }) : () -> ()
    %barrier3A_5 = arith.constant 0 : index
    tpu.barrier barrier_id(%barrier3A_5)
    %eq3A_6 = arith.constant 0 : i32
    %eq3A_7 = arith.cmpi eq, %arg1, %eq3A_6 : i32
    %convert_element_type3A_8 = arith.extui %eq3A_7 : i1 to i32
    %cond3A_9 = arith.constant 0 : i32
    %cond3A_10 = arith.cmpi ne, %convert_element_type3A_8, %cond3A_9 : i32
    scf.if %cond3A_10 {
      "tpu.region"() ({
        %run_scoped3A = tpu.sem_alloc : memref<!tpu.dma_semaphore, #tpu.memory_space<semaphore_mem>>
        %dma_start3A = arith.constant 0 : i32
        %dma_start3A_11 = arith.constant 0 : i32
        %dma_start3A_12 = tpu.memref_slice %arg6[%arg0, %dma_start3A, %dma_start3A_11] : memref<2x528x8xf32, #tpu.memory_space<hbm>> -> memref<1x528x8xf32, #tpu.memory_space<hbm>>
        %dma_start3A_13 = tpu.memref_squeeze %dma_start3A_12 : memref<1x528x8xf32, #tpu.memory_space<hbm>> -> memref<528x8xf32, #tpu.memory_space<hbm>>
        tpu.enqueue_dma source(%arg11 : memref<528x8xf32, #tpu.memory_space<vmem_shared>>) target(%dma_start3A_13 : memref<528x8xf32, #tpu.memory_space<hbm>>) target_semaphore(%run_scoped3A : memref<!tpu.dma_semaphore, #tpu.memory_space<semaphore_mem>>)
        %dma_wait3A = arith.constant 0 : i32
        %dma_wait3A_14 = arith.constant 0 : i32
        %dma_wait3A_15 = tpu.memref_slice %arg6[%arg0, %dma_wait3A, %dma_wait3A_14] : memref<2x528x8xf32, #tpu.memory_space<hbm>> -> memref<1x528x8xf32, #tpu.memory_space<hbm>>
        %dma_wait3A_16 = tpu.memref_squeeze %dma_wait3A_15 : memref<1x528x8xf32, #tpu.memory_space<hbm>> -> memref<528x8xf32, #tpu.memory_space<hbm>>
        tpu.wait_dma2 semaphore(%run_scoped3A : memref<!tpu.dma_semaphore, #tpu.memory_space<semaphore_mem>>) src(%arg11 : memref<528x8xf32, #tpu.memory_space<vmem_shared>>) dst(%dma_wait3A_16 : memref<528x8xf32, #tpu.memory_space<hbm>>)
        tpu.yield
      }) : () -> ()
      "tpu.region"() ({
        %run_scoped3A = tpu.sem_alloc : memref<!tpu.dma_semaphore, #tpu.memory_space<semaphore_mem>>
        %dma_start3A = arith.constant 0 : i32
        %dma_start3A_11 = arith.constant 0 : i32
        %dma_start3A_12 = tpu.memref_slice %arg7[%arg0, %dma_start3A, %dma_start3A_11] : memref<2x528x8xf32, #tpu.memory_space<hbm>> -> memref<1x528x8xf32, #tpu.memory_space<hbm>>
        %dma_start3A_13 = tpu.memref_squeeze %dma_start3A_12 : memref<1x528x8xf32, #tpu.memory_space<hbm>> -> memref<528x8xf32, #tpu.memory_space<hbm>>
        tpu.enqueue_dma source(%arg12 : memref<528x8xf32, #tpu.memory_space<vmem_shared>>) target(%dma_start3A_13 : memref<528x8xf32, #tpu.memory_space<hbm>>) target_semaphore(%run_scoped3A : memref<!tpu.dma_semaphore, #tpu.memory_space<semaphore_mem>>)
        %dma_wait3A = arith.constant 0 : i32
        %dma_wait3A_14 = arith.constant 0 : i32
        %dma_wait3A_15 = tpu.memref_slice %arg7[%arg0, %dma_wait3A, %dma_wait3A_14] : memref<2x528x8xf32, #tpu.memory_space<hbm>> -> memref<1x528x8xf32, #tpu.memory_space<hbm>>
        %dma_wait3A_16 = tpu.memref_squeeze %dma_wait3A_15 : memref<1x528x8xf32, #tpu.memory_space<hbm>> -> memref<528x8xf32, #tpu.memory_space<hbm>>
        tpu.wait_dma2 semaphore(%run_scoped3A : memref<!tpu.dma_semaphore, #tpu.memory_space<semaphore_mem>>) src(%arg12 : memref<528x8xf32, #tpu.memory_space<vmem_shared>>) dst(%dma_wait3A_16 : memref<528x8xf32, #tpu.memory_space<hbm>>)
        tpu.yield
      }) : () -> ()
    } else {
    }
    return
  }
}

#map = affine_map<(d0, d1) -> (0)>
#map1 = affine_map<(d0, d1) -> (0, 0)>
#map2 = affine_map<(d0, d1) -> (0, 0, 0)>
module attributes {stable_mosaic.version = 14 : i64} {
  func.func @run(%arg0: i32, %arg1: i32, %arg2: memref<6400000xi32, #tpu.memory_space<hbm>>, %arg3: memref<2000x8xf32, #tpu.memory_space<hbm>>, %arg4: memref<100352x8xf32, #tpu.memory_space<hbm>>, %arg5: memref<2x100352x8xf32, #tpu.memory_space<hbm>>, %arg6: memref<2000xi32, #tpu.memory_space<vmem>>, %arg7: memref<2000xi32, #tpu.memory_space<vmem>>, %arg8: memref<2000x8xf32, #tpu.memory_space<vmem>>, %arg9: memref<100352x8xf32, #tpu.memory_space<vmem_shared>>, %arg10: memref<!tpu.dma_semaphore, #tpu.memory_space<semaphore_mem>>) attributes {dimension_semantics = [#tpu.dimension_semantics<core_parallel>, #tpu.dimension_semantics<subcore_parallel>], iteration_bounds = array<i64: 2, 16>, scalar_prefetch = 0 : i64, scratch_operands = 5 : i64, tpu.core_type = #tpu.core_type<sc_vector_subcore>, window_params = [{transform_indices = #map}, {transform_indices = #map1}, {transform_indices = #map1}, {transform_indices = #map2}]} {
    %mul3A = arith.constant 2 : i32
    %mul3A_0 = arith.muli %arg1, %mul3A : i32
    %add3A = arith.addi %mul3A_0, %arg0 : i32
    %eq3A = arith.constant 0 : i32
    %eq3A_1 = arith.cmpi eq, %arg1, %eq3A : i32
    %convert_element_type3A = arith.extui %eq3A_1 : i1 to i32
    %cond3A = arith.constant 0 : i32
    %cond3A_2 = arith.cmpi ne, %convert_element_type3A, %cond3A : i32
    scf.if %cond3A_2 {
      "tpu.region"() ({
        %run_scoped3A = tpu.sem_alloc : memref<!tpu.dma_semaphore, #tpu.memory_space<semaphore_mem>>
        tpu.enqueue_dma source(%arg4 : memref<100352x8xf32, #tpu.memory_space<hbm>>) target(%arg9 : memref<100352x8xf32, #tpu.memory_space<vmem_shared>>) target_semaphore(%run_scoped3A : memref<!tpu.dma_semaphore, #tpu.memory_space<semaphore_mem>>)
        tpu.wait_dma2 semaphore(%run_scoped3A : memref<!tpu.dma_semaphore, #tpu.memory_space<semaphore_mem>>) src(%arg4 : memref<100352x8xf32, #tpu.memory_space<hbm>>) dst(%arg9 : memref<100352x8xf32, #tpu.memory_space<vmem_shared>>)
        tpu.yield
      }) : () -> ()
    } else {
    }
    "tpu.region"() ({
      %run_scoped3A = tpu.sem_alloc : memref<!tpu.dma_semaphore, #tpu.memory_space<semaphore_mem>>
      tpu.enqueue_dma source(%arg3 : memref<2000x8xf32, #tpu.memory_space<hbm>>) target(%arg8 : memref<2000x8xf32, #tpu.memory_space<vmem>>) target_semaphore(%run_scoped3A : memref<!tpu.dma_semaphore, #tpu.memory_space<semaphore_mem>>)
      tpu.wait_dma2 semaphore(%run_scoped3A : memref<!tpu.dma_semaphore, #tpu.memory_space<semaphore_mem>>) src(%arg3 : memref<2000x8xf32, #tpu.memory_space<hbm>>) dst(%arg8 : memref<2000x8xf32, #tpu.memory_space<vmem>>)
      tpu.yield
    }) : () -> ()
    %barrier3A = arith.constant 0 : index
    tpu.barrier barrier_id(%barrier3A)
    %mul3A_3 = arith.constant 200000 : i32
    %mul3A_4 = arith.muli %add3A, %mul3A_3 : i32
    "tpu.region"() ({
      %run_scoped3A = tpu.sem_alloc : memref<!tpu.dma_semaphore, #tpu.memory_space<semaphore_mem>>
      %dma_start3A = tpu.memref_slice %arg2[%mul3A_4] : memref<6400000xi32, #tpu.memory_space<hbm>> -> memref<2000xi32, #tpu.memory_space<hbm>>
      %dma_start3A_13 = tpu.memref_slice %arg2[%mul3A_4] : memref<6400000xi32, #tpu.memory_space<hbm>> -> memref<2000xi32, #tpu.memory_space<hbm>>
      tpu.enqueue_dma source(%dma_start3A_13 : memref<2000xi32, #tpu.memory_space<hbm>>) target(%arg6 : memref<2000xi32, #tpu.memory_space<vmem>>) target_semaphore(%run_scoped3A : memref<!tpu.dma_semaphore, #tpu.memory_space<semaphore_mem>>)
      %dma_wait3A = tpu.memref_slice %arg2[%mul3A_4] : memref<6400000xi32, #tpu.memory_space<hbm>> -> memref<2000xi32, #tpu.memory_space<hbm>>
      %dma_wait3A_14 = tpu.memref_slice %arg2[%mul3A_4] : memref<6400000xi32, #tpu.memory_space<hbm>> -> memref<2000xi32, #tpu.memory_space<hbm>>
      tpu.wait_dma2 semaphore(%run_scoped3A : memref<!tpu.dma_semaphore, #tpu.memory_space<semaphore_mem>>) src(%dma_wait3A_14 : memref<2000xi32, #tpu.memory_space<hbm>>) dst(%arg6 : memref<2000xi32, #tpu.memory_space<vmem>>)
      tpu.yield
    }) : () -> ()
    %scan3A = arith.constant 0 : i32
    %scan3A_5 = arith.constant 0 : i32
    %scan3A_6 = arith.constant 50 : i32
    %scan3A_7 = arith.addi %scan3A_5, %scan3A_6 : i32
    %scan3A_8 = arith.constant 1 : i32
    scf.for %scan3A_13 = %scan3A_5 to %scan3A_7 step %scan3A_8  : i32 {
      %mul3A_14 = arith.constant 2 : i32
      %mul3A_15 = arith.muli %mul3A_14, %scan3A_13 : i32
      %add3A_16 = arith.constant 1 : i32
      %add3A_17 = arith.addi %mul3A_15, %add3A_16 : i32
      %mul3A_18 = arith.constant 2000 : i32
      %mul3A_19 = arith.muli %add3A_17, %mul3A_18 : i32
      %add3A_20 = arith.addi %mul3A_4, %mul3A_19 : i32
      %dma_start3A = tpu.memref_slice %arg2[%add3A_20] : memref<6400000xi32, #tpu.memory_space<hbm>> -> memref<2000xi32, #tpu.memory_space<hbm>>
      %dma_start3A_21 = tpu.memref_slice %arg2[%add3A_20] : memref<6400000xi32, #tpu.memory_space<hbm>> -> memref<2000xi32, #tpu.memory_space<hbm>>
      tpu.enqueue_dma source(%dma_start3A_21 : memref<2000xi32, #tpu.memory_space<hbm>>) target(%arg7 : memref<2000xi32, #tpu.memory_space<vmem>>) target_semaphore(%arg10 : memref<!tpu.dma_semaphore, #tpu.memory_space<semaphore_mem>>)
      "tpu.region"() ({
        %run_scoped3A = tpu.sem_alloc : memref<!tpu.dma_semaphore, #tpu.memory_space<semaphore_mem>>
        %dma_start3A_32 = arith.constant 0 : i32
        %dma_start3A_33 = arith.constant 0 : i32
        %dma_start3A_34 = tpu.memref_slice %arg9[%dma_start3A_32, %dma_start3A_33] : memref<100352x8xf32, #tpu.memory_space<vmem_shared>> -> memref<100352x8xf32, #tpu.memory_space<vmem_shared>>
        tpu.enqueue_indirect_dma source(%arg8 : memref<2000x8xf32, #tpu.memory_space<vmem>>) target(%dma_start3A_34 : memref<100352x8xf32, #tpu.memory_space<vmem_shared>>) offsets(%arg6 : memref<2000xi32, #tpu.memory_space<vmem>>) semaphore(%run_scoped3A : memref<!tpu.dma_semaphore, #tpu.memory_space<semaphore_mem>>) {add = true}
        %dma_wait3A_35 = arith.constant 0 : i32
        %dma_wait3A_36 = arith.constant 0 : i32
        %dma_wait3A_37 = tpu.memref_slice %arg9[%dma_wait3A_35, %dma_wait3A_36] : memref<100352x8xf32, #tpu.memory_space<vmem_shared>> -> memref<100352x8xf32, #tpu.memory_space<vmem_shared>>
        tpu.wait_indirect_dma semaphore(%run_scoped3A : memref<!tpu.dma_semaphore, #tpu.memory_space<semaphore_mem>>) src(%arg8 : memref<2000x8xf32, #tpu.memory_space<vmem>>) dst(%dma_wait3A_37 : memref<100352x8xf32, #tpu.memory_space<vmem_shared>>)
        tpu.yield
      }) : () -> ()
      %dma_wait3A = tpu.memref_slice %arg2[%add3A_20] : memref<6400000xi32, #tpu.memory_space<hbm>> -> memref<2000xi32, #tpu.memory_space<hbm>>
      %dma_wait3A_22 = tpu.memref_slice %arg2[%add3A_20] : memref<6400000xi32, #tpu.memory_space<hbm>> -> memref<2000xi32, #tpu.memory_space<hbm>>
      tpu.wait_dma2 semaphore(%arg10 : memref<!tpu.dma_semaphore, #tpu.memory_space<semaphore_mem>>) src(%dma_wait3A_22 : memref<2000xi32, #tpu.memory_space<hbm>>) dst(%arg7 : memref<2000xi32, #tpu.memory_space<vmem>>)
      %lt3A = arith.constant 49 : i32
      %lt3A_23 = arith.cmpi slt, %scan3A_13, %lt3A : i32
      %convert_element_type3A_24 = arith.extui %lt3A_23 : i1 to i32
      %cond3A_25 = arith.constant 0 : i32
      %cond3A_26 = arith.cmpi ne, %convert_element_type3A_24, %cond3A_25 : i32
      scf.if %cond3A_26 {
        %mul3A_32 = arith.constant 2 : i32
        %mul3A_33 = arith.muli %mul3A_32, %scan3A_13 : i32
        %add3A_34 = arith.constant 2 : i32
        %add3A_35 = arith.addi %mul3A_33, %add3A_34 : i32
        %mul3A_36 = arith.constant 2000 : i32
        %mul3A_37 = arith.muli %add3A_35, %mul3A_36 : i32
        %add3A_38 = arith.addi %mul3A_4, %mul3A_37 : i32
        %dma_start3A_39 = tpu.memref_slice %arg2[%add3A_38] : memref<6400000xi32, #tpu.memory_space<hbm>> -> memref<2000xi32, #tpu.memory_space<hbm>>
        %dma_start3A_40 = tpu.memref_slice %arg2[%add3A_38] : memref<6400000xi32, #tpu.memory_space<hbm>> -> memref<2000xi32, #tpu.memory_space<hbm>>
        tpu.enqueue_dma source(%dma_start3A_40 : memref<2000xi32, #tpu.memory_space<hbm>>) target(%arg6 : memref<2000xi32, #tpu.memory_space<vmem>>) target_semaphore(%arg10 : memref<!tpu.dma_semaphore, #tpu.memory_space<semaphore_mem>>)
      } else {
      }
      "tpu.region"() ({
        %run_scoped3A = tpu.sem_alloc : memref<!tpu.dma_semaphore, #tpu.memory_space<semaphore_mem>>
        %dma_start3A_32 = arith.constant 0 : i32
        %dma_start3A_33 = arith.constant 0 : i32
        %dma_start3A_34 = tpu.memref_slice %arg9[%dma_start3A_32, %dma_start3A_33] : memref<100352x8xf32, #tpu.memory_space<vmem_shared>> -> memref<100352x8xf32, #tpu.memory_space<vmem_shared>>
        tpu.enqueue_indirect_dma source(%arg8 : memref<2000x8xf32, #tpu.memory_space<vmem>>) target(%dma_start3A_34 : memref<100352x8xf32, #tpu.memory_space<vmem_shared>>) offsets(%arg7 : memref<2000xi32, #tpu.memory_space<vmem>>) semaphore(%run_scoped3A : memref<!tpu.dma_semaphore, #tpu.memory_space<semaphore_mem>>) {add = true}
        %dma_wait3A_35 = arith.constant 0 : i32
        %dma_wait3A_36 = arith.constant 0 : i32
        %dma_wait3A_37 = tpu.memref_slice %arg9[%dma_wait3A_35, %dma_wait3A_36] : memref<100352x8xf32, #tpu.memory_space<vmem_shared>> -> memref<100352x8xf32, #tpu.memory_space<vmem_shared>>
        tpu.wait_indirect_dma semaphore(%run_scoped3A : memref<!tpu.dma_semaphore, #tpu.memory_space<semaphore_mem>>) src(%arg8 : memref<2000x8xf32, #tpu.memory_space<vmem>>) dst(%dma_wait3A_37 : memref<100352x8xf32, #tpu.memory_space<vmem_shared>>)
        tpu.yield
      }) : () -> ()
      %lt3A_27 = arith.constant 49 : i32
      %lt3A_28 = arith.cmpi slt, %scan3A_13, %lt3A_27 : i32
      %convert_element_type3A_29 = arith.extui %lt3A_28 : i1 to i32
      %cond3A_30 = arith.constant 0 : i32
      %cond3A_31 = arith.cmpi ne, %convert_element_type3A_29, %cond3A_30 : i32
      scf.if %cond3A_31 {
        %mul3A_32 = arith.constant 2 : i32
        %mul3A_33 = arith.muli %mul3A_32, %scan3A_13 : i32
        %add3A_34 = arith.constant 2 : i32
        %add3A_35 = arith.addi %mul3A_33, %add3A_34 : i32
        %mul3A_36 = arith.constant 2000 : i32
        %mul3A_37 = arith.muli %add3A_35, %mul3A_36 : i32
        %add3A_38 = arith.addi %mul3A_4, %mul3A_37 : i32
        %dma_wait3A_39 = tpu.memref_slice %arg2[%add3A_38] : memref<6400000xi32, #tpu.memory_space<hbm>> -> memref<2000xi32, #tpu.memory_space<hbm>>
        %dma_wait3A_40 = tpu.memref_slice %arg2[%add3A_38] : memref<6400000xi32, #tpu.memory_space<hbm>> -> memref<2000xi32, #tpu.memory_space<hbm>>
        tpu.wait_dma2 semaphore(%arg10 : memref<!tpu.dma_semaphore, #tpu.memory_space<semaphore_mem>>) src(%dma_wait3A_40 : memref<2000xi32, #tpu.memory_space<hbm>>) dst(%arg6 : memref<2000xi32, #tpu.memory_space<vmem>>)
      } else {
      }
    }
    %scan3A_9 = arith.constant 50 : i32
    %barrier3A_10 = arith.constant 0 : index
    tpu.barrier barrier_id(%barrier3A_10)
    %mul3A_11 = arith.constant 6272 : i32
    %mul3A_12 = arith.muli %arg1, %mul3A_11 : i32
    "tpu.region"() ({
      %run_scoped3A = tpu.sem_alloc : memref<!tpu.dma_semaphore, #tpu.memory_space<semaphore_mem>>
      %dma_start3A = arith.constant 0 : i32
      %dma_start3A_13 = tpu.memref_slice %arg5[%arg0, %mul3A_12, %dma_start3A] : memref<2x100352x8xf32, #tpu.memory_space<hbm>> -> memref<1x6272x8xf32, #tpu.memory_space<hbm>>
      %dma_start3A_14 = tpu.memref_squeeze %dma_start3A_13 : memref<1x6272x8xf32, #tpu.memory_space<hbm>> -> memref<6272x8xf32, #tpu.memory_space<hbm>>
      %dma_start3A_15 = arith.constant 0 : i32
      %dma_start3A_16 = tpu.memref_slice %arg9[%mul3A_12, %dma_start3A_15] : memref<100352x8xf32, #tpu.memory_space<vmem_shared>> -> memref<6272x8xf32, #tpu.memory_space<vmem_shared>>
      tpu.enqueue_dma source(%dma_start3A_16 : memref<6272x8xf32, #tpu.memory_space<vmem_shared>>) target(%dma_start3A_14 : memref<6272x8xf32, #tpu.memory_space<hbm>>) target_semaphore(%run_scoped3A : memref<!tpu.dma_semaphore, #tpu.memory_space<semaphore_mem>>)
      %dma_wait3A = arith.constant 0 : i32
      %dma_wait3A_17 = tpu.memref_slice %arg5[%arg0, %mul3A_12, %dma_wait3A] : memref<2x100352x8xf32, #tpu.memory_space<hbm>> -> memref<1x6272x8xf32, #tpu.memory_space<hbm>>
      %dma_wait3A_18 = tpu.memref_squeeze %dma_wait3A_17 : memref<1x6272x8xf32, #tpu.memory_space<hbm>> -> memref<6272x8xf32, #tpu.memory_space<hbm>>
      %dma_wait3A_19 = arith.constant 0 : i32
      %dma_wait3A_20 = tpu.memref_slice %arg9[%mul3A_12, %dma_wait3A_19] : memref<100352x8xf32, #tpu.memory_space<vmem_shared>> -> memref<6272x8xf32, #tpu.memory_space<vmem_shared>>
      tpu.wait_dma2 semaphore(%run_scoped3A : memref<!tpu.dma_semaphore, #tpu.memory_space<semaphore_mem>>) src(%dma_wait3A_20 : memref<6272x8xf32, #tpu.memory_space<vmem_shared>>) dst(%dma_wait3A_18 : memref<6272x8xf32, #tpu.memory_space<hbm>>)
      tpu.yield
    }) : () -> ()
    return
  }
}

module attributes {stable_mosaic.version = 14 : i64} {
  func.func @_lin_selu_body(%arg0: memref<6272x128xf32, #tpu.memory_space<vmem>>, %arg1: memref<128x128xf32, #tpu.memory_space<vmem>>, %arg2: memref<1x128xf32, #tpu.memory_space<vmem>>, %arg3: memref<6272x128xf32, #tpu.memory_space<vmem>>) attributes {dimension_semantics = [], scalar_prefetch = 0 : i64, scratch_operands = 0 : i64, tpu.core_type = #tpu.core_type<tc>} {
    %get3A = arith.constant 0 : index
    %get3A_0 = arith.constant 0 : index
    %get3A_1 = vector.load %arg0[%get3A, %get3A_0] : memref<6272x128xf32, #tpu.memory_space<vmem>>, vector<6272x128xf32>
    %get3A_2 = arith.constant 0 : index
    %get3A_3 = arith.constant 0 : index
    %get3A_4 = vector.load %arg1[%get3A_2, %get3A_3] : memref<128x128xf32, #tpu.memory_space<vmem>>, vector<128x128xf32>
    %dot_general3A = arith.constant dense<0.000000e+00> : vector<6272x128xf32>
    %dot_general3A_5 = tpu.matmul %get3A_1, %get3A_4, %dot_general3A {dimension_numbers = #tpu.dot_dimension_numbers<[1], [0], [0], [1], [0, 0, 1, 1], [], []>, transpose_lhs_hint = false} : vector<6272x128xf32>, vector<128x128xf32>, vector<6272x128xf32> -> vector<6272x128xf32>
    %get3A_6 = arith.constant 0 : index
    %get3A_7 = arith.constant 0 : index
    %get3A_8 = vector.load %arg2[%get3A_6, %get3A_7] : memref<1x128xf32, #tpu.memory_space<vmem>>, vector<1x128xf32>
    %add3A = vector.broadcast %get3A_8 : vector<1x128xf32> to vector<6272x128xf32>
    %add3A_9 = arith.addf %dot_general3A_5, %add3A : vector<6272x128xf32>
    %gt3A = arith.constant 0.000000e+00 : f32
    %gt3A_10 = vector.broadcast %gt3A : f32 to vector<6272x128xf32>
    %gt3A_11 = arith.cmpf ogt, %add3A_9, %gt3A_10 : vector<6272x128xf32>
    %exp3A = math.exp %add3A_9 : vector<6272x128xf32>
    %sub3A = arith.constant 1.000000e+00 : f32
    %sub3A_12 = vector.broadcast %sub3A : f32 to vector<6272x128xf32>
    %sub3A_13 = arith.subf %exp3A, %sub3A_12 : vector<6272x128xf32>
    %mul3A = arith.constant 1.67326319 : f32
    %mul3A_14 = vector.broadcast %mul3A : f32 to vector<6272x128xf32>
    %mul3A_15 = arith.mulf %mul3A_14, %sub3A_13 : vector<6272x128xf32>
    %select_n3A = arith.select %gt3A_11, %add3A_9, %mul3A_15 : vector<6272x128xi1>, vector<6272x128xf32>
    %mul3A_16 = arith.constant 1.05070102 : f32
    %mul3A_17 = vector.broadcast %mul3A_16 : f32 to vector<6272x128xf32>
    %mul3A_18 = arith.mulf %mul3A_17, %select_n3A : vector<6272x128xf32>
    %swap3A = arith.constant 0 : index
    %swap3A_19 = arith.constant 0 : index
    %swap3A_20 = vector.load %arg3[%swap3A, %swap3A_19] : memref<6272x128xf32, #tpu.memory_space<vmem>>, vector<6272x128xf32>
    tpu.vector_store %arg3[%swap3A, %swap3A_19], %mul3A_18 {strides = array<i32>} : memref<6272x128xf32, #tpu.memory_space<vmem>>, vector<6272x128xf32>,
    return
  }
}

module attributes {stable_mosaic.version = 14 : i64} {
  func.func @_gru_body(%arg0: memref<2x6272x128xf32, #tpu.memory_space<vmem>>, %arg1: memref<2x6272x128xf32, #tpu.memory_space<vmem>>, %arg2: memref<6272x128xf32, #tpu.memory_space<vmem>>, %arg3: memref<128x128xf32, #tpu.memory_space<vmem>>, %arg4: memref<128x128xf32, #tpu.memory_space<vmem>>, %arg5: memref<128x128xf32, #tpu.memory_space<vmem>>, %arg6: memref<1x384xf32, #tpu.memory_space<vmem>>, %arg7: memref<128x128xf32, #tpu.memory_space<vmem>>, %arg8: memref<128x128xf32, #tpu.memory_space<vmem>>, %arg9: memref<128x128xf32, #tpu.memory_space<vmem>>, %arg10: memref<1x384xf32, #tpu.memory_space<vmem>>, %arg11: memref<128x128xf32, #tpu.memory_space<vmem>>, %arg12: memref<1x128xf32, #tpu.memory_space<vmem>>, %arg13: memref<6272x128xf32, #tpu.memory_space<vmem>>) attributes {dimension_semantics = [], scalar_prefetch = 0 : i64, scratch_operands = 0 : i64, tpu.core_type = #tpu.core_type<tc>} {
    %get3A = arith.constant 0 : index
    %get3A_0 = arith.constant 0 : index
    %get3A_1 = arith.constant 0 : index
    %get3A_2 = vector.load %arg1[%get3A, %get3A_0, %get3A_1] : memref<2x6272x128xf32, #tpu.memory_space<vmem>>, vector<1x6272x128xf32>
    %get3A_3 = vector.shape_cast %get3A_2 : vector<1x6272x128xf32> to vector<6272x128xf32>
    %get3A_4 = arith.constant 1 : index
    %get3A_5 = arith.constant 0 : index
    %get3A_6 = arith.constant 0 : index
    %get3A_7 = vector.load %arg1[%get3A_4, %get3A_5, %get3A_6] : memref<2x6272x128xf32, #tpu.memory_space<vmem>>, vector<1x6272x128xf32>
    %get3A_8 = vector.shape_cast %get3A_7 : vector<1x6272x128xf32> to vector<6272x128xf32>
    %add3A = arith.addf %get3A_3, %get3A_8 : vector<6272x128xf32>
    %max3A = arith.constant 1.000000e+00 : f32
    %max3A_9 = vector.broadcast %max3A : f32 to vector<6272x128xf32>
    %max3A_10 = arith.maximumf %add3A, %max3A_9 : vector<6272x128xf32>
    %div3A = arith.constant 1.000000e+00 : f32
    %div3A_11 = vector.broadcast %div3A : f32 to vector<6272x128xf32>
    %div3A_12 = arith.divf %div3A_11, %max3A_10 : vector<6272x128xf32>
    %get3A_13 = arith.constant 0 : index
    %get3A_14 = arith.constant 0 : index
    %get3A_15 = arith.constant 0 : index
    %get3A_16 = vector.load %arg0[%get3A_13, %get3A_14, %get3A_15] : memref<2x6272x128xf32, #tpu.memory_space<vmem>>, vector<1x6272x128xf32>
    %get3A_17 = vector.shape_cast %get3A_16 : vector<1x6272x128xf32> to vector<6272x128xf32>
    %get3A_18 = arith.constant 1 : index
    %get3A_19 = arith.constant 0 : index
    %get3A_20 = arith.constant 0 : index
    %get3A_21 = vector.load %arg0[%get3A_18, %get3A_19, %get3A_20] : memref<2x6272x128xf32, #tpu.memory_space<vmem>>, vector<1x6272x128xf32>
    %get3A_22 = vector.shape_cast %get3A_21 : vector<1x6272x128xf32> to vector<6272x128xf32>
    %add3A_23 = arith.addf %get3A_17, %get3A_22 : vector<6272x128xf32>
    %mul3A = arith.mulf %add3A_23, %div3A_12 : vector<6272x128xf32>
    %get3A_24 = arith.constant 0 : index
    %get3A_25 = arith.constant 0 : index
    %get3A_26 = vector.load %arg2[%get3A_24, %get3A_25] : memref<6272x128xf32, #tpu.memory_space<vmem>>, vector<6272x128xf32>
    %get3A_27 = arith.constant 0 : index
    %get3A_28 = arith.constant 0 : index
    %get3A_29 = vector.load %arg6[%get3A_27, %get3A_28] : memref<1x384xf32, #tpu.memory_space<vmem>>, vector<1x384xf32>
    %get3A_30 = arith.constant 0 : index
    %get3A_31 = arith.constant 0 : index
    %get3A_32 = vector.load %arg10[%get3A_30, %get3A_31] : memref<1x384xf32, #tpu.memory_space<vmem>>, vector<1x384xf32>
    %get3A_33 = arith.constant 0 : index
    %get3A_34 = arith.constant 0 : index
    %get3A_35 = vector.load %arg3[%get3A_33, %get3A_34] : memref<128x128xf32, #tpu.memory_space<vmem>>, vector<128x128xf32>
    %dot_general3A = arith.constant dense<0.000000e+00> : vector<6272x128xf32>
    %dot_general3A_36 = tpu.matmul %mul3A, %get3A_35, %dot_general3A {dimension_numbers = #tpu.dot_dimension_numbers<[1], [0], [0], [1], [0, 0, 1, 1], [], []>, transpose_lhs_hint = false} : vector<6272x128xf32>, vector<128x128xf32>, vector<6272x128xf32> -> vector<6272x128xf32>
    %slice3A = vector.extract_strided_slice %get3A_29 {offsets = [0, 0], sizes = [1, 128], strides = [1, 1]} : vector<1x384xf32> to vector<1x128xf32>
    %add3A_37 = vector.broadcast %slice3A : vector<1x128xf32> to vector<6272x128xf32>
    %add3A_38 = arith.addf %dot_general3A_36, %add3A_37 : vector<6272x128xf32>
    %get3A_39 = arith.constant 0 : index
    %get3A_40 = arith.constant 0 : index
    %get3A_41 = vector.load %arg7[%get3A_39, %get3A_40] : memref<128x128xf32, #tpu.memory_space<vmem>>, vector<128x128xf32>
    %dot_general3A_42 = arith.constant dense<0.000000e+00> : vector<6272x128xf32>
    %dot_general3A_43 = tpu.matmul %get3A_26, %get3A_41, %dot_general3A_42 {dimension_numbers = #tpu.dot_dimension_numbers<[1], [0], [0], [1], [0, 0, 1, 1], [], []>, transpose_lhs_hint = false} : vector<6272x128xf32>, vector<128x128xf32>, vector<6272x128xf32> -> vector<6272x128xf32>
    %add3A_44 = arith.addf %add3A_38, %dot_general3A_43 : vector<6272x128xf32>
    %slice3A_45 = vector.extract_strided_slice %get3A_32 {offsets = [0, 0], sizes = [1, 128], strides = [1, 1]} : vector<1x384xf32> to vector<1x128xf32>
    %add3A_46 = vector.broadcast %slice3A_45 : vector<1x128xf32> to vector<6272x128xf32>
    %add3A_47 = arith.addf %add3A_44, %add3A_46 : vector<6272x128xf32>
    %neg3A = arith.constant 0.000000e+00 : f32
    %neg3A_48 = vector.broadcast %neg3A : f32 to vector<6272x128xf32>
    %neg3A_49 = arith.subf %neg3A_48, %add3A_47 : vector<6272x128xf32>
    %exp3A = math.exp %neg3A_49 : vector<6272x128xf32>
    %add3A_50 = arith.constant 1.000000e+00 : f32
    %add3A_51 = vector.broadcast %add3A_50 : f32 to vector<6272x128xf32>
    %add3A_52 = arith.addf %add3A_51, %exp3A : vector<6272x128xf32>
    %div3A_53 = arith.constant 1.000000e+00 : f32
    %div3A_54 = vector.broadcast %div3A_53 : f32 to vector<6272x128xf32>
    %div3A_55 = arith.divf %div3A_54, %add3A_52 : vector<6272x128xf32>
    %get3A_56 = arith.constant 0 : index
    %get3A_57 = arith.constant 0 : index
    %get3A_58 = vector.load %arg4[%get3A_56, %get3A_57] : memref<128x128xf32, #tpu.memory_space<vmem>>, vector<128x128xf32>
    %dot_general3A_59 = arith.constant dense<0.000000e+00> : vector<6272x128xf32>
    %dot_general3A_60 = tpu.matmul %mul3A, %get3A_58, %dot_general3A_59 {dimension_numbers = #tpu.dot_dimension_numbers<[1], [0], [0], [1], [0, 0, 1, 1], [], []>, transpose_lhs_hint = false} : vector<6272x128xf32>, vector<128x128xf32>, vector<6272x128xf32> -> vector<6272x128xf32>
    %slice3A_61 = vector.extract_strided_slice %get3A_29 {offsets = [0, 128], sizes = [1, 128], strides = [1, 1]} : vector<1x384xf32> to vector<1x128xf32>
    %add3A_62 = vector.broadcast %slice3A_61 : vector<1x128xf32> to vector<6272x128xf32>
    %add3A_63 = arith.addf %dot_general3A_60, %add3A_62 : vector<6272x128xf32>
    %get3A_64 = arith.constant 0 : index
    %get3A_65 = arith.constant 0 : index
    %get3A_66 = vector.load %arg8[%get3A_64, %get3A_65] : memref<128x128xf32, #tpu.memory_space<vmem>>, vector<128x128xf32>
    %dot_general3A_67 = arith.constant dense<0.000000e+00> : vector<6272x128xf32>
    %dot_general3A_68 = tpu.matmul %get3A_26, %get3A_66, %dot_general3A_67 {dimension_numbers = #tpu.dot_dimension_numbers<[1], [0], [0], [1], [0, 0, 1, 1], [], []>, transpose_lhs_hint = false} : vector<6272x128xf32>, vector<128x128xf32>, vector<6272x128xf32> -> vector<6272x128xf32>
    %add3A_69 = arith.addf %add3A_63, %dot_general3A_68 : vector<6272x128xf32>
    %slice3A_70 = vector.extract_strided_slice %get3A_32 {offsets = [0, 128], sizes = [1, 128], strides = [1, 1]} : vector<1x384xf32> to vector<1x128xf32>
    %add3A_71 = vector.broadcast %slice3A_70 : vector<1x128xf32> to vector<6272x128xf32>
    %add3A_72 = arith.addf %add3A_69, %add3A_71 : vector<6272x128xf32>
    %neg3A_73 = arith.constant 0.000000e+00 : f32
    %neg3A_74 = vector.broadcast %neg3A_73 : f32 to vector<6272x128xf32>
    %neg3A_75 = arith.subf %neg3A_74, %add3A_72 : vector<6272x128xf32>
    %exp3A_76 = math.exp %neg3A_75 : vector<6272x128xf32>
    %add3A_77 = arith.constant 1.000000e+00 : f32
    %add3A_78 = vector.broadcast %add3A_77 : f32 to vector<6272x128xf32>
    %add3A_79 = arith.addf %add3A_78, %exp3A_76 : vector<6272x128xf32>
    %div3A_80 = arith.constant 1.000000e+00 : f32
    %div3A_81 = vector.broadcast %div3A_80 : f32 to vector<6272x128xf32>
    %div3A_82 = arith.divf %div3A_81, %add3A_79 : vector<6272x128xf32>
    %get3A_83 = arith.constant 0 : index
    %get3A_84 = arith.constant 0 : index
    %get3A_85 = vector.load %arg5[%get3A_83, %get3A_84] : memref<128x128xf32, #tpu.memory_space<vmem>>, vector<128x128xf32>
    %dot_general3A_86 = arith.constant dense<0.000000e+00> : vector<6272x128xf32>
    %dot_general3A_87 = tpu.matmul %mul3A, %get3A_85, %dot_general3A_86 {dimension_numbers = #tpu.dot_dimension_numbers<[1], [0], [0], [1], [0, 0, 1, 1], [], []>, transpose_lhs_hint = false} : vector<6272x128xf32>, vector<128x128xf32>, vector<6272x128xf32> -> vector<6272x128xf32>
    %slice3A_88 = vector.extract_strided_slice %get3A_29 {offsets = [0, 256], sizes = [1, 128], strides = [1, 1]} : vector<1x384xf32> to vector<1x128xf32>
    %add3A_89 = vector.broadcast %slice3A_88 : vector<1x128xf32> to vector<6272x128xf32>
    %add3A_90 = arith.addf %dot_general3A_87, %add3A_89 : vector<6272x128xf32>
    %get3A_91 = arith.constant 0 : index
    %get3A_92 = arith.constant 0 : index
    %get3A_93 = vector.load %arg9[%get3A_91, %get3A_92] : memref<128x128xf32, #tpu.memory_space<vmem>>, vector<128x128xf32>
    %dot_general3A_94 = arith.constant dense<0.000000e+00> : vector<6272x128xf32>
    %dot_general3A_95 = tpu.matmul %get3A_26, %get3A_93, %dot_general3A_94 {dimension_numbers = #tpu.dot_dimension_numbers<[1], [0], [0], [1], [0, 0, 1, 1], [], []>, transpose_lhs_hint = false} : vector<6272x128xf32>, vector<128x128xf32>, vector<6272x128xf32> -> vector<6272x128xf32>
    %slice3A_96 = vector.extract_strided_slice %get3A_32 {offsets = [0, 256], sizes = [1, 128], strides = [1, 1]} : vector<1x384xf32> to vector<1x128xf32>
    %add3A_97 = vector.broadcast %slice3A_96 : vector<1x128xf32> to vector<6272x128xf32>
    %add3A_98 = arith.addf %dot_general3A_95, %add3A_97 : vector<6272x128xf32>
    %mul3A_99 = arith.mulf %div3A_55, %add3A_98 : vector<6272x128xf32>
    %add3A_100 = arith.addf %add3A_90, %mul3A_99 : vector<6272x128xf32>
    %tanh3A = math.tanh %add3A_100 : vector<6272x128xf32>
    %sub3A = arith.constant 1.000000e+00 : f32
    %sub3A_101 = vector.broadcast %sub3A : f32 to vector<6272x128xf32>
    %sub3A_102 = arith.subf %sub3A_101, %div3A_82 : vector<6272x128xf32>
    %mul3A_103 = arith.mulf %sub3A_102, %tanh3A : vector<6272x128xf32>
    %mul3A_104 = arith.mulf %div3A_82, %get3A_26 : vector<6272x128xf32>
    %add3A_105 = arith.addf %mul3A_103, %mul3A_104 : vector<6272x128xf32>
    %get3A_106 = arith.constant 0 : index
    %get3A_107 = arith.constant 0 : index
    %get3A_108 = vector.load %arg11[%get3A_106, %get3A_107] : memref<128x128xf32, #tpu.memory_space<vmem>>, vector<128x128xf32>
    %dot_general3A_109 = arith.constant dense<0.000000e+00> : vector<6272x128xf32>
    %dot_general3A_110 = tpu.matmul %add3A_105, %get3A_108, %dot_general3A_109 {dimension_numbers = #tpu.dot_dimension_numbers<[1], [0], [0], [1], [0, 0, 1, 1], [], []>, transpose_lhs_hint = false} : vector<6272x128xf32>, vector<128x128xf32>, vector<6272x128xf32> -> vector<6272x128xf32>
    %get3A_111 = arith.constant 0 : index
    %get3A_112 = arith.constant 0 : index
    %get3A_113 = vector.load %arg12[%get3A_111, %get3A_112] : memref<1x128xf32, #tpu.memory_space<vmem>>, vector<1x128xf32>
    %add3A_114 = vector.broadcast %get3A_113 : vector<1x128xf32> to vector<6272x128xf32>
    %add3A_115 = arith.addf %dot_general3A_110, %add3A_114 : vector<6272x128xf32>
    %gt3A = arith.constant 0.000000e+00 : f32
    %gt3A_116 = vector.broadcast %gt3A : f32 to vector<6272x128xf32>
    %gt3A_117 = arith.cmpf ogt, %add3A_115, %gt3A_116 : vector<6272x128xf32>
    %exp3A_118 = math.exp %add3A_115 : vector<6272x128xf32>
    %sub3A_119 = arith.constant 1.000000e+00 : f32
    %sub3A_120 = vector.broadcast %sub3A_119 : f32 to vector<6272x128xf32>
    %sub3A_121 = arith.subf %exp3A_118, %sub3A_120 : vector<6272x128xf32>
    %mul3A_122 = arith.constant 1.67326319 : f32
    %mul3A_123 = vector.broadcast %mul3A_122 : f32 to vector<6272x128xf32>
    %mul3A_124 = arith.mulf %mul3A_123, %sub3A_121 : vector<6272x128xf32>
    %select_n3A = arith.select %gt3A_117, %add3A_115, %mul3A_124 : vector<6272x128xi1>, vector<6272x128xf32>
    %mul3A_125 = arith.constant 1.05070102 : f32
    %mul3A_126 = vector.broadcast %mul3A_125 : f32 to vector<6272x128xf32>
    %mul3A_127 = arith.mulf %mul3A_126, %select_n3A : vector<6272x128xf32>
    %swap3A = arith.constant 0 : index
    %swap3A_128 = arith.constant 0 : index
    %swap3A_129 = vector.load %arg13[%swap3A, %swap3A_128] : memref<6272x128xf32, #tpu.memory_space<vmem>>, vector<6272x128xf32>
    tpu.vector_store %arg13[%swap3A, %swap3A_128], %mul3A_127 {strides = array<i32>} : memref<6272x128xf32, #tpu.memory_space<vmem>>, vector<6272x128xf32>,
    return
  }
}

module attributes {stable_mosaic.version = 14 : i64} {
  func.func @_head_body(%arg0: memref<2x512x8xf32, #tpu.memory_space<vmem>>, %arg1: memref<2x512x1xf32, #tpu.memory_space<vmem>>, %arg2: memref<8x32xf32, #tpu.memory_space<vmem>>, %arg3: memref<1x32xf32, #tpu.memory_space<vmem>>, %arg4: memref<32x1xf32, #tpu.memory_space<vmem>>, %arg5: memref<1x1xf32, #tpu.memory_space<vmem>>, %arg6: memref<512x1xf32, #tpu.memory_space<vmem>>, %arg7: memref<512x32xf32, #tpu.memory_space<vmem>>) attributes {dimension_semantics = [], scalar_prefetch = 0 : i64, scratch_operands = 0 : i64, tpu.core_type = #tpu.core_type<tc>} {
    %get3A = arith.constant 0 : index
    %get3A_0 = arith.constant 0 : index
    %get3A_1 = arith.constant 0 : index
    %get3A_2 = vector.load %arg0[%get3A, %get3A_0, %get3A_1] : memref<2x512x8xf32, #tpu.memory_space<vmem>>, vector<1x512x8xf32>
    %get3A_3 = vector.shape_cast %get3A_2 : vector<1x512x8xf32> to vector<512x8xf32>
    %get3A_4 = arith.constant 1 : index
    %get3A_5 = arith.constant 0 : index
    %get3A_6 = arith.constant 0 : index
    %get3A_7 = vector.load %arg0[%get3A_4, %get3A_5, %get3A_6] : memref<2x512x8xf32, #tpu.memory_space<vmem>>, vector<1x512x8xf32>
    %get3A_8 = vector.shape_cast %get3A_7 : vector<1x512x8xf32> to vector<512x8xf32>
    %add3A = arith.addf %get3A_3, %get3A_8 : vector<512x8xf32>
    %get3A_9 = arith.constant 0 : index
    %get3A_10 = arith.constant 0 : index
    %get3A_11 = arith.constant 0 : index
    %get3A_12 = vector.load %arg1[%get3A_9, %get3A_10, %get3A_11] : memref<2x512x1xf32, #tpu.memory_space<vmem>>, vector<1x512x1xf32>
    %get3A_13 = vector.shape_cast %get3A_12 : vector<1x512x1xf32> to vector<512x1xf32>
    %get3A_14 = arith.constant 1 : index
    %get3A_15 = arith.constant 0 : index
    %get3A_16 = arith.constant 0 : index
    %get3A_17 = vector.load %arg1[%get3A_14, %get3A_15, %get3A_16] : memref<2x512x1xf32, #tpu.memory_space<vmem>>, vector<1x512x1xf32>
    %get3A_18 = vector.shape_cast %get3A_17 : vector<1x512x1xf32> to vector<512x1xf32>
    %add3A_19 = arith.addf %get3A_13, %get3A_18 : vector<512x1xf32>
    %max3A = arith.constant 1.000000e+00 : f32
    %max3A_20 = vector.broadcast %max3A : f32 to vector<512x1xf32>
    %max3A_21 = arith.maximumf %add3A_19, %max3A_20 : vector<512x1xf32>
    %div3A = vector.broadcast %max3A_21 : vector<512x1xf32> to vector<512x8xf32>
    %div3A_22 = arith.divf %add3A, %div3A : vector<512x8xf32>
    %mul3A = arith.mulf %div3A_22, %div3A_22 : vector<512x8xf32>
    %reduce_sum3A = arith.constant dense<0.000000e+00> : vector<512xf32>
    %reduce_sum3A_23 = vector.multi_reduction <add>, %mul3A, %reduce_sum3A [1] : vector<512x8xf32> to vector<512xf32>
    %broadcast_in_dim3A = vector.shape_cast %reduce_sum3A_23 : vector<512xf32> to vector<512x1xf32>
    %sqrt3A = math.sqrt %broadcast_in_dim3A : vector<512x1xf32>
    %max3A_24 = arith.constant 9.99999996E-13 : f32
    %max3A_25 = vector.broadcast %max3A_24 : f32 to vector<512x1xf32>
    %max3A_26 = arith.maximumf %sqrt3A, %max3A_25 : vector<512x1xf32>
    %div3A_27 = vector.broadcast %max3A_26 : vector<512x1xf32> to vector<512x8xf32>
    %div3A_28 = arith.divf %div3A_22, %div3A_27 : vector<512x8xf32>
    %get3A_29 = arith.constant 0 : index
    %get3A_30 = arith.constant 0 : index
    %get3A_31 = vector.load %arg2[%get3A_29, %get3A_30] : memref<8x32xf32, #tpu.memory_space<vmem>>, vector<8x32xf32>
    %dot_general3A = arith.constant dense<0.000000e+00> : vector<512x32xf32>
    %dot_general3A_32 = tpu.matmul %div3A_28, %get3A_31, %dot_general3A {dimension_numbers = #tpu.dot_dimension_numbers<[1], [0], [0], [1], [0, 0, 1, 1], [], []>, transpose_lhs_hint = false} : vector<512x8xf32>, vector<8x32xf32>, vector<512x32xf32> -> vector<512x32xf32>
    %get3A_33 = arith.constant 0 : index
    %get3A_34 = arith.constant 0 : index
    %get3A_35 = vector.load %arg3[%get3A_33, %get3A_34] : memref<1x32xf32, #tpu.memory_space<vmem>>, vector<1x32xf32>
    %add3A_36 = vector.broadcast %get3A_35 : vector<1x32xf32> to vector<512x32xf32>
    %add3A_37 = arith.addf %dot_general3A_32, %add3A_36 : vector<512x32xf32>
    %gt3A = arith.constant 0.000000e+00 : f32
    %gt3A_38 = vector.broadcast %gt3A : f32 to vector<512x32xf32>
    %gt3A_39 = arith.cmpf ogt, %add3A_37, %gt3A_38 : vector<512x32xf32>
    %exp3A = math.exp %add3A_37 : vector<512x32xf32>
    %sub3A = arith.constant 1.000000e+00 : f32
    %sub3A_40 = vector.broadcast %sub3A : f32 to vector<512x32xf32>
    %sub3A_41 = arith.subf %exp3A, %sub3A_40 : vector<512x32xf32>
    %mul3A_42 = arith.constant 1.67326319 : f32
    %mul3A_43 = vector.broadcast %mul3A_42 : f32 to vector<512x32xf32>
    %mul3A_44 = arith.mulf %mul3A_43, %sub3A_41 : vector<512x32xf32>
    %select_n3A = arith.select %gt3A_39, %add3A_37, %mul3A_44 : vector<512x32xi1>, vector<512x32xf32>
    %mul3A_45 = arith.constant 1.05070102 : f32
    %mul3A_46 = vector.broadcast %mul3A_45 : f32 to vector<512x32xf32>
    %mul3A_47 = arith.mulf %mul3A_46, %select_n3A : vector<512x32xf32>
    %swap3A = arith.constant 0 : index
    %swap3A_48 = arith.constant 0 : index
    %swap3A_49 = vector.load %arg7[%swap3A, %swap3A_48] : memref<512x32xf32, #tpu.memory_space<vmem>>, vector<512x32xf32>
    tpu.vector_store %arg7[%swap3A, %swap3A_48], %mul3A_47 {strides = array<i32>} : memref<512x32xf32, #tpu.memory_space<vmem>>, vector<512x32xf32>,
    %get3A_50 = arith.constant 0 : index
    %get3A_51 = arith.constant 0 : index
    %get3A_52 = vector.load %arg4[%get3A_50, %get3A_51] : memref<32x1xf32, #tpu.memory_space<vmem>>, vector<32x1xf32>
    %dot_general3A_53 = arith.constant dense<0.000000e+00> : vector<512x1xf32>
    %dot_general3A_54 = tpu.matmul %mul3A_47, %get3A_52, %dot_general3A_53 {dimension_numbers = #tpu.dot_dimension_numbers<[1], [0], [0], [1], [0, 0, 1, 1], [], []>, transpose_lhs_hint = false} : vector<512x32xf32>, vector<32x1xf32>, vector<512x1xf32> -> vector<512x1xf32>
    %get3A_55 = arith.constant 0 : index
    %get3A_56 = arith.constant 0 : index
    %get3A_57 = vector.load %arg5[%get3A_55, %get3A_56] : memref<1x1xf32, #tpu.memory_space<vmem>>, vector<1x1xf32>
    %add3A_58 = vector.broadcast %get3A_57 : vector<1x1xf32> to vector<512x1xf32>
    %add3A_59 = arith.addf %dot_general3A_54, %add3A_58 : vector<512x1xf32>
    %swap3A_60 = arith.constant 0 : index
    %swap3A_61 = arith.constant 0 : index
    %swap3A_62 = vector.load %arg6[%swap3A_60, %swap3A_61] : memref<512x1xf32, #tpu.memory_space<vmem>>, vector<512x1xf32>
    tpu.vector_store %arg6[%swap3A_60, %swap3A_61], %add3A_59 {strides = array<i32>} : memref<512x1xf32, #tpu.memory_space<vmem>>, vector<512x1xf32>,
    return
  }
}

</mosaic_0001>

<sc_bundles>
// kernel: kernel.10.cloned.1.call-start
scs
__scs_entry_jumppad:
0x0: {  	(pc) =	sbr.rel $0x88, $3  }
0x1: {  	(tag) =	ssettag $0x0;
	lr =	simm.s32 $0x1  }
0x2: {  	[smem:$0x3F8E] =	sst lr;
	_ =	strace $0xD0000000  }
0x3: {  	_ = 	snop  }
0x4: {  	_ = 	snop  }
0x5: {  	_ = 	snop  }
0x6: {  	_ = 	snop  }
0x7: {  	_ = 	snop  }
__scs_overlays_trampoline_lowered:
0x8: {  	[smem:$0x3F9D] =	sst s0  }
0x9: {  	[smem:$0x3F9E] =	sst s1  }
0xa: {  	[smem:$0x3F9F] =	sst s2  }
0xb: {  	[smem:$0x3FA0] =	sst s3  }
0xc: {  	[smem:$0x3FA1] =	sst s4  }
0xd: {  	[smem:$0x3FA2] =	sst s5  }
0xe: {  	[smem:$0x3FA3] =	sst s6  }
0xf: {  	[smem:$0x3FA4] =	sst s7  }
0x10: {  	[smem:$0x3FA5] =	sst s8  }
0x11: {  	[smem:$0x3FA6] =	sst s9;
	s0 =	simm.s32 @!p0 $0x0  }
0x12: {  	s1 =	sld [smem:$0x3F8C];
	s0 =	simm.s32 @p0 $0x1  }
0x13: {  	[smem:$0x3FA7] =	sst s0;
	s0 =	simm.s32 @!p1 $0x0  }
0x14: {  	s2 =	sld [smem:$0x3F8B];
	s0 =	simm.s32 @p1 $0x1  }
0x15: {  	[smem:$0x3FA8] =	sst s0;
	s0 =	simm.s32 @!p2 $0x0  }
0x16: {  	s3 =	sld [smem:$0x3FDB];
	s0 =	simm.s32 @p2 $0x1  }
0x17: {  	s4 =	simm.s32 $0x1BF5;
	[smem:$0x3FAA] =	sst s0  }
0x18: {  	s0 =	sld [smem:$0x3F8D];
	_ =	swait.ge [sflag:s4], $0x0  }
0x19: {  	s7 =	sld [smem:$0x3F8E]  }
0x1a: {  	s8 =	sadd.s32 $0xFFFFE003, lr  }
0x1b: {  	s9 =	sadd.s32 $0xFFFFFEF7, lr;
	s5 =	simm.s32 $0xFFFFFFFF;
	p2 =	slt.u32 s8, $0xFFFFF086  }
0x1c: {  	p1 =	slt.u32 s9, $0xF7A;
	s5 =	simm.s32 @!p2 $0x0  }
0x1d: {  	s5 =	simm.s32 @p1 $0x1;
	p0 =	seq.s32 s7, s2  }
0x1e: {  	s7 =	smul.u32 @!p0 $0xF7A, s2;
	p2 =	seq.s32 @!p0 s5, $0x0  }
0x1f: {  	s9 =	smul.u32 $0xF7A, s1;
	s8 =	simm.s32 @!p0 $0x1BF5;
	p2 =	por !p2, p0  }
0x20: {  	[sflag:s8] =	ssyncset.s32 @!p0 $0xFFFFF086;
	s6 =	sadd.s32 @!p0 s3, s7;
	s7 =	simm.s32 @!p0 $0x108  }
0x21: {  	s3 =	sadd.s32 s3, s9;
	s6 =	sadd.s32 @!p0 $0x88, s6;
	s7 =	simm.s32 @p2 $0x1082  }
0x22: {  	[simem:s7], [sflag:s8] =	dma.local @!p0 [hbm:s6], $0xF7A  }
0x23: {  	s9 =	sor.u32 $0xD0000000, s2;
	s6 =	simm.s32 $0x108;
	_ =	swait.ge @!p0 [sflag:s8], $0x0  }
0x24: {  	s3 =	sadd.s32 $0x88, s3;
	s6 =	simm.s32 @!p1 $0x1082;
	[sflag:s4] =	ssyncset.s32 $0xFFFFF086  }
0x25: {  	[simem:s6], [sflag:s4] =	dma.local [hbm:s3], $0xF7A  }
0x26: {  	[smem:$0x3F8E] =	sst s1;
	(tag) =	ssettag s2;
	_ =	strace s9  }
0x27: {  	s1 =	sld [smem:$0x3F9E]  }
0x28: {  	s2 =	sld [smem:$0x3F9F]  }
0x29: {  	s4 =	sld [smem:$0x3FA1]  }
0x2a: {  	p0 =	seq.s32 s5, $0x0;
	s5 =	sld [smem:$0x3FA2]  }
0x2b: {  	s6 =	sld [smem:$0x3FA3]  }
0x2c: {  	s7 =	sld [smem:$0x3FA4]  }
0x2d: {  	s3 =	simm.s32 $0x108;
	s8 =	sld [smem:$0x3FA5]  }
0x2e: {  	s3 =	simm.s32 @!p0 $0x1082;
	s9 =	sld [smem:$0x3FA6]  }
0x2f: {  	lr =	sadd.s32 s0, s3;
	s0 =	sld [smem:$0x3F9D]  }
0x30: {  	s3 =	sld [smem:$0x3FA0]  }
0x31: {  	[smem:$0x3FA9] =	sst s10  }
0x32: {  	s10 =	sld [smem:$0x3FA7];
	_ =	sdelay $0x3  }
0x33: {  	p0 =	seq.s32 s10, $0x1;
	s10 =	sld [smem:$0x3FA9];
	_ =	sdelay $0x3  }
0x34: {  	[smem:$0x3FA9] =	sst s10  }
0x35: {  	s10 =	sld [smem:$0x3FA8];
	_ =	sdelay $0x3  }
0x36: {  	p1 =	seq.s32 s10, $0x1;
	s10 =	sld [smem:$0x3FA9];
	_ =	sdelay $0x3  }
0x37: {  	[smem:$0x3FA9] =	sst s10  }
0x38: {  	s10 =	sld [smem:$0x3FAA]  }
0x39: {  	_ = 	snop;
	(pc) =	sbr.ind lr, $3  }
0x3a: {  	_ = 	snop  }
0x3b: {  	_ = 	snop  }
0x3c: {  	p2 =	seq.s32 s10, $0x1;
	s10 =	sld [smem:$0x3FA9]  }
0x3d: {  	_ =	shalt  }
0x3e: {  	_ =	shalt  }
0x3f: {  	_ =	shalt  }
0x40: {  	_ =	shalt  }
0x41: {  	_ =	shalt  }
0x42: {  	_ =	shalt  }
0x43: {  	_ =	shalt  }
0x44: {  	_ =	shalt  }
0x45: {  	_ =	shalt  }
0x46: {  	_ =	shalt  }
0x47: {  	_ =	shalt  }
0x48: {  	_ =	shalt  }
0x49: {  	_ =	shalt  }
0x4a: {  	_ =	shalt  }
0x4b: {  	_ =	shalt  }
0x4c: {  	_ =	shalt  }
0x4d: {  	_ =	shalt  }
0x4e: {  	_ =	shalt  }
0x4f: {  	_ =	shalt  }
0x50: {  	_ =	shalt  }
0x51: {  	_ =	shalt  }
0x52: {  	_ =	shalt  }
0x53: {  	_ =	shalt  }
0x54: {  	_ =	shalt  }
0x55: {  	_ =	shalt  }
0x56: {  	_ =	shalt  }
0x57: {  	_ =	shalt  }
0x58: {  	_ =	shalt  }
0x59: {  	_ =	shalt  }
0x5a: {  	_ =	shalt  }
0x5b: {  	_ =	shalt  }
0x5c: {  	_ =	shalt  }
0x5d: {  	_ =	shalt  }
0x5e: {  	_ =	shalt  }
0x5f: {  	_ =	shalt  }
0x60: {  	_ =	shalt  }
0x61: {  	_ =	shalt  }
0x62: {  	_ =	shalt  }
0x63: {  	_ =	shalt  }
0x64: {  	_ =	shalt  }
0x65: {  	_ =	shalt  }
0x66: {  	_ =	shalt  }
0x67: {  	_ =	shalt  }
0x68: {  	_ =	shalt  }
0x69: {  	_ =	shalt  }
0x6a: {  	_ =	shalt  }
0x6b: {  	_ =	shalt  }
0x6c: {  	_ =	shalt  }
0x6d: {  	_ =	shalt  }
0x6e: {  	_ =	shalt  }
0x6f: {  	_ =	shalt  }
0x70: {  	_ =	shalt  }
0x71: {  	_ =	shalt  }
0x72: {  	_ =	shalt  }
0x73: {  	_ =	shalt  }
0x74: {  	_ =	shalt  }
0x75: {  	_ =	shalt  }
0x76: {  	_ =	shalt  }
0x77: {  	_ =	shalt  }
0x78: {  	_ =	shalt  }
0x79: {  	_ =	shalt  }
0x7a: {  	_ =	shalt  }
0x7b: {  	_ =	shalt  }
0x7c: {  	_ =	shalt  }
0x7d: {  	_ =	shalt  }
0x7e: {  	_ =	shalt  }
0x7f: {  	_ =	shalt  }
0x80: {  	_ =	shalt  }
0x81: {  	_ =	shalt  }
0x82: {  	_ =	shalt  }
0x83: {  	_ =	shalt  }
0x84: {  	_ =	shalt  }
0x85: {  	_ =	shalt  }
0x86: {  	_ =	shalt  }
0x87: {  	_ =	shalt  }
.Lfunc_end0:
.L_simem_size_0:
called_computation_lowered:
.L_overlay_start_0:
0x88: {  	s2 =	sld [smem:$0x3FD9]  }
0x89: {  	s3 =	sld [smem:$0x3FFE];
	_ =	sdelay $0x1  }
0x8a: {  	s1 =	srdreg.scid  }
0x8b: {  	s0 =	sand.u32 $0x1, s1  }
0x8c: {  	s15 =	sshll.u32 s0, $0xA;
	s2 =	sadd.s32 s3, s2  }
0x8d: {  	s2 =	sadd.s32 s2, s15  }
0x8e: {  	[smem:$0x3FB5] =	sst s2  }
0x8f: {  	_ = 	snop  }
0x90: {  	s2 =	sld [smem:$0x3FD0];
	_ =	sdelay $0x2  }
0x91: {  	s16 =	simm.s32 $0xB;
	s4 =	simm.s32 $0x10  }
0x92: {  	[smem:s4], [sflag:s16] =	dma.local [hbm:s2], $0x1  }
0x93: {  	_ =	swait.eq [sflag:s16], $0x1  }
0x94: {  	[sflag:s16] =	ssyncset.done $0x0  }
0x95: {  	[sflag:s16] =	ssyncadd.s32 $0xFFFFFFFF  }
0x96: {  	s17 =	sld [smem:$0x11];
	(tm) =	ssettm $0x1  }
0x97: {  	s18 =	sld [smem:$0x3FFB];
	_ =	sdelay $0x3  }
0x98: {  	_ =	strace s18  }
0x99: {  	s2 =	sld [smem:$0x3FFC];
	_ =	sdelay $0x3  }
0x9a: {  	_ =	strace s2  }
0x9b: {  	s2 =	sld [smem:$0x3FFD];
	_ =	sdelay $0x3  }
0x9c: {  	_ =	strace s2  }
0x9d: {  	_ =	strace $0x8FFFFFFF  }
0x9e: {  	s19 =	sld [smem:$0x3FDB];
	_ =	sdelay $0x1  }
0x9f: {  	s20 =	simm.s32 $_scs_section_size  }
0xa0: {  	s5 =	simm.s32 $_size__tile_overlayer_lowered;
	s6 =	simm.s32 $_tile_overlayer_lowered  }
0xa1: {  	s7 =	simm.s32 $0x1BFF;
	s21 =	sshll.u32 s6, $0x1;
	s4 =	sadd.s32 s20, s19  }
0xa2: {  	s22 =	simm.s32 $0x0;
	s5 =	sshll.u32 s5, $0x1;
	s6 =	sadd.s32 s21, s4  }
0xa3: {  	[timem:s22], [sflag:s7] =	dma.local [hbm:s6], s5  }
0xa4: {  	_ =	swait.ge [sflag:s7], s5  }
0xa5: {  	s5 =	ssub.s32 $0x0, s5;
	[sflag:s7] =	ssyncset.done $0x0  }
0xa6: {  	[sflag:s7] =	ssyncadd.s32 s5;
	_ =	sdelay $0x1  }
0xa7: {  	s23 =	simm.s32 $0x1B8B  }
0xa8: {  	_ =	swait.ge [sflag:s23], $0x1  }
0xa9: {  	[sflag:s23] =	ssyncset.done $0x0  }
0xaa: {  	[sflag:s23] =	ssyncadd.s32 $0xFFFFFFFF  }
0xab: {  	s5 =	sld [smem:$0x0]  }
0xac: {  	s6 =	sand.u32 $0xFFFFFFFE, s1  }
0xad: {  	p0 =	sne.s32 s1, s6  }
0xae: {  	s6 =	sshll.u32 @p0 s6, $0xE  }
0xaf: {  	s6 =	sadd.s32 @p0 $0x11B8D, s6;
	s7 =	sshll.u32 @p0 s5, $0x11  }
0xb0: {  	s6 =	sor.u32 @p0 s7, s6  }
0xb1: {  	[sflag:s6] =	ssyncadd.remote.s32 @p0 $0x1;
	_ =	sdelay $0x1  }
0xb2: {  	s6 =	simm.s32 @p0 $0x1B8D  }
0xb3: {  	_ =	swait.eq @p0 [sflag:s6], $0x1  }
0xb4: {  	[sflag:s6] =	ssyncadd.s32 @p0 $0xFFFFFFFF  }
0xb5: {  	s7 =	sshll.u32 @!p0 s1, $0xE  }
0xb6: {  	s7 =	sor.u32 @!p0 $0x4000, s7;
	s6 =	simm.s32 @!p0 $0x1B8D  }
0xb7: {  	s5 =	sshll.u32 @!p0 s5, $0x11;
	s7 =	sadd.s32 @!p0 $0x11B8D, s7;
	_ =	swait.eq @!p0 [sflag:s6], $0x1  }
0xb8: {  	s5 =	sor.u32 @!p0 s5, s7;
	[sflag:s6] =	ssyncadd.s32 @!p0 $0xFFFFFFFF  }
0xb9: {  	s25 =	simm.s32 $0x1B8E;
	s24 =	sld [smem:$0x3FFE];
	[sflag:s5] =	ssyncadd.remote.s32 @!p0 $0x1  }
0xba: {  	s26 =	simm.s32 $execute0_lowered;
	[smem:$0x3FD2] =	sst s25  }
0xbb: {  	s6 =	sshll.u32 s26, $0x1;
	_ =	strace $0x80000049;
	[dreg:$0x1] =	wrdreg $0xFFFFFFFF  }
0xbc: {  	s28 =	simm.s32 $_size_execute0_lowered;
	s4 =	sadd.s32 s4, s6;
	[dreg:$0x0] =	wrdreg $0x0  }
0xbd: {  	s6 =	sshll.u32 s28, $0x1;
	[dreg:$0x2] =	wrdreg s4  }
0xbe: {  	[dreg:$0x3] =	wrdreg s6  }
0xbf: {  	[dreg:$0x4] =	wrdreg $0xC0  }
0xc0: {  	_ =	task [dreg:s22], $0x5FFFF  }
0xc1: {  	[dreg:$0x1] =	wrdreg $0xFFFFFFFF  }
0xc2: {  	[dreg:$0x0] =	wrdreg $0x60  }
0xc3: {  	[dreg:$0x2] =	wrdreg s24  }
0xc4: {  	[dreg:$0x3] =	wrdreg s17  }
0xc5: {  	[dreg:$0x4] =	wrdreg $0x4E200  }
0xc6: {  	[dreg:$0x5] =	wrdreg $0x9  }
0xc7: {  	_ =	task.clear_ibuf [dreg:s22], $0x6FFFF;
	_ =	strace $0x90000049  }
0xc8: {  	s29 =	simm.s32 $0x9;
	_ =	strace $0x8000004B  }
0xc9: {  	_ =	swait.ge [sflag:s29], $0x1  }
0xca: {  	[sflag:s29] =	ssyncadd.s32 $0xFFFFFFFF  }
0xcb: {  	_ =	strace $0x9000004B  }
0xcc: {  	_ =	sfence  }
0xcd: {  	s30 =	sld [smem:$0x0];
	_ =	sdelay $0x2  }
0xce: {  	s31 =	sshll.u32 s1, $0xD;
	s1 =	sshrl.u32 s1, $0x2  }
0xcf: {  	s4 =	sand.u32 $0x4000, s31;
	s1 =	sadd.s32 s1, s30  }
0xd0: {  	s0 =	sor.u32 s4, s0;
	s1 =	sshll.u32 s1, $0x11  }
0xd1: {  	s0 =	sor.u32 s1, s0  }
0xd2: {  	s0 =	sadd.s32 $0x8F2B, s0  }
0xd3: {  	[sflag:s0] =	ssyncadd.remote.s32 $0x1  }
0xd4: {  	_ =	sfence.sel $0xFFFF  }
0xd5: {  	[dreg:$0x0] =	wrdreg $0xFFFFFFFF;
	(pc) =	sbr.abs _section_cstart, $3  }
0xd6: {  	[dreg:$0x1] =	wrdreg $0xFFFFFFFF  }
0xd7: {  	_ =	task.clear_ibuf [dreg:s22], $0x2FFFF;
	_ =	strace $0x9FFFFFFF  }
0xd8: {  	(tm) =	ssettm $0x7FFFFFFF  }
0xd9: {  	_ =	shalt  }
tec
execute0_lowered:
.L_overlay_start_1:
0x0: {  	(tag) =	ssettag $0x1  }
0x1: {  	s6 =	rddreg [dreg:$0x0]  }
0x2: {  	s1 =	rddreg [dreg:$0x1]  }
0x3: {  	s2 =	rddreg [dreg:$0x2];
	s3 =	srdreg.scid  }
0x4: {  	s0 =	rddreg [dreg:$0x3];
	s17 =	stileid.u32;
	s13 =	simm.s32 $0xFA0  }
0x5: {  	s14 =	simm.s32 $0x2;
	s15 =	simm.s32 $0x7D0;
	s16 =	simm.s32 $0x1  }
0x6: {  	s19 =	simm.s32 $0x0;
	s7 =	sand.u32 $0x1, s3;
	s9 =	smul.u32 $0xC400, s17  }
0x7: {  	s3 =	simm.s32 $0x0;
	s4 =	sshll.u32 s17, $0x1;
	s11 =	smul.u32 $0x61A80, s17  }
0x8: {  	p0 =	sne.s32 s17, $0x0;
	s17 =	sshll.u32 s17, $0x6;
	s8 =	smul.u32 $0xC4000, s7  }
0x9: {  	[smem:$0x7FF] =	sst s3;
	s5 =	sor.u32 s7, s4;
	s4 =	sadd.s32 $0x36600, s6  }
0xa: {  	s12 =	ssub.s32 $0x2, s7;
	s7 =	smul.u32 $0x30D40, s7;
	_ =	strace $0x8000004A  }
0xb: {  	s17 =	sor.u32 $0x1C02, s17;
	s10 =	smul.u32 $0x30D40, s5;
	s5 =	sadd.s32 $0x1D5A00, s6  }
0xc: {  	s30 =	sshrl.u32 s12, $0x1;
	s18 =	sadd.s32 s9, s2;
	s8 =	sadd.s32 s9, s8  }
0xd: {  	s12 =	ssub.s32 s12, s30;
	s31 =	sadd.s32 s7, s11;
	s18 =	sshrl.u32 s18, $0x3  }
0xe: {  	s8 =	sshrl.u32 s8, $0x3;
	s10 =	sshrl.u32 s10, $0x3;
	s11 =	sadd.s32 $0x7D0, s31  }
0xf: {  	s8 =	sadd.s32 s8, s6;
	s6 =	sadd.s32 s4, s10;
	s11 =	sshrl.u32 s11, $0x3  }
0x10: {  	s10 =	sadd.s32 $0xFA0, s31;
	s7 =	sadd.s32 $0x21F200, s8;
	s8 =	smax.u32 s12, $0x1  }
0x11: {  	s9 =	sadd.s32 $0x60AE, s6;
	s11 =	sadd.s32 s11, s4;
	s12 =	sshrl.u32 @!p0 s2, $0x3  }
.LBB2_1:
0x12: {  	s20 =	simm.s32 @!p0 $0x1C02  }
0x13: {  	[spmem:s12], [sflag:s20] =	dma.local @!p0 [hbm:s5], $0x18800  }
0x14: {  	s20 =	simm.s32 @!p0 $0x2  }
0x15: {  	_ =	swait.ge @!p0 [sflag:s20], $0x18800  }
0x16: {  	[sflag:s20] =	ssyncset.done @!p0 $0x0  }
0x17: {  	[sflag:s20] =	ssyncadd.s32 @!p0 $0xFFFE7800  }
0x18: {  	[tilespmem:s13], [sflag:$0x2] =	stream.linear.gather [hbm4b:s1+s3], $0x3E80, $0x38;
	[tilespmem:$0x11220] =	vst v63  }
0x19: {  	_ =	swait.ge [sflag:s14], $0x3E80  }
0x1a: {  	[sflag:s14] =	ssyncset.done $0x0  }
0x1b: {  	[sflag:s14] =	ssyncadd.s32 $0xFFFFC180  }
0x1c: {  	[bflag:$0x0] =	sbarrier.arrive $0xFFFF  }
0x1d: {  	[tilespmem:s3], [sflag:$0x2] =	stream.linear.gather [hbm4b:s6+s3], $0x7D0, $0x38;
	[tilespmem:$0x11220] =	vst v63  }
0x1e: {  	_ =	swait.ge [sflag:s14], $0x7D0  }
0x1f: {  	[sflag:s14] =	ssyncset.done $0x0  }
0x20: {  	s30 =	sadd.s32 $0x0, s11;
	[sflag:s14] =	ssyncadd.s32 $0xFFFFF830  }
0x21: {  	[tilespmem:s15], [sflag:$0x1] =	stream.linear.gather [hbm4b:s30+s3], $0x7D0, $0x38;
	[tilespmem:$0x11220] =	vst v63  }
0x22: {  	_ = 	snop  }
0x23: {  	[spmem:s2] =	stream.indirect.scatter.add.f32 [tilespmem:s13], [sflag:$0x2], $0x8, s3, s15, $0xb8;
	[tilespmem:$0x11220] =	vst v63  }
0x24: {  	_ =	swait.ge [sflag:s14], $0x3E80  }
0x25: {  	[sflag:s14] =	ssyncset.done $0x0  }
0x26: {  	[sflag:s14] =	ssyncadd.s32 $0xFFFFC180  }
0x27: {  	_ =	swait.ge [sflag:s16], $0x7D0  }
0x28: {  	s31 =	sshrl.u32 s10, $0x3;
	[sflag:s16] =	ssyncset.done $0x0  }
0x29: {  	s20 =	sadd.s32 s4, s31;
	[sflag:s16] =	ssyncadd.s32 $0xFFFFF830  }
0x2a: {  	[tilespmem:s3], [sflag:$0x1] =	stream.linear.gather [hbm4b:s20+s3], $0x7D0, $0x38;
	[tilespmem:$0x11220] =	vst v63  }
0x2b: {  	_ = 	snop  }
0x2c: {  	[spmem:s2] =	stream.indirect.scatter.add.f32 [tilespmem:s13], [sflag:$0x2], $0x8, s15, s15, $0xb8;
	[tilespmem:$0x11220] =	vst v63  }
0x2d: {  	_ =	swait.ge [sflag:s14], $0x3E80  }
0x2e: {  	[sflag:s14] =	ssyncset.done $0x0  }
0x2f: {  	[sflag:s14] =	ssyncadd.s32 $0xFFFFC180  }
0x30: {  	s21 =	simm.s32 $0x1F4;
	_ =	swait.ge [sflag:s16], $0x7D0  }
0x31: {  	s22 =	simm.s32 $0x3E8;
	s20 =	sadd.s32 $0xFA0, s10;
	[sflag:s16] =	ssyncset.done $0x0  }
.LBB2_2:
0x32: {  	s23 =	sadd.s32 s21, s11  }
0x33: {  	[sflag:s16] =	ssyncadd.s32 $0xFFFFF830;
	s21 =	smov.u32 s22;
	s24 =	sadd.s32 $0x1F4, s22  }
0x34: {  	[tilespmem:s15], [sflag:$0x1] =	stream.linear.gather [hbm4b:s23+s3], $0x7D0, $0x38;
	[tilespmem:$0x11220] =	vst v63  }
0x35: {  	p1 =	sne.s32 s22, $0x5DC0  }
0x36: {  	[spmem:s2] =	stream.indirect.scatter.add.f32 [tilespmem:s13], [sflag:$0x2], $0x8, s3, s15, $0xb8;
	[tilespmem:$0x11220] =	vst v63  }
0x37: {  	_ =	swait.ge [sflag:s14], $0x3E80  }
0x38: {  	[sflag:s14] =	ssyncset.done $0x0  }
0x39: {  	[sflag:s14] =	ssyncadd.s32 $0xFFFFC180  }
0x3a: {  	_ =	swait.ge [sflag:s16], $0x7D0  }
0x3b: {  	s22 =	sshrl.u32 s20, $0x3;
	[sflag:s16] =	ssyncset.done $0x0  }
0x3c: {  	s22 =	sadd.s32 s4, s22;
	[sflag:s16] =	ssyncadd.s32 $0xFFFFF830  }
0x3d: {  	[tilespmem:s3], [sflag:$0x1] =	stream.linear.gather [hbm4b:s22+s3], $0x7D0, $0x38;
	[tilespmem:$0x11220] =	vst v63  }
0x3e: {  	_ = 	snop  }
0x3f: {  	[spmem:s2] =	stream.indirect.scatter.add.f32 [tilespmem:s13], [sflag:$0x2], $0x8, s15, s15, $0xb8;
	[tilespmem:$0x11220] =	vst v63  }
.Ltmp0:
0x40: {  	_ =	swait.ge [sflag:s14], $0x3E80;
	(pc) =	sbr.rel @p1 .LBB2_2-.Ltmp0, $4  }
0x41: {  	[sflag:s14] =	ssyncset.done $0x0  }
0x42: {  	[sflag:s14] =	ssyncadd.s32 $0xFFFFC180  }
0x43: {  	_ =	swait.ge [sflag:s16], $0x7D0  }
0x44: {  	s20 =	sadd.s32 $0xFA0, s20;
	s22 =	smov.u32 s24;
	[sflag:s16] =	ssyncset.done $0x0  }
0x45: {  	s21 =	sadd.s32 s21, s11;
	[sflag:s16] =	ssyncadd.s32 $0xFFFFF830  }
0x46: {  	[tilespmem:s15], [sflag:$0x1] =	stream.linear.gather [hbm4b:s21+s3], $0x7D0, $0x38;
	[tilespmem:$0x11220] =	vst v63  }
0x47: {  	_ = 	snop  }
0x48: {  	[spmem:s2] =	stream.indirect.scatter.add.f32 [tilespmem:s13], [sflag:$0x2], $0x8, s3, s15, $0xb8;
	[tilespmem:$0x11220] =	vst v63  }
0x49: {  	_ =	swait.ge [sflag:s14], $0x3E80  }
0x4a: {  	[sflag:s14] =	ssyncset.done $0x0  }
0x4b: {  	[sflag:s14] =	ssyncadd.s32 $0xFFFFC180  }
0x4c: {  	_ =	swait.ge [sflag:s16], $0x7D0  }
0x4d: {  	s20 =	sshrl.u32 s20, $0x3;
	[sflag:s16] =	ssyncset.done $0x0  }
0x4e: {  	s20 =	sadd.s32 s4, s20;
	[sflag:s16] =	ssyncadd.s32 $0xFFFFF830  }
0x4f: {  	[tilespmem:s3], [sflag:$0x1] =	stream.linear.gather [hbm4b:s20+s3], $0x7D0, $0x38;
	[tilespmem:$0x11220] =	vst v63  }
0x50: {  	_ = 	snop  }
0x51: {  	[spmem:s2] =	stream.indirect.scatter.add.f32 [tilespmem:s13], [sflag:$0x2], $0x8, s15, s15, $0xb8;
	[tilespmem:$0x11220] =	vst v63  }
0x52: {  	_ =	swait.ge [sflag:s14], $0x3E80  }
0x53: {  	[sflag:s14] =	ssyncset.done $0x0  }
0x54: {  	[sflag:s14] =	ssyncadd.s32 $0xFFFFC180  }
0x55: {  	_ =	swait.ge [sflag:s16], $0x7D0  }
0x56: {  	[sflag:s16] =	ssyncset.done $0x0  }
0x57: {  	[sflag:s16] =	ssyncadd.s32 $0xFFFFF830  }
0x58: {  	[tilespmem:s15], [sflag:$0x1] =	stream.linear.gather [hbm4b:s9+s3], $0x7D0, $0x38;
	[tilespmem:$0x11220] =	vst v63  }
0x59: {  	_ = 	snop  }
0x5a: {  	[spmem:s2] =	stream.indirect.scatter.add.f32 [tilespmem:s13], [sflag:$0x2], $0x8, s3, s15, $0xb8;
	[tilespmem:$0x11220] =	vst v63  }
0x5b: {  	_ =	swait.ge [sflag:s14], $0x3E80  }
0x5c: {  	[sflag:s14] =	ssyncset.done $0x0  }
0x5d: {  	[sflag:s14] =	ssyncadd.s32 $0xFFFFC180  }
0x5e: {  	_ =	swait.ge [sflag:s16], $0x7D0  }
0x5f: {  	[sflag:s16] =	ssyncset.done $0x0  }
0x60: {  	[sflag:s16] =	ssyncadd.s32 $0xFFFFF830  }
0x61: {  	[spmem:s2] =	stream.indirect.scatter.add.f32 [tilespmem:s13], [sflag:$0x2], $0x8, s15, s15, $0xb8;
	[tilespmem:$0x11220] =	vst v63  }
0x62: {  	_ =	swait.ge [sflag:s14], $0x3E80  }
0x63: {  	s19 =	sadd.s32 $0x1, s19;
	[sflag:s14] =	ssyncset.done $0x0  }
0x64: {  	p1 =	sne.s32 s19, s8;
	[sflag:s14] =	ssyncadd.s32 $0xFFFFC180  }
.Ltmp1:
0x65: {  	[bflag:$0x0] =	sbarrier.arrive $0xFFFF;
	(pc) =	sbr.rel @p1 .LBB2_1-.Ltmp1, $4  }
0x66: {  	[hbm:s7], [sflag:s17] =	dma.local [spmem:s18], $0x1880  }
0x67: {  	_ =	swait.ge [sflag:s14], $0x1880  }
0x68: {  	[sflag:s14] =	ssyncset.done $0x0  }
0x69: {  	[sflag:s14] =	ssyncadd.s32 $0xFFFFE780  }
0x6a: {  	_ =	sfence.sel $0x180000  }
0x6b: {  	[bflag:$0x0] =	sbarrier.arrive $0xFFFF  }
0x6c: {  	_ =	strace $0x9000004A  }
0x6d: {  	s0 =	sadd.s32 @!p0 $0x100000, s0;
	[bflag:$0x2] =	sbarrier.arrive $0xFFFF  }
0x6e: {  	[sflag:s0] =	ssyncadd.tile.s32 @!p0 $0x1;
	_ =	shalt  }
.Lfunc_end2:
_tile_overlayer_lowered:
.L_overlay_start_2:
0x6f: {  	(tag) =	ssettag $0x2  }
0x70: {  	s0 =	rddreg [dreg:$0x0];
	s2 =	stileid.u32  }
0x71: {  	s1 =	rddreg [dreg:$0x1];
	p0 =	sne.s32 s2, $0x0  }
0x72: {  	s3 =	rddreg [dreg:$0x2];
	[bflag:$0x3] =	sbarrier.arrive $0xFFFF;
	s2 =	simm.s32 @!p0 $0x1C02  }
0x73: {  	[timem:s3], [sflag:s2] =	dma.local @!p0 [hbm:s0], s1  }
0x74: {  	s0 =	simm.s32 @!p0 $0x2  }
0x75: {  	_ =	swait.ge @!p0 [sflag:s0], s1  }
0x76: {  	s1 =	ssub.s32 @!p0 $0x0, s1;
	[sflag:s0] =	ssyncset.done @!p0 $0x0  }
0x77: {  	[sflag:s0] =	ssyncadd.s32 @!p0 s1  }
0x78: {  	[bflag:$0x3] =	sbarrier.arrive $0xFFFF  }
0x79: {  	_ =	shalt  }

// kernel: kernel.13.cloned.1.call-start
scs
__scs_entry_jumppad:
0x0: {  	(pc) =	sbr.rel $0x88, $3  }
0x1: {  	(tag) =	ssettag $0x0;
	lr =	simm.s32 $0x1  }
0x2: {  	[smem:$0x3F8E] =	sst lr;
	_ =	strace $0xD0000000  }
0x3: {  	_ = 	snop  }
0x4: {  	_ = 	snop  }
0x5: {  	_ = 	snop  }
0x6: {  	_ = 	snop  }
0x7: {  	_ = 	snop  }
__scs_overlays_trampoline_lowered:
0x8: {  	[smem:$0x3F9D] =	sst s0  }
0x9: {  	[smem:$0x3F9E] =	sst s1  }
0xa: {  	[smem:$0x3F9F] =	sst s2  }
0xb: {  	[smem:$0x3FA0] =	sst s3  }
0xc: {  	[smem:$0x3FA1] =	sst s4  }
0xd: {  	[smem:$0x3FA2] =	sst s5  }
0xe: {  	[smem:$0x3FA3] =	sst s6  }
0xf: {  	[smem:$0x3FA4] =	sst s7  }
0x10: {  	[smem:$0x3FA5] =	sst s8  }
0x11: {  	[smem:$0x3FA6] =	sst s9;
	s0 =	simm.s32 @!p0 $0x0  }
0x12: {  	s1 =	sld [smem:$0x3F8C];
	s0 =	simm.s32 @p0 $0x1  }
0x13: {  	[smem:$0x3FA7] =	sst s0;
	s0 =	simm.s32 @!p1 $0x0  }
0x14: {  	s2 =	sld [smem:$0x3F8B];
	s0 =	simm.s32 @p1 $0x1  }
0x15: {  	[smem:$0x3FA8] =	sst s0;
	s0 =	simm.s32 @!p2 $0x0  }
0x16: {  	s3 =	sld [smem:$0x3FDB];
	s0 =	simm.s32 @p2 $0x1  }
0x17: {  	s4 =	simm.s32 $0x1BF5;
	[smem:$0x3FAA] =	sst s0  }
0x18: {  	s0 =	sld [smem:$0x3F8D];
	_ =	swait.ge [sflag:s4], $0x0  }
0x19: {  	s7 =	sld [smem:$0x3F8E]  }
0x1a: {  	s8 =	sadd.s32 $0xFFFFE003, lr  }
0x1b: {  	s9 =	sadd.s32 $0xFFFFFEF7, lr;
	s5 =	simm.s32 $0xFFFFFFFF;
	p2 =	slt.u32 s8, $0xFFFFF086  }
0x1c: {  	p1 =	slt.u32 s9, $0xF7A;
	s5 =	simm.s32 @!p2 $0x0  }
0x1d: {  	s5 =	simm.s32 @p1 $0x1;
	p0 =	seq.s32 s7, s2  }
0x1e: {  	s7 =	smul.u32 @!p0 $0xF7A, s2;
	p2 =	seq.s32 @!p0 s5, $0x0  }
0x1f: {  	s9 =	smul.u32 $0xF7A, s1;
	s8 =	simm.s32 @!p0 $0x1BF5;
	p2 =	por !p2, p0  }
0x20: {  	[sflag:s8] =	ssyncset.s32 @!p0 $0xFFFFF086;
	s6 =	sadd.s32 @!p0 s3, s7;
	s7 =	simm.s32 @!p0 $0x108  }
0x21: {  	s3 =	sadd.s32 s3, s9;
	s6 =	sadd.s32 @!p0 $0x88, s6;
	s7 =	simm.s32 @p2 $0x1082  }
0x22: {  	[simem:s7], [sflag:s8] =	dma.local @!p0 [hbm:s6], $0xF7A  }
0x23: {  	s9 =	sor.u32 $0xD0000000, s2;
	s6 =	simm.s32 $0x108;
	_ =	swait.ge @!p0 [sflag:s8], $0x0  }
0x24: {  	s3 =	sadd.s32 $0x88, s3;
	s6 =	simm.s32 @!p1 $0x1082;
	[sflag:s4] =	ssyncset.s32 $0xFFFFF086  }
0x25: {  	[simem:s6], [sflag:s4] =	dma.local [hbm:s3], $0xF7A  }
0x26: {  	[smem:$0x3F8E] =	sst s1;
	(tag) =	ssettag s2;
	_ =	strace s9  }
0x27: {  	s1 =	sld [smem:$0x3F9E]  }
0x28: {  	s2 =	sld [smem:$0x3F9F]  }
0x29: {  	s4 =	sld [smem:$0x3FA1]  }
0x2a: {  	p0 =	seq.s32 s5, $0x0;
	s5 =	sld [smem:$0x3FA2]  }
0x2b: {  	s6 =	sld [smem:$0x3FA3]  }
0x2c: {  	s7 =	sld [smem:$0x3FA4]  }
0x2d: {  	s3 =	simm.s32 $0x108;
	s8 =	sld [smem:$0x3FA5]  }
0x2e: {  	s3 =	simm.s32 @!p0 $0x1082;
	s9 =	sld [smem:$0x3FA6]  }
0x2f: {  	lr =	sadd.s32 s0, s3;
	s0 =	sld [smem:$0x3F9D]  }
0x30: {  	s3 =	sld [smem:$0x3FA0]  }
0x31: {  	[smem:$0x3FA9] =	sst s10  }
0x32: {  	s10 =	sld [smem:$0x3FA7];
	_ =	sdelay $0x3  }
0x33: {  	p0 =	seq.s32 s10, $0x1;
	s10 =	sld [smem:$0x3FA9];
	_ =	sdelay $0x3  }
0x34: {  	[smem:$0x3FA9] =	sst s10  }
0x35: {  	s10 =	sld [smem:$0x3FA8];
	_ =	sdelay $0x3  }
0x36: {  	p1 =	seq.s32 s10, $0x1;
	s10 =	sld [smem:$0x3FA9];
	_ =	sdelay $0x3  }
0x37: {  	[smem:$0x3FA9] =	sst s10  }
0x38: {  	s10 =	sld [smem:$0x3FAA]  }
0x39: {  	_ = 	snop;
	(pc) =	sbr.ind lr, $3  }
0x3a: {  	_ = 	snop  }
0x3b: {  	_ = 	snop  }
0x3c: {  	p2 =	seq.s32 s10, $0x1;
	s10 =	sld [smem:$0x3FA9]  }
0x3d: {  	_ =	shalt  }
0x3e: {  	_ =	shalt  }
0x3f: {  	_ =	shalt  }
0x40: {  	_ =	shalt  }
0x41: {  	_ =	shalt  }
0x42: {  	_ =	shalt  }
0x43: {  	_ =	shalt  }
0x44: {  	_ =	shalt  }
0x45: {  	_ =	shalt  }
0x46: {  	_ =	shalt  }
0x47: {  	_ =	shalt  }
0x48: {  	_ =	shalt  }
0x49: {  	_ =	shalt  }
0x4a: {  	_ =	shalt  }
0x4b: {  	_ =	shalt  }
0x4c: {  	_ =	shalt  }
0x4d: {  	_ =	shalt  }
0x4e: {  	_ =	shalt  }
0x4f: {  	_ =	shalt  }
0x50: {  	_ =	shalt  }
0x51: {  	_ =	shalt  }
0x52: {  	_ =	shalt  }
0x53: {  	_ =	shalt  }
0x54: {  	_ =	shalt  }
0x55: {  	_ =	shalt  }
0x56: {  	_ =	shalt  }
0x57: {  	_ =	shalt  }
0x58: {  	_ =	shalt  }
0x59: {  	_ =	shalt  }
0x5a: {  	_ =	shalt  }
0x5b: {  	_ =	shalt  }
0x5c: {  	_ =	shalt  }
0x5d: {  	_ =	shalt  }
0x5e: {  	_ =	shalt  }
0x5f: {  	_ =	shalt  }
0x60: {  	_ =	shalt  }
0x61: {  	_ =	shalt  }
0x62: {  	_ =	shalt  }
0x63: {  	_ =	shalt  }
0x64: {  	_ =	shalt  }
0x65: {  	_ =	shalt  }
0x66: {  	_ =	shalt  }
0x67: {  	_ =	shalt  }
0x68: {  	_ =	shalt  }
0x69: {  	_ =	shalt  }
0x6a: {  	_ =	shalt  }
0x6b: {  	_ =	shalt  }
0x6c: {  	_ =	shalt  }
0x6d: {  	_ =	shalt  }
0x6e: {  	_ =	shalt  }
0x6f: {  	_ =	shalt  }
0x70: {  	_ =	shalt  }
0x71: {  	_ =	shalt  }
0x72: {  	_ =	shalt  }
0x73: {  	_ =	shalt  }
0x74: {  	_ =	shalt  }
0x75: {  	_ =	shalt  }
0x76: {  	_ =	shalt  }
0x77: {  	_ =	shalt  }
0x78: {  	_ =	shalt  }
0x79: {  	_ =	shalt  }
0x7a: {  	_ =	shalt  }
0x7b: {  	_ =	shalt  }
0x7c: {  	_ =	shalt  }
0x7d: {  	_ =	shalt  }
0x7e: {  	_ =	shalt  }
0x7f: {  	_ =	shalt  }
0x80: {  	_ =	shalt  }
0x81: {  	_ =	shalt  }
0x82: {  	_ =	shalt  }
0x83: {  	_ =	shalt  }
0x84: {  	_ =	shalt  }
0x85: {  	_ =	shalt  }
0x86: {  	_ =	shalt  }
0x87: {  	_ =	shalt  }
.Lfunc_end0:
.L_simem_size_0:
called_computation.1_lowered:
.L_overlay_start_0:
0x88: {  	s2 =	sld [smem:$0x3FD9]  }
0x89: {  	s3 =	sld [smem:$0x3FFE];
	_ =	sdelay $0x1  }
0x8a: {  	s1 =	srdreg.scid  }
0x8b: {  	s0 =	sand.u32 $0x1, s1  }
0x8c: {  	s16 =	sshll.u32 s0, $0xA;
	s2 =	sadd.s32 s3, s2  }
0x8d: {  	s2 =	sadd.s32 s2, s16  }
0x8e: {  	[smem:$0x3FB5] =	sst s2  }
0x8f: {  	_ = 	snop  }
0x90: {  	(tm) =	ssettm $0x1  }
0x91: {  	s17 =	sld [smem:$0x3FFB];
	_ =	sdelay $0x3  }
0x92: {  	_ =	strace s17  }
0x93: {  	s2 =	sld [smem:$0x3FFC];
	_ =	sdelay $0x3  }
0x94: {  	_ =	strace s2  }
0x95: {  	s2 =	sld [smem:$0x3FFD];
	_ =	sdelay $0x3  }
0x96: {  	_ =	strace s2  }
0x97: {  	_ =	strace $0x8FFFFFFF  }
0x98: {  	s18 =	sld [smem:$0x3FDB];
	_ =	sdelay $0x1  }
0x99: {  	s19 =	simm.s32 $_scs_section_size  }
0x9a: {  	s4 =	simm.s32 $_size__tile_overlayer_lowered;
	s5 =	simm.s32 $_tile_overlayer_lowered  }
0x9b: {  	s22 =	simm.s32 $0x1BFF;
	s21 =	sshll.u32 s5, $0x1;
	s2 =	sadd.s32 s19, s18  }
0x9c: {  	s6 =	simm.s32 $0x0;
	s20 =	sshll.u32 s4, $0x1;
	s4 =	sadd.s32 s21, s2  }
0x9d: {  	[timem:s6], [sflag:s22] =	dma.local [hbm:s4], s20  }
0x9e: {  	_ =	swait.ge [sflag:s22], s20  }
0x9f: {  	s3 =	ssub.s32 $0x0, s20;
	[sflag:s22] =	ssyncset.done $0x0  }
0xa0: {  	[sflag:s22] =	ssyncadd.s32 s3;
	_ =	sdelay $0x1  }
0xa1: {  	s23 =	simm.s32 $0x1B8B  }
0xa2: {  	_ =	swait.ge [sflag:s23], $0x1  }
0xa3: {  	[sflag:s23] =	ssyncset.done $0x0  }
0xa4: {  	s25 =	simm.s32 $0x1B8E;
	s24 =	sld [smem:$0x3FFE];
	[sflag:s23] =	ssyncadd.s32 $0xFFFFFFFF  }
0xa5: {  	s26 =	simm.s32 $execute0_lowered;
	[smem:$0x3FD2] =	sst s25  }
0xa6: {  	s4 =	sshll.u32 s26, $0x1;
	_ =	strace $0x80000046;
	[dreg:$0x1] =	wrdreg $0xFFFFFFFF  }
0xa7: {  	s28 =	simm.s32 $_size_execute0_lowered;
	s2 =	sadd.s32 s2, s4;
	[dreg:$0x0] =	wrdreg $0x0  }
0xa8: {  	s4 =	sshll.u32 s28, $0x1;
	[dreg:$0x2] =	wrdreg s2  }
0xa9: {  	[dreg:$0x3] =	wrdreg s4  }
0xaa: {  	[dreg:$0x4] =	wrdreg $0xC0  }
0xab: {  	_ =	task [dreg:s6], $0x5FFFF  }
0xac: {  	[dreg:$0x1] =	wrdreg $0xFFFFFFFF  }
0xad: {  	[dreg:$0x0] =	wrdreg $0x60  }
0xae: {  	[dreg:$0x2] =	wrdreg s24  }
0xaf: {  	[dreg:$0x3] =	wrdreg $0x138800  }
0xb0: {  	[dreg:$0x4] =	wrdreg $0xA  }
0xb1: {  	_ =	task.clear_ibuf [dreg:s6], $0x5FFFF;
	_ =	strace $0x90000046  }
0xb2: {  	s29 =	simm.s32 $0xA;
	_ =	strace $0x80000048  }
0xb3: {  	_ =	swait.ge [sflag:s29], $0x1  }
0xb4: {  	[sflag:s29] =	ssyncadd.s32 $0xFFFFFFFF  }
0xb5: {  	_ =	strace $0x90000048  }
0xb6: {  	_ =	sfence  }
0xb7: {  	s30 =	sld [smem:$0x0];
	_ =	sdelay $0x2  }
0xb8: {  	s31 =	sshll.u32 s1, $0xD;
	s1 =	sshrl.u32 s1, $0x2  }
0xb9: {  	s3 =	sand.u32 $0x4000, s31;
	s1 =	sadd.s32 s1, s30  }
0xba: {  	s0 =	sor.u32 s3, s0;
	s1 =	sshll.u32 s1, $0x11  }
0xbb: {  	s0 =	sor.u32 s1, s0  }
0xbc: {  	s0 =	sadd.s32 $0x8F2B, s0  }
0xbd: {  	[sflag:s0] =	ssyncadd.remote.s32 $0x1  }
0xbe: {  	_ =	sfence.sel $0xFFFF  }
0xbf: {  	[dreg:$0x0] =	wrdreg $0xFFFFFFFF;
	(pc) =	sbr.abs _section_cstart, $3  }
0xc0: {  	[dreg:$0x1] =	wrdreg $0xFFFFFFFF  }
0xc1: {  	_ =	task.clear_ibuf [dreg:s6], $0x2FFFF;
	_ =	strace $0x9FFFFFFF  }
0xc2: {  	(tm) =	ssettm $0x7FFFFFFF  }
0xc3: {  	_ =	shalt  }
tec
execute0_lowered:
.L_overlay_start_1:
0x0: {  	(tag) =	ssettag $0x1  }
0x1: {  	s0 =	rddreg [dreg:$0x0]  }
0x2: {  	s1 =	rddreg [dreg:$0x1]  }
0x3: {  	s2 =	simm.s32 $0x0;
	s3 =	srdreg.scid;
	s13 =	stileid.u32  }
0x4: {  	s29 =	simm.s32 $0x7D0;
	s30 =	simm.s32 $0x3E80;
	s31 =	simm.s32 $0x2EE0  }
0x5: {  	[smem:$0x7FF] =	sst s2;
	s3 =	sand.u32 $0x1, s3;
	s4 =	sadd.s32 $0x1BD200, s0  }
0x6: {  	s8 =	smul.u32 $0xC400, s13;
	s9 =	sshll.u32 s13, $0x1;
	s5 =	sadd.s32 $0xF9C00, s0  }
0x7: {  	s6 =	sadd.s32 $0x36600, s0;
	s11 =	sadd.s32 $0x1D5A00, s0;
	s25 =	smul.u32 $0x61A80, s13  }
0x8: {  	p0 =	sne.s32 s13, $0x0;
	_ =	strace $0x80000047;
	s7 =	smul.u32 $0xC4000, s3  }
0x9: {  	s9 =	sor.u32 s3, s9;
	s10 =	ssub.s32 $0x2, s3;
	s3 =	smul.u32 $0x30D40, s3  }
0xa: {  	[dreg:$0x3] =	wrdreg s11;
	s9 =	smul.u32 $0x30D40, s9;
	s21 =	sshrl.u32 s10, $0x1  }
0xb: {  	s17 =	sadd.s32 s8, s1;
	s7 =	sadd.s32 s8, s7;
	s22 =	ssub.s32 s10, s21  }
0xc: {  	s3 =	sadd.s32 s3, s25;
	s8 =	simm.s32 $0x36B0;
	s10 =	simm.s32 $0x1  }
0xd: {  	s7 =	sshrl.u32 s7, $0x3;
	s9 =	sshrl.u32 s9, $0x3;
	s16 =	sadd.s32 $0x36B0, s3  }
0xe: {  	s25 =	sadd.s32 $0x2EE0, s3;
	s0 =	sadd.s32 s7, s0;
	s23 =	sadd.s32 s5, s9  }
0xf: {  	s24 =	sadd.s32 s6, s9;
	s26 =	sadd.s32 $0xFA, s9;
	[dreg:$0x4] =	wrdreg s23  }
0x10: {  	s12 =	sadd.s32 $0x1F4, s9;
	s7 =	smax.u32 s22, $0x1;
	[dreg:$0x5] =	wrdreg s24  }
0x11: {  	s9 =	sadd.s32 $0x2EE, s9;
	s14 =	sadd.s32 s5, s26;
	[dreg:$0xd] =	wrdreg s7  }
0x12: {  	s11 =	sadd.s32 s6, s26;
	s28 =	sadd.s32 s5, s12;
	[dreg:$0x6] =	wrdreg s14  }
0x13: {  	s15 =	sadd.s32 s5, s9;
	s9 =	sadd.s32 s6, s9;
	[dreg:$0x7] =	wrdreg s11  }
0x14: {  	s0 =	sadd.s32 $0x1EE200, s0;
	s24 =	sshrl.u32 s16, $0x3;
	[dreg:$0x8] =	wrdreg s28  }
0x15: {  	s7 =	sshrl.u32 s25, $0x3;
	s26 =	sadd.s32 $0x2710, s3;
	[dreg:$0xa] =	wrdreg s15  }
0x16: {  	s3 =	sadd.s32 $0x1F40, s3;
	s14 =	sadd.s32 s6, s12;
	[dreg:$0xb] =	wrdreg s9  }
0x17: {  	[dreg:$0xc] =	wrdreg s0;
	s18 =	sadd.s32 s24, s6;
	s19 =	sadd.s32 s24, s5  }
0x18: {  	s20 =	sadd.s32 s7, s6;
	s21 =	sadd.s32 s7, s5;
	s28 =	sshrl.u32 s26, $0x3  }
.Ltmp0:
0x19: {  	[dreg:$0xe] =	wrdreg s3;
	s0 =	sshrl.u32 s17, $0x3;
	(pc) =	sbr.rel .LBB2_1-.Ltmp0, $4  }
0x1a: {  	s26 =	simm.s32 $0x5;
	s3 =	simm.s32 $0xFA0;
	s7 =	simm.s32 $0x1770  }
0x1b: {  	s9 =	simm.s32 $0xFA00;
	s11 =	simm.s32 $0x3;
	s12 =	simm.s32 $0x4  }
0x1c: {  	[dreg:$0x9] =	wrdreg s14;
	s22 =	sadd.s32 s28, s6;
	s23 =	sadd.s32 s28, s5  }
0x1d: {  	[dreg:$0xf] =	wrdreg s0;
	s0 =	simm.s32 $0xBB80;
	s14 =	simm.s32 $0x0  }
.LBB2_4:
0x1e: {  	_ =	swait.ge [sflag:s12], $0x3E80  }
0x1f: {  	[sflag:s12] =	ssyncset.done $0x0  }
0x20: {  	[sflag:s12] =	ssyncadd.s32 $0xFFFFC180  }
0x21: {  	[spmem:s1] =	stream.indirect.scatter.add.f32 [tilespmem:s9], [sflag:$0x5], $0x8, s8, s29, $0xb8;
	[tilespmem:$0x1FC80] =	vst v63  }
0x22: {  	_ =	swait.ge [sflag:s26], $0x3E80  }
0x23: {  	[sflag:s26] =	ssyncset.done $0x0  }
0x24: {  	[sflag:s26] =	ssyncadd.s32 $0xFFFFC180  }
0x25: {  	s13 =	stileid.u32;
	[bflag:$0x0] =	sbarrier.arrive $0xFFFF  }
0x26: {  	s13 =	sshll.u32 s13, $0x6;
	s14 =	rddreg [dreg:$0xc]  }
0x27: {  	s13 =	sor.u32 $0x1C05, s13;
	s15 =	rddreg [dreg:$0xf]  }
0x28: {  	[hbm:s14], [sflag:s13] =	dma.local [spmem:s15], $0x1880  }
0x29: {  	_ =	swait.ge [sflag:s26], $0x1880  }
0x2a: {  	s25 =	rddreg [dreg:$0x10]  }
0x2b: {  	s28 =	rddreg [dreg:$0xd];
	s14 =	sadd.s32 $0x1, s25  }
0x2c: {  	p1 =	sne.s32 s14, s28  }
.Ltmp1:
0x2d: {  	_ = 	snop;
	(pc) =	sbr.rel @!p1 .LBB2_5-.Ltmp1, $3  }
0x2e: {  	_ =	sdelay $0x1  }
0x2f: {  	[sflag:s26] =	ssyncset.done $0x0  }
0x30: {  	[sflag:s26] =	ssyncadd.s32 $0xFFFFE780  }
.LBB2_1:
0x31: {  	[dreg:$0x10] =	wrdreg s14  }
0x32: {  	s15 =	sshrl.u32 @!p0 s1, $0x3;
	s24 =	simm.s32 @!p0 $0x1C05;
	s13 =	rddreg [dreg:$0x3]  }
0x33: {  	[spmem:s15], [sflag:s24] =	dma.local @!p0 [hbm:s13], $0x18800  }
0x34: {  	s15 =	simm.s32 @!p0 $0x5  }
0x35: {  	_ =	swait.ge @!p0 [sflag:s15], $0x18800  }
0x36: {  	[sflag:s15] =	ssyncset.done @!p0 $0x0  }
0x37: {  	[sflag:s15] =	ssyncadd.s32 @!p0 $0xFFFE7800  }
0x38: {  	[bflag:$0x0] =	sbarrier.arrive $0xFFFF  }
0x39: {  	s17 =	rddreg [dreg:$0x4]  }
0x3a: {  	[tilespmem:s2], [sflag:$0x5] =	stream.linear.gather [hbm4b:s17+s2], $0x7D0, $0x38;
	[tilespmem:$0x1FC80] =	vst v63  }
0x3b: {  	_ =	swait.ge [sflag:s26], $0x7D0  }
0x3c: {  	[sflag:s26] =	ssyncset.done $0x0  }
0x3d: {  	s25 =	simm.s32 $0x1F40;
	s24 =	rddreg [dreg:$0x5];
	[sflag:s26] =	ssyncadd.s32 $0xFFFFF830  }
0x3e: {  	[tilespmem:s25], [sflag:$0x5] =	stream.linear.gather [hbm4b:s24+s2], $0x7D0, $0x38;
	[tilespmem:$0x1FC80] =	vst v63  }
0x3f: {  	_ =	swait.ge [sflag:s26], $0x7D0  }
0x40: {  	[sflag:s26] =	ssyncset.done $0x0  }
0x41: {  	[sflag:s26] =	ssyncadd.s32 $0xFFFFF830  }
0x42: {  	[tilespmem:s30], [sflag:$0x1] =	stream.indirect.gather [hbm4b:s4+s29], $0x8, s2, s29, $0xb8;
	[tilespmem:$0x1FC80] =	vst v63  }
0x43: {  	s28 =	rddreg [dreg:$0x6]  }
0x44: {  	[tilespmem:s29], [sflag:$0x5] =	stream.linear.gather [hbm4b:s28+s2], $0x7D0, $0x38;
	[tilespmem:$0x1FC80] =	vst v63  }
0x45: {  	_ =	swait.ge [sflag:s26], $0x7D0  }
0x46: {  	[sflag:s26] =	ssyncset.done $0x0  }
0x47: {  	s15 =	simm.s32 $0x2710;
	s14 =	rddreg [dreg:$0x7];
	[sflag:s26] =	ssyncadd.s32 $0xFFFFF830  }
0x48: {  	[tilespmem:s15], [sflag:$0x5] =	stream.linear.gather [hbm4b:s14+s2], $0x7D0, $0x38;
	[tilespmem:$0x1FC80] =	vst v63  }
0x49: {  	_ =	swait.ge [sflag:s26], $0x7D0  }
0x4a: {  	[sflag:s26] =	ssyncset.done $0x0  }
0x4b: {  	s16 =	simm.s32 $0x7D00;
	[sflag:s26] =	ssyncadd.s32 $0xFFFFF830  }
0x4c: {  	[tilespmem:s16], [sflag:$0x2] =	stream.indirect.gather [hbm4b:s4+s29], $0x8, s29, s29, $0xb8;
	[tilespmem:$0x1FC80] =	vst v63  }
0x4d: {  	s17 =	rddreg [dreg:$0x8]  }
0x4e: {  	[tilespmem:s3], [sflag:$0x5] =	stream.linear.gather [hbm4b:s17+s2], $0x7D0, $0x38;
	[tilespmem:$0x1FC80] =	vst v63  }
0x4f: {  	_ =	swait.ge [sflag:s26], $0x7D0  }
0x50: {  	[sflag:s26] =	ssyncset.done $0x0  }
0x51: {  	s24 =	rddreg [dreg:$0x9];
	[sflag:s26] =	ssyncadd.s32 $0xFFFFF830  }
0x52: {  	[tilespmem:s31], [sflag:$0x5] =	stream.linear.gather [hbm4b:s24+s2], $0x7D0, $0x38;
	[tilespmem:$0x1FC80] =	vst v63  }
0x53: {  	_ =	swait.ge [sflag:s26], $0x7D0  }
0x54: {  	[sflag:s26] =	ssyncset.done $0x0  }
0x55: {  	[sflag:s26] =	ssyncadd.s32 $0xFFFFF830  }
0x56: {  	[tilespmem:s0], [sflag:$0x3] =	stream.indirect.gather [hbm4b:s4+s29], $0x8, s3, s29, $0xb8;
	[tilespmem:$0x1FC80] =	vst v63  }
0x57: {  	s25 =	rddreg [dreg:$0xa]  }
0x58: {  	[tilespmem:s7], [sflag:$0x5] =	stream.linear.gather [hbm4b:s25+s2], $0x7D0, $0x38;
	[tilespmem:$0x1FC80] =	vst v63  }
0x59: {  	_ =	swait.ge [sflag:s26], $0x7D0  }
0x5a: {  	[sflag:s26] =	ssyncset.done $0x0  }
0x5b: {  	s28 =	rddreg [dreg:$0xb];
	[sflag:s26] =	ssyncadd.s32 $0xFFFFF830  }
0x5c: {  	[tilespmem:s8], [sflag:$0x5] =	stream.linear.gather [hbm4b:s28+s2], $0x7D0, $0x38;
	[tilespmem:$0x1FC80] =	vst v63  }
0x5d: {  	_ =	swait.ge [sflag:s26], $0x7D0  }
0x5e: {  	[sflag:s26] =	ssyncset.done $0x0  }
0x5f: {  	s15 =	simm.s32 $0x0;
	s24 =	rddreg [dreg:$0xe];
	[sflag:s26] =	ssyncadd.s32 $0xFFFFF830  }
0x60: {  	[tilespmem:s9], [sflag:$0x4] =	stream.indirect.gather [hbm4b:s4+s29], $0x8, s7, s29, $0xb8;
	[tilespmem:$0x1FC80] =	vst v63  }
.LBB2_2:
0x61: {  	_ =	swait.ge [sflag:s10], $0x3E80  }
0x62: {  	[sflag:s10] =	ssyncset.done $0x0  }
0x63: {  	s13 =	simm.s32 $0x1F40;
	[sflag:s10] =	ssyncadd.s32 $0xFFFFC180  }
0x64: {  	[spmem:s1] =	stream.indirect.scatter.add.f32 [tilespmem:s30], [sflag:$0x5], $0x8, s13, s29, $0xb8;
	[tilespmem:$0x1FC80] =	vst v63  }
0x65: {  	_ =	swait.ge [sflag:s26], $0x3E80  }
0x66: {  	p1 =	seq.s32 s15, $0x5DC0;
	[sflag:s26] =	ssyncset.done $0x0  }
0x67: {  	s16 =	simm.s32 @p1 $0x2;
	[sflag:s26] =	ssyncadd.s32 $0xFFFFC180  }
0x68: {  	_ =	swait.ge @p1 [sflag:s16], $0x3E80  }
0x69: {  	s17 =	simm.s32 @p1 $0x2710;
	[sflag:s16] =	ssyncset.done @p1 $0x0  }
0x6a: {  	s25 =	simm.s32 @p1 $0x7D00;
	[sflag:s16] =	ssyncadd.s32 @p1 $0xFFFFC180;
	s16 =	simm.s32 @p1 $0x7D0  }
0x6b: {  	[spmem:s1] =	stream.indirect.scatter.add.f32 @p1 [tilespmem:s25], [sflag:$0x5], $0x8, s17, s16, $0xb8;
	[tilespmem:$0x1FC80] =	vst v63  }
0x6c: {  	s16 =	simm.s32 @p1 $0x5  }
0x6d: {  	_ =	swait.ge @p1 [sflag:s16], $0x3E80  }
0x6e: {  	s17 =	sshrl.u32 @!p1 s24, $0x3;
	[sflag:s16] =	ssyncset.done @p1 $0x0  }
0x6f: {  	s25 =	simm.s32 @!p1 $0x0;
	[sflag:s16] =	ssyncadd.s32 @p1 $0xFFFFC180;
	s16 =	sadd.s32 @!p1 s5, s17  }
0x70: {  	[tilespmem:s25], [sflag:$0x5] =	stream.linear.gather @!p1 [hbm4b:s16+s25], $0x7D0, $0x38;
	[tilespmem:$0x1FC80] =	vst v63  }
0x71: {  	s16 =	simm.s32 @!p1 $0x5  }
0x72: {  	_ =	swait.ge @!p1 [sflag:s16], $0x7D0  }
0x73: {  	[sflag:s16] =	ssyncset.done @!p1 $0x0  }
0x74: {  	s14 =	simm.s32 @!p1 $0x1F40;
	s17 =	sadd.s32 @!p1 s6, s17;
	[sflag:s16] =	ssyncadd.s32 @!p1 $0xFFFFF830  }
0x75: {  	[tilespmem:s14], [sflag:$0x5] =	stream.linear.gather @!p1 [hbm4b:s17+s25], $0x7D0, $0x38;
	[tilespmem:$0x1FC80] =	vst v63  }
0x76: {  	_ =	swait.ge @!p1 [sflag:s16], $0x7D0  }
0x77: {  	[sflag:s16] =	ssyncset.done @!p1 $0x0  }
0x78: {  	s14 =	simm.s32 @!p1 $0x7D0;
	s17 =	simm.s32 @!p1 $0x3E80;
	[sflag:s16] =	ssyncadd.s32 @!p1 $0xFFFFF830  }
0x79: {  	[tilespmem:s17], [sflag:$0x1] =	stream.indirect.gather @!p1 [hbm4b:s4+s14], $0x8, s25, s14, $0xb8;
	[tilespmem:$0x1FC80] =	vst v63  }
0x7a: {  	s17 =	simm.s32 @!p1 $0x2  }
0x7b: {  	_ =	swait.ge @!p1 [sflag:s17], $0x3E80  }
0x7c: {  	[sflag:s17] =	ssyncset.done @!p1 $0x0  }
0x7d: {  	s13 =	simm.s32 @!p1 $0x7D00;
	[sflag:s17] =	ssyncadd.s32 @!p1 $0xFFFFC180;
	s17 =	simm.s32 @!p1 $0x2710  }
0x7e: {  	[spmem:s1] =	stream.indirect.scatter.add.f32 @!p1 [tilespmem:s13], [sflag:$0x5], $0x8, s17, s14, $0xb8;
	[tilespmem:$0x1FC80] =	vst v63  }
0x7f: {  	_ =	swait.ge @!p1 [sflag:s16], $0x3E80  }
0x80: {  	[sflag:s16] =	ssyncset.done @!p1 $0x0  }
0x81: {  	s28 =	sadd.s32 @!p1 s15, s23;
	[sflag:s16] =	ssyncadd.s32 @!p1 $0xFFFFC180  }
0x82: {  	[tilespmem:s14], [sflag:$0x5] =	stream.linear.gather @!p1 [hbm4b:s28+s25], $0x7D0, $0x38;
	[tilespmem:$0x1FC80] =	vst v63  }
0x83: {  	_ =	swait.ge @!p1 [sflag:s16], $0x7D0  }
0x84: {  	[sflag:s16] =	ssyncset.done @!p1 $0x0  }
0x85: {  	s28 =	sadd.s32 @!p1 s15, s22;
	[sflag:s16] =	ssyncadd.s32 @!p1 $0xFFFFF830  }
0x86: {  	[tilespmem:s17], [sflag:$0x5] =	stream.linear.gather @!p1 [hbm4b:s28+s25], $0x7D0, $0x38;
	[tilespmem:$0x1FC80] =	vst v63  }
0x87: {  	_ =	swait.ge @!p1 [sflag:s16], $0x7D0  }
0x88: {  	[sflag:s16] =	ssyncset.done @!p1 $0x0  }
0x89: {  	[sflag:s16] =	ssyncadd.s32 @!p1 $0xFFFFF830  }
0x8a: {  	[tilespmem:s13], [sflag:$0x2] =	stream.indirect.gather @!p1 [hbm4b:s4+s14], $0x8, s14, s14, $0xb8;
	[tilespmem:$0x1FC80] =	vst v63  }
0x8b: {  	_ =	swait.ge [sflag:s11], $0x3E80  }
0x8c: {  	[sflag:s11] =	ssyncset.done $0x0  }
.Ltmp2:
0x8d: {  	[sflag:s11] =	ssyncadd.s32 $0xFFFFC180;
	(pc) =	sbr.rel @p1 .LBB2_4-.Ltmp2, $4  }
0x8e: {  	[spmem:s1] =	stream.indirect.scatter.add.f32 [tilespmem:s0], [sflag:$0x5], $0x8, s31, s29, $0xb8;
	[tilespmem:$0x1FC80] =	vst v63  }
0x8f: {  	_ =	swait.ge [sflag:s26], $0x3E80  }
0x90: {  	[sflag:s26] =	ssyncset.done $0x0  }
0x91: {  	[sflag:s26] =	ssyncadd.s32 $0xFFFFC180  }
0x92: {  	s13 =	sadd.s32 s15, s21  }
0x93: {  	[tilespmem:s3], [sflag:$0x5] =	stream.linear.gather [hbm4b:s13+s2], $0x7D0, $0x38;
	[tilespmem:$0x1FC80] =	vst v63  }
0x94: {  	_ =	swait.ge [sflag:s26], $0x7D0  }
0x95: {  	[sflag:s26] =	ssyncset.done $0x0  }
0x96: {  	s17 =	sadd.s32 s15, s20;
	[sflag:s26] =	ssyncadd.s32 $0xFFFFF830  }
0x97: {  	[tilespmem:s31], [sflag:$0x5] =	stream.linear.gather [hbm4b:s17+s2], $0x7D0, $0x38;
	[tilespmem:$0x1FC80] =	vst v63  }
0x98: {  	_ =	swait.ge [sflag:s26], $0x7D0  }
0x99: {  	[sflag:s26] =	ssyncset.done $0x0  }
0x9a: {  	[sflag:s26] =	ssyncadd.s32 $0xFFFFF830  }
0x9b: {  	[tilespmem:s0], [sflag:$0x3] =	stream.indirect.gather [hbm4b:s4+s29], $0x8, s3, s29, $0xb8;
	[tilespmem:$0x1FC80] =	vst v63  }
0x9c: {  	_ =	swait.ge [sflag:s12], $0x3E80  }
0x9d: {  	[sflag:s12] =	ssyncset.done $0x0  }
0x9e: {  	[sflag:s12] =	ssyncadd.s32 $0xFFFFC180  }
0x9f: {  	[spmem:s1] =	stream.indirect.scatter.add.f32 [tilespmem:s9], [sflag:$0x5], $0x8, s8, s29, $0xb8;
	[tilespmem:$0x1FC80] =	vst v63  }
0xa0: {  	_ =	swait.ge [sflag:s26], $0x3E80  }
0xa1: {  	[sflag:s26] =	ssyncset.done $0x0  }
0xa2: {  	s25 =	sadd.s32 s15, s19;
	[sflag:s26] =	ssyncadd.s32 $0xFFFFC180  }
0xa3: {  	[tilespmem:s7], [sflag:$0x5] =	stream.linear.gather [hbm4b:s25+s2], $0x7D0, $0x38;
	[tilespmem:$0x1FC80] =	vst v63  }
0xa4: {  	_ =	swait.ge [sflag:s26], $0x7D0  }
0xa5: {  	[sflag:s26] =	ssyncset.done $0x0  }
0xa6: {  	s28 =	sadd.s32 s15, s18;
	[sflag:s26] =	ssyncadd.s32 $0xFFFFF830  }
0xa7: {  	[tilespmem:s8], [sflag:$0x5] =	stream.linear.gather [hbm4b:s28+s2], $0x7D0, $0x38;
	[tilespmem:$0x1FC80] =	vst v63  }
.Ltmp3:
0xa8: {  	_ = 	snop;
	(pc) =	sbr.rel .LBB2_2-.Ltmp3, $4  }
0xa9: {  	_ =	swait.ge [sflag:s26], $0x7D0  }
0xaa: {  	[sflag:s26] =	ssyncset.done $0x0  }
0xab: {  	s15 =	sadd.s32 $0x3E8, s15;
	s24 =	sadd.s32 $0x1F40, s24;
	[sflag:s26] =	ssyncadd.s32 $0xFFFFF830  }
0xac: {  	[tilespmem:s9], [sflag:$0x4] =	stream.indirect.gather [hbm4b:s4+s29], $0x8, s7, s29, $0xb8;
	[tilespmem:$0x1FC80] =	vst v63  }
.LBB2_5:
0xad: {  	_ =	sfence.sel $0x180000  }
0xae: {  	[bflag:$0x0] =	sbarrier.arrive $0xFFFF  }
0xaf: {  	_ =	strace $0x90000047  }
0xb0: {  	[bflag:$0x2] =	sbarrier.arrive $0xFFFF  }
0xb1: {  	s0 =	rddreg [dreg:$0x2]  }
0xb2: {  	s0 =	sadd.s32 @!p0 $0x100000, s0  }
0xb3: {  	[sflag:s0] =	ssyncadd.tile.s32 @!p0 $0x1;
	_ =	shalt  }
.Lfunc_end2:
_tile_overlayer_lowered:
.L_overlay_start_2:
0xb4: {  	(tag) =	ssettag $0x2  }
0xb5: {  	s0 =	rddreg [dreg:$0x0];
	s2 =	stileid.u32  }
0xb6: {  	s1 =	rddreg [dreg:$0x1];
	p0 =	sne.s32 s2, $0x0  }
0xb7: {  	s3 =	rddreg [dreg:$0x2];
	[bflag:$0x3] =	sbarrier.arrive $0xFFFF;
	s2 =	simm.s32 @!p0 $0x1C05  }
0xb8: {  	[timem:s3], [sflag:s2] =	dma.local @!p0 [hbm:s0], s1  }
0xb9: {  	s0 =	simm.s32 @!p0 $0x5  }
0xba: {  	_ =	swait.ge @!p0 [sflag:s0], s1  }
0xbb: {  	s1 =	ssub.s32 @!p0 $0x0, s1;
	[sflag:s0] =	ssyncset.done @!p0 $0x0  }
0xbc: {  	[sflag:s0] =	ssyncadd.s32 @!p0 s1  }
0xbd: {  	[bflag:$0x3] =	sbarrier.arrive $0xFFFF  }
0xbe: {  	_ =	shalt  }

// kernel: kernel.16.cloned.1.call-start
scs
__scs_entry_jumppad:
0x0: {  	(pc) =	sbr.rel $0x88, $3  }
0x1: {  	(tag) =	ssettag $0x0;
	lr =	simm.s32 $0x1  }
0x2: {  	[smem:$0x3F8E] =	sst lr;
	_ =	strace $0xD0000000  }
0x3: {  	_ = 	snop  }
0x4: {  	_ = 	snop  }
0x5: {  	_ = 	snop  }
0x6: {  	_ = 	snop  }
0x7: {  	_ = 	snop  }
__scs_overlays_trampoline_lowered:
0x8: {  	[smem:$0x3F9D] =	sst s0  }
0x9: {  	[smem:$0x3F9E] =	sst s1  }
0xa: {  	[smem:$0x3F9F] =	sst s2  }
0xb: {  	[smem:$0x3FA0] =	sst s3  }
0xc: {  	[smem:$0x3FA1] =	sst s4  }
0xd: {  	[smem:$0x3FA2] =	sst s5  }
0xe: {  	[smem:$0x3FA3] =	sst s6  }
0xf: {  	[smem:$0x3FA4] =	sst s7  }
0x10: {  	[smem:$0x3FA5] =	sst s8  }
0x11: {  	[smem:$0x3FA6] =	sst s9;
	s0 =	simm.s32 @!p0 $0x0  }
0x12: {  	s1 =	sld [smem:$0x3F8C];
	s0 =	simm.s32 @p0 $0x1  }
0x13: {  	[smem:$0x3FA7] =	sst s0;
	s0 =	simm.s32 @!p1 $0x0  }
0x14: {  	s2 =	sld [smem:$0x3F8B];
	s0 =	simm.s32 @p1 $0x1  }
0x15: {  	[smem:$0x3FA8] =	sst s0;
	s0 =	simm.s32 @!p2 $0x0  }
0x16: {  	s3 =	sld [smem:$0x3FDB];
	s0 =	simm.s32 @p2 $0x1  }
0x17: {  	s4 =	simm.s32 $0x1BF5;
	[smem:$0x3FAA] =	sst s0  }
0x18: {  	s0 =	sld [smem:$0x3F8D];
	_ =	swait.ge [sflag:s4], $0x0  }
0x19: {  	s7 =	sld [smem:$0x3F8E]  }
0x1a: {  	s8 =	sadd.s32 $0xFFFFE003, lr  }
0x1b: {  	s9 =	sadd.s32 $0xFFFFFEF7, lr;
	s5 =	simm.s32 $0xFFFFFFFF;
	p2 =	slt.u32 s8, $0xFFFFF086  }
0x1c: {  	p1 =	slt.u32 s9, $0xF7A;
	s5 =	simm.s32 @!p2 $0x0  }
0x1d: {  	s5 =	simm.s32 @p1 $0x1;
	p0 =	seq.s32 s7, s2  }
0x1e: {  	s7 =	smul.u32 @!p0 $0xF7A, s2;
	p2 =	seq.s32 @!p0 s5, $0x0  }
0x1f: {  	s9 =	smul.u32 $0xF7A, s1;
	s8 =	simm.s32 @!p0 $0x1BF5;
	p2 =	por !p2, p0  }
0x20: {  	[sflag:s8] =	ssyncset.s32 @!p0 $0xFFFFF086;
	s6 =	sadd.s32 @!p0 s3, s7;
	s7 =	simm.s32 @!p0 $0x108  }
0x21: {  	s3 =	sadd.s32 s3, s9;
	s6 =	sadd.s32 @!p0 $0x88, s6;
	s7 =	simm.s32 @p2 $0x1082  }
0x22: {  	[simem:s7], [sflag:s8] =	dma.local @!p0 [hbm:s6], $0xF7A  }
0x23: {  	s9 =	sor.u32 $0xD0000000, s2;
	s6 =	simm.s32 $0x108;
	_ =	swait.ge @!p0 [sflag:s8], $0x0  }
0x24: {  	s3 =	sadd.s32 $0x88, s3;
	s6 =	simm.s32 @!p1 $0x1082;
	[sflag:s4] =	ssyncset.s32 $0xFFFFF086  }
0x25: {  	[simem:s6], [sflag:s4] =	dma.local [hbm:s3], $0xF7A  }
0x26: {  	[smem:$0x3F8E] =	sst s1;
	(tag) =	ssettag s2;
	_ =	strace s9  }
0x27: {  	s1 =	sld [smem:$0x3F9E]  }
0x28: {  	s2 =	sld [smem:$0x3F9F]  }
0x29: {  	s4 =	sld [smem:$0x3FA1]  }
0x2a: {  	p0 =	seq.s32 s5, $0x0;
	s5 =	sld [smem:$0x3FA2]  }
0x2b: {  	s6 =	sld [smem:$0x3FA3]  }
0x2c: {  	s7 =	sld [smem:$0x3FA4]  }
0x2d: {  	s3 =	simm.s32 $0x108;
	s8 =	sld [smem:$0x3FA5]  }
0x2e: {  	s3 =	simm.s32 @!p0 $0x1082;
	s9 =	sld [smem:$0x3FA6]  }
0x2f: {  	lr =	sadd.s32 s0, s3;
	s0 =	sld [smem:$0x3F9D]  }
0x30: {  	s3 =	sld [smem:$0x3FA0]  }
0x31: {  	[smem:$0x3FA9] =	sst s10  }
0x32: {  	s10 =	sld [smem:$0x3FA7];
	_ =	sdelay $0x3  }
0x33: {  	p0 =	seq.s32 s10, $0x1;
	s10 =	sld [smem:$0x3FA9];
	_ =	sdelay $0x3  }
0x34: {  	[smem:$0x3FA9] =	sst s10  }
0x35: {  	s10 =	sld [smem:$0x3FA8];
	_ =	sdelay $0x3  }
0x36: {  	p1 =	seq.s32 s10, $0x1;
	s10 =	sld [smem:$0x3FA9];
	_ =	sdelay $0x3  }
0x37: {  	[smem:$0x3FA9] =	sst s10  }
0x38: {  	s10 =	sld [smem:$0x3FAA]  }
0x39: {  	_ = 	snop;
	(pc) =	sbr.ind lr, $3  }
0x3a: {  	_ = 	snop  }
0x3b: {  	_ = 	snop  }
0x3c: {  	p2 =	seq.s32 s10, $0x1;
	s10 =	sld [smem:$0x3FA9]  }
0x3d: {  	_ =	shalt  }
0x3e: {  	_ =	shalt  }
0x3f: {  	_ =	shalt  }
0x40: {  	_ =	shalt  }
0x41: {  	_ =	shalt  }
0x42: {  	_ =	shalt  }
0x43: {  	_ =	shalt  }
0x44: {  	_ =	shalt  }
0x45: {  	_ =	shalt  }
0x46: {  	_ =	shalt  }
0x47: {  	_ =	shalt  }
0x48: {  	_ =	shalt  }
0x49: {  	_ =	shalt  }
0x4a: {  	_ =	shalt  }
0x4b: {  	_ =	shalt  }
0x4c: {  	_ =	shalt  }
0x4d: {  	_ =	shalt  }
0x4e: {  	_ =	shalt  }
0x4f: {  	_ =	shalt  }
0x50: {  	_ =	shalt  }
0x51: {  	_ =	shalt  }
0x52: {  	_ =	shalt  }
0x53: {  	_ =	shalt  }
0x54: {  	_ =	shalt  }
0x55: {  	_ =	shalt  }
0x56: {  	_ =	shalt  }
0x57: {  	_ =	shalt  }
0x58: {  	_ =	shalt  }
0x59: {  	_ =	shalt  }
0x5a: {  	_ =	shalt  }
0x5b: {  	_ =	shalt  }
0x5c: {  	_ =	shalt  }
0x5d: {  	_ =	shalt  }
0x5e: {  	_ =	shalt  }
0x5f: {  	_ =	shalt  }
0x60: {  	_ =	shalt  }
0x61: {  	_ =	shalt  }
0x62: {  	_ =	shalt  }
0x63: {  	_ =	shalt  }
0x64: {  	_ =	shalt  }
0x65: {  	_ =	shalt  }
0x66: {  	_ =	shalt  }
0x67: {  	_ =	shalt  }
0x68: {  	_ =	shalt  }
0x69: {  	_ =	shalt  }
0x6a: {  	_ =	shalt  }
0x6b: {  	_ =	shalt  }
0x6c: {  	_ =	shalt  }
0x6d: {  	_ =	shalt  }
0x6e: {  	_ =	shalt  }
0x6f: {  	_ =	shalt  }
0x70: {  	_ =	shalt  }
0x71: {  	_ =	shalt  }
0x72: {  	_ =	shalt  }
0x73: {  	_ =	shalt  }
0x74: {  	_ =	shalt  }
0x75: {  	_ =	shalt  }
0x76: {  	_ =	shalt  }
0x77: {  	_ =	shalt  }
0x78: {  	_ =	shalt  }
0x79: {  	_ =	shalt  }
0x7a: {  	_ =	shalt  }
0x7b: {  	_ =	shalt  }
0x7c: {  	_ =	shalt  }
0x7d: {  	_ =	shalt  }
0x7e: {  	_ =	shalt  }
0x7f: {  	_ =	shalt  }
0x80: {  	_ =	shalt  }
0x81: {  	_ =	shalt  }
0x82: {  	_ =	shalt  }
0x83: {  	_ =	shalt  }
0x84: {  	_ =	shalt  }
0x85: {  	_ =	shalt  }
0x86: {  	_ =	shalt  }
0x87: {  	_ =	shalt  }
.Lfunc_end0:
.L_simem_size_0:
called_computation.2_lowered:
.L_overlay_start_0:
0x88: {  	s2 =	sld [smem:$0x3FD9]  }
0x89: {  	s3 =	sld [smem:$0x3FFE];
	_ =	sdelay $0x1  }
0x8a: {  	s1 =	srdreg.scid  }
0x8b: {  	s0 =	sand.u32 $0x1, s1  }
0x8c: {  	s16 =	sshll.u32 s0, $0xA;
	s2 =	sadd.s32 s3, s2  }
0x8d: {  	s2 =	sadd.s32 s2, s16  }
0x8e: {  	[smem:$0x3FB5] =	sst s2  }
0x8f: {  	_ = 	snop  }
0x90: {  	(tm) =	ssettm $0x1  }
0x91: {  	s17 =	sld [smem:$0x3FFB];
	_ =	sdelay $0x3  }
0x92: {  	_ =	strace s17  }
0x93: {  	s2 =	sld [smem:$0x3FFC];
	_ =	sdelay $0x3  }
0x94: {  	_ =	strace s2  }
0x95: {  	s2 =	sld [smem:$0x3FFD];
	_ =	sdelay $0x3  }
0x96: {  	_ =	strace s2  }
0x97: {  	_ =	strace $0x8FFFFFFF  }
0x98: {  	s18 =	sld [smem:$0x3FDB];
	_ =	sdelay $0x1  }
0x99: {  	s19 =	simm.s32 $_scs_section_size  }
0x9a: {  	s4 =	simm.s32 $_size__tile_overlayer_lowered;
	s5 =	simm.s32 $_tile_overlayer_lowered  }
0x9b: {  	s22 =	simm.s32 $0x1BFF;
	s21 =	sshll.u32 s5, $0x1;
	s2 =	sadd.s32 s19, s18  }
0x9c: {  	s6 =	simm.s32 $0x0;
	s20 =	sshll.u32 s4, $0x1;
	s4 =	sadd.s32 s21, s2  }
0x9d: {  	[timem:s6], [sflag:s22] =	dma.local [hbm:s4], s20  }
0x9e: {  	_ =	swait.ge [sflag:s22], s20  }
0x9f: {  	s3 =	ssub.s32 $0x0, s20;
	[sflag:s22] =	ssyncset.done $0x0  }
0xa0: {  	[sflag:s22] =	ssyncadd.s32 s3;
	_ =	sdelay $0x1  }
0xa1: {  	s23 =	simm.s32 $0x1B8B  }
0xa2: {  	_ =	swait.ge [sflag:s23], $0x1  }
0xa3: {  	[sflag:s23] =	ssyncset.done $0x0  }
0xa4: {  	s25 =	simm.s32 $0x1B8E;
	s24 =	sld [smem:$0x3FFE];
	[sflag:s23] =	ssyncadd.s32 $0xFFFFFFFF  }
0xa5: {  	s26 =	simm.s32 $execute0_lowered;
	[smem:$0x3FD2] =	sst s25  }
0xa6: {  	s4 =	sshll.u32 s26, $0x1;
	_ =	strace $0x8000004C;
	[dreg:$0x1] =	wrdreg $0xFFFFFFFF  }
0xa7: {  	s28 =	simm.s32 $_size_execute0_lowered;
	s2 =	sadd.s32 s2, s4;
	[dreg:$0x0] =	wrdreg $0x0  }
0xa8: {  	s4 =	sshll.u32 s28, $0x1;
	[dreg:$0x2] =	wrdreg s2  }
0xa9: {  	[dreg:$0x3] =	wrdreg s4  }
0xaa: {  	[dreg:$0x4] =	wrdreg $0xC0  }
0xab: {  	_ =	task [dreg:s6], $0x5FFFF  }
0xac: {  	[dreg:$0x1] =	wrdreg $0xFFFFFFFF  }
0xad: {  	[dreg:$0x0] =	wrdreg $0x60  }
0xae: {  	[dreg:$0x2] =	wrdreg s24  }
0xaf: {  	[dreg:$0x3] =	wrdreg $0x138800  }
0xb0: {  	[dreg:$0x4] =	wrdreg $0x9  }
0xb1: {  	_ =	task.clear_ibuf [dreg:s6], $0x5FFFF;
	_ =	strace $0x9000004C  }
0xb2: {  	s29 =	simm.s32 $0x9;
	_ =	strace $0x8000004E  }
0xb3: {  	_ =	swait.ge [sflag:s29], $0x1  }
0xb4: {  	[sflag:s29] =	ssyncadd.s32 $0xFFFFFFFF  }
0xb5: {  	_ =	strace $0x9000004E  }
0xb6: {  	_ =	sfence  }
0xb7: {  	s30 =	sld [smem:$0x0];
	_ =	sdelay $0x2  }
0xb8: {  	s31 =	sshll.u32 s1, $0xD;
	s1 =	sshrl.u32 s1, $0x2  }
0xb9: {  	s3 =	sand.u32 $0x4000, s31;
	s1 =	sadd.s32 s1, s30  }
0xba: {  	s0 =	sor.u32 s3, s0;
	s1 =	sshll.u32 s1, $0x11  }
0xbb: {  	s0 =	sor.u32 s1, s0  }
0xbc: {  	s0 =	sadd.s32 $0x8F2B, s0  }
0xbd: {  	[sflag:s0] =	ssyncadd.remote.s32 $0x1  }
0xbe: {  	_ =	sfence.sel $0xFFFF  }
0xbf: {  	[dreg:$0x0] =	wrdreg $0xFFFFFFFF;
	(pc) =	sbr.abs _section_cstart, $3  }
0xc0: {  	[dreg:$0x1] =	wrdreg $0xFFFFFFFF  }
0xc1: {  	_ =	task.clear_ibuf [dreg:s6], $0x2FFFF;
	_ =	strace $0x9FFFFFFF  }
0xc2: {  	(tm) =	ssettm $0x7FFFFFFF  }
0xc3: {  	_ =	shalt  }
tec
execute0_lowered:
.L_overlay_start_1:
0x0: {  	(tag) =	ssettag $0x1  }
0x1: {  	s0 =	rddreg [dreg:$0x0]  }
0x2: {  	s1 =	rddreg [dreg:$0x1]  }
0x3: {  	s2 =	simm.s32 $0x0;
	s3 =	srdreg.scid;
	s13 =	stileid.u32  }
0x4: {  	s29 =	simm.s32 $0x7D0;
	s30 =	simm.s32 $0x3E80;
	s31 =	simm.s32 $0x2EE0  }
0x5: {  	[smem:$0x7FF] =	sst s2;
	s3 =	sand.u32 $0x1, s3;
	s4 =	sadd.s32 $0x1BD200, s0  }
0x6: {  	s8 =	smul.u32 $0xC400, s13;
	s9 =	sshll.u32 s13, $0x1;
	s5 =	sadd.s32 $0xF9C00, s0  }
0x7: {  	s6 =	sadd.s32 $0x36600, s0;
	s11 =	sadd.s32 $0x1D5A00, s0;
	s25 =	smul.u32 $0x61A80, s13  }
0x8: {  	p0 =	sne.s32 s13, $0x0;
	_ =	strace $0x8000004D;
	s7 =	smul.u32 $0xC4000, s3  }
0x9: {  	s9 =	sor.u32 s3, s9;
	s10 =	ssub.s32 $0x2, s3;
	s3 =	smul.u32 $0x30D40, s3  }
0xa: {  	[dreg:$0x3] =	wrdreg s11;
	s9 =	smul.u32 $0x30D40, s9;
	s21 =	sshrl.u32 s10, $0x1  }
0xb: {  	s17 =	sadd.s32 s8, s1;
	s7 =	sadd.s32 s8, s7;
	s22 =	ssub.s32 s10, s21  }
0xc: {  	s3 =	sadd.s32 s3, s25;
	s8 =	simm.s32 $0x36B0;
	s10 =	simm.s32 $0x1  }
0xd: {  	s7 =	sshrl.u32 s7, $0x3;
	s9 =	sshrl.u32 s9, $0x3;
	s16 =	sadd.s32 $0x36B0, s3  }
0xe: {  	s25 =	sadd.s32 $0x2EE0, s3;
	s0 =	sadd.s32 s7, s0;
	s23 =	sadd.s32 s5, s9  }
0xf: {  	s24 =	sadd.s32 s6, s9;
	s26 =	sadd.s32 $0xFA, s9;
	[dreg:$0x4] =	wrdreg s23  }
0x10: {  	s12 =	sadd.s32 $0x1F4, s9;
	s7 =	smax.u32 s22, $0x1;
	[dreg:$0x5] =	wrdreg s24  }
0x11: {  	s9 =	sadd.s32 $0x2EE, s9;
	s14 =	sadd.s32 s5, s26;
	[dreg:$0xd] =	wrdreg s7  }
0x12: {  	s11 =	sadd.s32 s6, s26;
	s28 =	sadd.s32 s5, s12;
	[dreg:$0x6] =	wrdreg s14  }
0x13: {  	s15 =	sadd.s32 s5, s9;
	s9 =	sadd.s32 s6, s9;
	[dreg:$0x7] =	wrdreg s11  }
0x14: {  	s0 =	sadd.s32 $0x1EE200, s0;
	s24 =	sshrl.u32 s16, $0x3;
	[dreg:$0x8] =	wrdreg s28  }
0x15: {  	s7 =	sshrl.u32 s25, $0x3;
	s26 =	sadd.s32 $0x2710, s3;
	[dreg:$0xa] =	wrdreg s15  }
0x16: {  	s3 =	sadd.s32 $0x1F40, s3;
	s14 =	sadd.s32 s6, s12;
	[dreg:$0xb] =	wrdreg s9  }
0x17: {  	[dreg:$0xc] =	wrdreg s0;
	s18 =	sadd.s32 s24, s6;
	s19 =	sadd.s32 s24, s5  }
0x18: {  	s20 =	sadd.s32 s7, s6;
	s21 =	sadd.s32 s7, s5;
	s28 =	sshrl.u32 s26, $0x3  }
.Ltmp0:
0x19: {  	[dreg:$0xe] =	wrdreg s3;
	s0 =	sshrl.u32 s17, $0x3;
	(pc) =	sbr.rel .LBB2_1-.Ltmp0, $4  }
0x1a: {  	s26 =	simm.s32 $0x5;
	s3 =	simm.s32 $0xFA0;
	s7 =	simm.s32 $0x1770  }
0x1b: {  	s9 =	simm.s32 $0xFA00;
	s11 =	simm.s32 $0x3;
	s12 =	simm.s32 $0x4  }
0x1c: {  	[dreg:$0x9] =	wrdreg s14;
	s22 =	sadd.s32 s28, s6;
	s23 =	sadd.s32 s28, s5  }
0x1d: {  	[dreg:$0xf] =	wrdreg s0;
	s0 =	simm.s32 $0xBB80;
	s14 =	simm.s32 $0x0  }
.LBB2_4:
0x1e: {  	_ =	swait.ge [sflag:s12], $0x3E80  }
0x1f: {  	[sflag:s12] =	ssyncset.done $0x0  }
0x20: {  	[sflag:s12] =	ssyncadd.s32 $0xFFFFC180  }
0x21: {  	[spmem:s1] =	stream.indirect.scatter.add.f32 [tilespmem:s9], [sflag:$0x5], $0x8, s8, s29, $0xb8;
	[tilespmem:$0x1FC80] =	vst v63  }
0x22: {  	_ =	swait.ge [sflag:s26], $0x3E80  }
0x23: {  	[sflag:s26] =	ssyncset.done $0x0  }
0x24: {  	[sflag:s26] =	ssyncadd.s32 $0xFFFFC180  }
0x25: {  	s13 =	stileid.u32;
	[bflag:$0x0] =	sbarrier.arrive $0xFFFF  }
0x26: {  	s13 =	sshll.u32 s13, $0x6;
	s14 =	rddreg [dreg:$0xc]  }
0x27: {  	s13 =	sor.u32 $0x1C05, s13;
	s15 =	rddreg [dreg:$0xf]  }
0x28: {  	[hbm:s14], [sflag:s13] =	dma.local [spmem:s15], $0x1880  }
0x29: {  	_ =	swait.ge [sflag:s26], $0x1880  }
0x2a: {  	s25 =	rddreg [dreg:$0x10]  }
0x2b: {  	s28 =	rddreg [dreg:$0xd];
	s14 =	sadd.s32 $0x1, s25  }
0x2c: {  	p1 =	sne.s32 s14, s28  }
.Ltmp1:
0x2d: {  	_ = 	snop;
	(pc) =	sbr.rel @!p1 .LBB2_5-.Ltmp1, $3  }
0x2e: {  	_ =	sdelay $0x1  }
0x2f: {  	[sflag:s26] =	ssyncset.done $0x0  }
0x30: {  	[sflag:s26] =	ssyncadd.s32 $0xFFFFE780  }
.LBB2_1:
0x31: {  	[dreg:$0x10] =	wrdreg s14  }
0x32: {  	s15 =	sshrl.u32 @!p0 s1, $0x3;
	s24 =	simm.s32 @!p0 $0x1C05;
	s13 =	rddreg [dreg:$0x3]  }
0x33: {  	[spmem:s15], [sflag:s24] =	dma.local @!p0 [hbm:s13], $0x18800  }
0x34: {  	s15 =	simm.s32 @!p0 $0x5  }
0x35: {  	_ =	swait.ge @!p0 [sflag:s15], $0x18800  }
0x36: {  	[sflag:s15] =	ssyncset.done @!p0 $0x0  }
0x37: {  	[sflag:s15] =	ssyncadd.s32 @!p0 $0xFFFE7800  }
0x38: {  	[bflag:$0x0] =	sbarrier.arrive $0xFFFF  }
0x39: {  	s17 =	rddreg [dreg:$0x4]  }
0x3a: {  	[tilespmem:s2], [sflag:$0x5] =	stream.linear.gather [hbm4b:s17+s2], $0x7D0, $0x38;
	[tilespmem:$0x1FC80] =	vst v63  }
0x3b: {  	_ =	swait.ge [sflag:s26], $0x7D0  }
0x3c: {  	[sflag:s26] =	ssyncset.done $0x0  }
0x3d: {  	s25 =	simm.s32 $0x1F40;
	s24 =	rddreg [dreg:$0x5];
	[sflag:s26] =	ssyncadd.s32 $0xFFFFF830  }
0x3e: {  	[tilespmem:s25], [sflag:$0x5] =	stream.linear.gather [hbm4b:s24+s2], $0x7D0, $0x38;
	[tilespmem:$0x1FC80] =	vst v63  }
0x3f: {  	_ =	swait.ge [sflag:s26], $0x7D0  }
0x40: {  	[sflag:s26] =	ssyncset.done $0x0  }
0x41: {  	[sflag:s26] =	ssyncadd.s32 $0xFFFFF830  }
0x42: {  	[tilespmem:s30], [sflag:$0x1] =	stream.indirect.gather [hbm4b:s4+s29], $0x8, s2, s29, $0xb8;
	[tilespmem:$0x1FC80] =	vst v63  }
0x43: {  	s28 =	rddreg [dreg:$0x6]  }
0x44: {  	[tilespmem:s29], [sflag:$0x5] =	stream.linear.gather [hbm4b:s28+s2], $0x7D0, $0x38;
	[tilespmem:$0x1FC80] =	vst v63  }
0x45: {  	_ =	swait.ge [sflag:s26], $0x7D0  }
0x46: {  	[sflag:s26] =	ssyncset.done $0x0  }
0x47: {  	s15 =	simm.s32 $0x2710;
	s14 =	rddreg [dreg:$0x7];
	[sflag:s26] =	ssyncadd.s32 $0xFFFFF830  }
0x48: {  	[tilespmem:s15], [sflag:$0x5] =	stream.linear.gather [hbm4b:s14+s2], $0x7D0, $0x38;
	[tilespmem:$0x1FC80] =	vst v63  }
0x49: {  	_ =	swait.ge [sflag:s26], $0x7D0  }
0x4a: {  	[sflag:s26] =	ssyncset.done $0x0  }
0x4b: {  	s16 =	simm.s32 $0x7D00;
	[sflag:s26] =	ssyncadd.s32 $0xFFFFF830  }
0x4c: {  	[tilespmem:s16], [sflag:$0x2] =	stream.indirect.gather [hbm4b:s4+s29], $0x8, s29, s29, $0xb8;
	[tilespmem:$0x1FC80] =	vst v63  }
0x4d: {  	s17 =	rddreg [dreg:$0x8]  }
0x4e: {  	[tilespmem:s3], [sflag:$0x5] =	stream.linear.gather [hbm4b:s17+s2], $0x7D0, $0x38;
	[tilespmem:$0x1FC80] =	vst v63  }
0x4f: {  	_ =	swait.ge [sflag:s26], $0x7D0  }
0x50: {  	[sflag:s26] =	ssyncset.done $0x0  }
0x51: {  	s24 =	rddreg [dreg:$0x9];
	[sflag:s26] =	ssyncadd.s32 $0xFFFFF830  }
0x52: {  	[tilespmem:s31], [sflag:$0x5] =	stream.linear.gather [hbm4b:s24+s2], $0x7D0, $0x38;
	[tilespmem:$0x1FC80] =	vst v63  }
0x53: {  	_ =	swait.ge [sflag:s26], $0x7D0  }
0x54: {  	[sflag:s26] =	ssyncset.done $0x0  }
0x55: {  	[sflag:s26] =	ssyncadd.s32 $0xFFFFF830  }
0x56: {  	[tilespmem:s0], [sflag:$0x3] =	stream.indirect.gather [hbm4b:s4+s29], $0x8, s3, s29, $0xb8;
	[tilespmem:$0x1FC80] =	vst v63  }
0x57: {  	s25 =	rddreg [dreg:$0xa]  }
0x58: {  	[tilespmem:s7], [sflag:$0x5] =	stream.linear.gather [hbm4b:s25+s2], $0x7D0, $0x38;
	[tilespmem:$0x1FC80] =	vst v63  }
0x59: {  	_ =	swait.ge [sflag:s26], $0x7D0  }
0x5a: {  	[sflag:s26] =	ssyncset.done $0x0  }
0x5b: {  	s28 =	rddreg [dreg:$0xb];
	[sflag:s26] =	ssyncadd.s32 $0xFFFFF830  }
0x5c: {  	[tilespmem:s8], [sflag:$0x5] =	stream.linear.gather [hbm4b:s28+s2], $0x7D0, $0x38;
	[tilespmem:$0x1FC80] =	vst v63  }
0x5d: {  	_ =	swait.ge [sflag:s26], $0x7D0  }
0x5e: {  	[sflag:s26] =	ssyncset.done $0x0  }
0x5f: {  	s15 =	simm.s32 $0x0;
	s24 =	rddreg [dreg:$0xe];
	[sflag:s26] =	ssyncadd.s32 $0xFFFFF830  }
0x60: {  	[tilespmem:s9], [sflag:$0x4] =	stream.indirect.gather [hbm4b:s4+s29], $0x8, s7, s29, $0xb8;
	[tilespmem:$0x1FC80] =	vst v63  }
.LBB2_2:
0x61: {  	_ =	swait.ge [sflag:s10], $0x3E80  }
0x62: {  	[sflag:s10] =	ssyncset.done $0x0  }
0x63: {  	s13 =	simm.s32 $0x1F40;
	[sflag:s10] =	ssyncadd.s32 $0xFFFFC180  }
0x64: {  	[spmem:s1] =	stream.indirect.scatter.add.f32 [tilespmem:s30], [sflag:$0x5], $0x8, s13, s29, $0xb8;
	[tilespmem:$0x1FC80] =	vst v63  }
0x65: {  	_ =	swait.ge [sflag:s26], $0x3E80  }
0x66: {  	p1 =	seq.s32 s15, $0x5DC0;
	[sflag:s26] =	ssyncset.done $0x0  }
0x67: {  	s16 =	simm.s32 @p1 $0x2;
	[sflag:s26] =	ssyncadd.s32 $0xFFFFC180  }
0x68: {  	_ =	swait.ge @p1 [sflag:s16], $0x3E80  }
0x69: {  	s17 =	simm.s32 @p1 $0x2710;
	[sflag:s16] =	ssyncset.done @p1 $0x0  }
0x6a: {  	s25 =	simm.s32 @p1 $0x7D00;
	[sflag:s16] =	ssyncadd.s32 @p1 $0xFFFFC180;
	s16 =	simm.s32 @p1 $0x7D0  }
0x6b: {  	[spmem:s1] =	stream.indirect.scatter.add.f32 @p1 [tilespmem:s25], [sflag:$0x5], $0x8, s17, s16, $0xb8;
	[tilespmem:$0x1FC80] =	vst v63  }
0x6c: {  	s16 =	simm.s32 @p1 $0x5  }
0x6d: {  	_ =	swait.ge @p1 [sflag:s16], $0x3E80  }
0x6e: {  	s17 =	sshrl.u32 @!p1 s24, $0x3;
	[sflag:s16] =	ssyncset.done @p1 $0x0  }
0x6f: {  	s25 =	simm.s32 @!p1 $0x0;
	[sflag:s16] =	ssyncadd.s32 @p1 $0xFFFFC180;
	s16 =	sadd.s32 @!p1 s5, s17  }
0x70: {  	[tilespmem:s25], [sflag:$0x5] =	stream.linear.gather @!p1 [hbm4b:s16+s25], $0x7D0, $0x38;
	[tilespmem:$0x1FC80] =	vst v63  }
0x71: {  	s16 =	simm.s32 @!p1 $0x5  }
0x72: {  	_ =	swait.ge @!p1 [sflag:s16], $0x7D0  }
0x73: {  	[sflag:s16] =	ssyncset.done @!p1 $0x0  }
0x74: {  	s14 =	simm.s32 @!p1 $0x1F40;
	s17 =	sadd.s32 @!p1 s6, s17;
	[sflag:s16] =	ssyncadd.s32 @!p1 $0xFFFFF830  }
0x75: {  	[tilespmem:s14], [sflag:$0x5] =	stream.linear.gather @!p1 [hbm4b:s17+s25], $0x7D0, $0x38;
	[tilespmem:$0x1FC80] =	vst v63  }
0x76: {  	_ =	swait.ge @!p1 [sflag:s16], $0x7D0  }
0x77: {  	[sflag:s16] =	ssyncset.done @!p1 $0x0  }
0x78: {  	s14 =	simm.s32 @!p1 $0x7D0;
	s17 =	simm.s32 @!p1 $0x3E80;
	[sflag:s16] =	ssyncadd.s32 @!p1 $0xFFFFF830  }
0x79: {  	[tilespmem:s17], [sflag:$0x1] =	stream.indirect.gather @!p1 [hbm4b:s4+s14], $0x8, s25, s14, $0xb8;
	[tilespmem:$0x1FC80] =	vst v63  }
0x7a: {  	s17 =	simm.s32 @!p1 $0x2  }
0x7b: {  	_ =	swait.ge @!p1 [sflag:s17], $0x3E80  }
0x7c: {  	[sflag:s17] =	ssyncset.done @!p1 $0x0  }
0x7d: {  	s13 =	simm.s32 @!p1 $0x7D00;
	[sflag:s17] =	ssyncadd.s32 @!p1 $0xFFFFC180;
	s17 =	simm.s32 @!p1 $0x2710  }
0x7e: {  	[spmem:s1] =	stream.indirect.scatter.add.f32 @!p1 [tilespmem:s13], [sflag:$0x5], $0x8, s17, s14, $0xb8;
	[tilespmem:$0x1FC80] =	vst v63  }
0x7f: {  	_ =	swait.ge @!p1 [sflag:s16], $0x3E80  }
0x80: {  	[sflag:s16] =	ssyncset.done @!p1 $0x0  }
0x81: {  	s28 =	sadd.s32 @!p1 s15, s23;
	[sflag:s16] =	ssyncadd.s32 @!p1 $0xFFFFC180  }
0x82: {  	[tilespmem:s14], [sflag:$0x5] =	stream.linear.gather @!p1 [hbm4b:s28+s25], $0x7D0, $0x38;
	[tilespmem:$0x1FC80] =	vst v63  }
0x83: {  	_ =	swait.ge @!p1 [sflag:s16], $0x7D0  }
0x84: {  	[sflag:s16] =	ssyncset.done @!p1 $0x0  }
0x85: {  	s28 =	sadd.s32 @!p1 s15, s22;
	[sflag:s16] =	ssyncadd.s32 @!p1 $0xFFFFF830  }
0x86: {  	[tilespmem:s17], [sflag:$0x5] =	stream.linear.gather @!p1 [hbm4b:s28+s25], $0x7D0, $0x38;
	[tilespmem:$0x1FC80] =	vst v63  }
0x87: {  	_ =	swait.ge @!p1 [sflag:s16], $0x7D0  }
0x88: {  	[sflag:s16] =	ssyncset.done @!p1 $0x0  }
0x89: {  	[sflag:s16] =	ssyncadd.s32 @!p1 $0xFFFFF830  }
0x8a: {  	[tilespmem:s13], [sflag:$0x2] =	stream.indirect.gather @!p1 [hbm4b:s4+s14], $0x8, s14, s14, $0xb8;
	[tilespmem:$0x1FC80] =	vst v63  }
0x8b: {  	_ =	swait.ge [sflag:s11], $0x3E80  }
0x8c: {  	[sflag:s11] =	ssyncset.done $0x0  }
.Ltmp2:
0x8d: {  	[sflag:s11] =	ssyncadd.s32 $0xFFFFC180;
	(pc) =	sbr.rel @p1 .LBB2_4-.Ltmp2, $4  }
0x8e: {  	[spmem:s1] =	stream.indirect.scatter.add.f32 [tilespmem:s0], [sflag:$0x5], $0x8, s31, s29, $0xb8;
	[tilespmem:$0x1FC80] =	vst v63  }
0x8f: {  	_ =	swait.ge [sflag:s26], $0x3E80  }
0x90: {  	[sflag:s26] =	ssyncset.done $0x0  }
0x91: {  	[sflag:s26] =	ssyncadd.s32 $0xFFFFC180  }
0x92: {  	s13 =	sadd.s32 s15, s21  }
0x93: {  	[tilespmem:s3], [sflag:$0x5] =	stream.linear.gather [hbm4b:s13+s2], $0x7D0, $0x38;
	[tilespmem:$0x1FC80] =	vst v63  }
0x94: {  	_ =	swait.ge [sflag:s26], $0x7D0  }
0x95: {  	[sflag:s26] =	ssyncset.done $0x0  }
0x96: {  	s17 =	sadd.s32 s15, s20;
	[sflag:s26] =	ssyncadd.s32 $0xFFFFF830  }
0x97: {  	[tilespmem:s31], [sflag:$0x5] =	stream.linear.gather [hbm4b:s17+s2], $0x7D0, $0x38;
	[tilespmem:$0x1FC80] =	vst v63  }
0x98: {  	_ =	swait.ge [sflag:s26], $0x7D0  }
0x99: {  	[sflag:s26] =	ssyncset.done $0x0  }
0x9a: {  	[sflag:s26] =	ssyncadd.s32 $0xFFFFF830  }
0x9b: {  	[tilespmem:s0], [sflag:$0x3] =	stream.indirect.gather [hbm4b:s4+s29], $0x8, s3, s29, $0xb8;
	[tilespmem:$0x1FC80] =	vst v63  }
0x9c: {  	_ =	swait.ge [sflag:s12], $0x3E80  }
0x9d: {  	[sflag:s12] =	ssyncset.done $0x0  }
0x9e: {  	[sflag:s12] =	ssyncadd.s32 $0xFFFFC180  }
0x9f: {  	[spmem:s1] =	stream.indirect.scatter.add.f32 [tilespmem:s9], [sflag:$0x5], $0x8, s8, s29, $0xb8;
	[tilespmem:$0x1FC80] =	vst v63  }
0xa0: {  	_ =	swait.ge [sflag:s26], $0x3E80  }
0xa1: {  	[sflag:s26] =	ssyncset.done $0x0  }
0xa2: {  	s25 =	sadd.s32 s15, s19;
	[sflag:s26] =	ssyncadd.s32 $0xFFFFC180  }
0xa3: {  	[tilespmem:s7], [sflag:$0x5] =	stream.linear.gather [hbm4b:s25+s2], $0x7D0, $0x38;
	[tilespmem:$0x1FC80] =	vst v63  }
0xa4: {  	_ =	swait.ge [sflag:s26], $0x7D0  }
0xa5: {  	[sflag:s26] =	ssyncset.done $0x0  }
0xa6: {  	s28 =	sadd.s32 s15, s18;
	[sflag:s26] =	ssyncadd.s32 $0xFFFFF830  }
0xa7: {  	[tilespmem:s8], [sflag:$0x5] =	stream.linear.gather [hbm4b:s28+s2], $0x7D0, $0x38;
	[tilespmem:$0x1FC80] =	vst v63  }
.Ltmp3:
0xa8: {  	_ = 	snop;
	(pc) =	sbr.rel .LBB2_2-.Ltmp3, $4  }
0xa9: {  	_ =	swait.ge [sflag:s26], $0x7D0  }
0xaa: {  	[sflag:s26] =	ssyncset.done $0x0  }
0xab: {  	s15 =	sadd.s32 $0x3E8, s15;
	s24 =	sadd.s32 $0x1F40, s24;
	[sflag:s26] =	ssyncadd.s32 $0xFFFFF830  }
0xac: {  	[tilespmem:s9], [sflag:$0x4] =	stream.indirect.gather [hbm4b:s4+s29], $0x8, s7, s29, $0xb8;
	[tilespmem:$0x1FC80] =	vst v63  }
.LBB2_5:
0xad: {  	_ =	sfence.sel $0x180000  }
0xae: {  	[bflag:$0x0] =	sbarrier.arrive $0xFFFF  }
0xaf: {  	_ =	strace $0x9000004D  }
0xb0: {  	[bflag:$0x2] =	sbarrier.arrive $0xFFFF  }
0xb1: {  	s0 =	rddreg [dreg:$0x2]  }
0xb2: {  	s0 =	sadd.s32 @!p0 $0x100000, s0  }
0xb3: {  	[sflag:s0] =	ssyncadd.tile.s32 @!p0 $0x1;
	_ =	shalt  }
.Lfunc_end2:
_tile_overlayer_lowered:
.L_overlay_start_2:
0xb4: {  	(tag) =	ssettag $0x2  }
0xb5: {  	s0 =	rddreg [dreg:$0x0];
	s2 =	stileid.u32  }
0xb6: {  	s1 =	rddreg [dreg:$0x1];
	p0 =	sne.s32 s2, $0x0  }
0xb7: {  	s3 =	rddreg [dreg:$0x2];
	[bflag:$0x3] =	sbarrier.arrive $0xFFFF;
	s2 =	simm.s32 @!p0 $0x1C05  }
0xb8: {  	[timem:s3], [sflag:s2] =	dma.local @!p0 [hbm:s0], s1  }
0xb9: {  	s0 =	simm.s32 @!p0 $0x5  }
0xba: {  	_ =	swait.ge @!p0 [sflag:s0], s1  }
0xbb: {  	s1 =	ssub.s32 @!p0 $0x0, s1;
	[sflag:s0] =	ssyncset.done @!p0 $0x0  }
0xbc: {  	[sflag:s0] =	ssyncadd.s32 @!p0 s1  }
0xbd: {  	[bflag:$0x3] =	sbarrier.arrive $0xFFFF  }
0xbe: {  	_ =	shalt  }

// kernel: kernel.19.cloned.1.call-start
scs
__scs_entry_jumppad:
0x0: {  	(pc) =	sbr.rel $0x88, $3  }
0x1: {  	(tag) =	ssettag $0x0;
	lr =	simm.s32 $0x1  }
0x2: {  	[smem:$0x3F8E] =	sst lr;
	_ =	strace $0xD0000000  }
0x3: {  	_ = 	snop  }
0x4: {  	_ = 	snop  }
0x5: {  	_ = 	snop  }
0x6: {  	_ = 	snop  }
0x7: {  	_ = 	snop  }
__scs_overlays_trampoline_lowered:
0x8: {  	[smem:$0x3F9D] =	sst s0  }
0x9: {  	[smem:$0x3F9E] =	sst s1  }
0xa: {  	[smem:$0x3F9F] =	sst s2  }
0xb: {  	[smem:$0x3FA0] =	sst s3  }
0xc: {  	[smem:$0x3FA1] =	sst s4  }
0xd: {  	[smem:$0x3FA2] =	sst s5  }
0xe: {  	[smem:$0x3FA3] =	sst s6  }
0xf: {  	[smem:$0x3FA4] =	sst s7  }
0x10: {  	[smem:$0x3FA5] =	sst s8  }
0x11: {  	[smem:$0x3FA6] =	sst s9;
	s0 =	simm.s32 @!p0 $0x0  }
0x12: {  	s1 =	sld [smem:$0x3F8C];
	s0 =	simm.s32 @p0 $0x1  }
0x13: {  	[smem:$0x3FA7] =	sst s0;
	s0 =	simm.s32 @!p1 $0x0  }
0x14: {  	s2 =	sld [smem:$0x3F8B];
	s0 =	simm.s32 @p1 $0x1  }
0x15: {  	[smem:$0x3FA8] =	sst s0;
	s0 =	simm.s32 @!p2 $0x0  }
0x16: {  	s3 =	sld [smem:$0x3FDB];
	s0 =	simm.s32 @p2 $0x1  }
0x17: {  	s4 =	simm.s32 $0x1BF5;
	[smem:$0x3FAA] =	sst s0  }
0x18: {  	s0 =	sld [smem:$0x3F8D];
	_ =	swait.ge [sflag:s4], $0x0  }
0x19: {  	s7 =	sld [smem:$0x3F8E]  }
0x1a: {  	s8 =	sadd.s32 $0xFFFFE003, lr  }
0x1b: {  	s9 =	sadd.s32 $0xFFFFFEF7, lr;
	s5 =	simm.s32 $0xFFFFFFFF;
	p2 =	slt.u32 s8, $0xFFFFF086  }
0x1c: {  	p1 =	slt.u32 s9, $0xF7A;
	s5 =	simm.s32 @!p2 $0x0  }
0x1d: {  	s5 =	simm.s32 @p1 $0x1;
	p0 =	seq.s32 s7, s2  }
0x1e: {  	s7 =	smul.u32 @!p0 $0xF7A, s2;
	p2 =	seq.s32 @!p0 s5, $0x0  }
0x1f: {  	s9 =	smul.u32 $0xF7A, s1;
	s8 =	simm.s32 @!p0 $0x1BF5;
	p2 =	por !p2, p0  }
0x20: {  	[sflag:s8] =	ssyncset.s32 @!p0 $0xFFFFF086;
	s6 =	sadd.s32 @!p0 s3, s7;
	s7 =	simm.s32 @!p0 $0x108  }
0x21: {  	s3 =	sadd.s32 s3, s9;
	s6 =	sadd.s32 @!p0 $0x88, s6;
	s7 =	simm.s32 @p2 $0x1082  }
0x22: {  	[simem:s7], [sflag:s8] =	dma.local @!p0 [hbm:s6], $0xF7A  }
0x23: {  	s9 =	sor.u32 $0xD0000000, s2;
	s6 =	simm.s32 $0x108;
	_ =	swait.ge @!p0 [sflag:s8], $0x0  }
0x24: {  	s3 =	sadd.s32 $0x88, s3;
	s6 =	simm.s32 @!p1 $0x1082;
	[sflag:s4] =	ssyncset.s32 $0xFFFFF086  }
0x25: {  	[simem:s6], [sflag:s4] =	dma.local [hbm:s3], $0xF7A  }
0x26: {  	[smem:$0x3F8E] =	sst s1;
	(tag) =	ssettag s2;
	_ =	strace s9  }
0x27: {  	s1 =	sld [smem:$0x3F9E]  }
0x28: {  	s2 =	sld [smem:$0x3F9F]  }
0x29: {  	s4 =	sld [smem:$0x3FA1]  }
0x2a: {  	p0 =	seq.s32 s5, $0x0;
	s5 =	sld [smem:$0x3FA2]  }
0x2b: {  	s6 =	sld [smem:$0x3FA3]  }
0x2c: {  	s7 =	sld [smem:$0x3FA4]  }
0x2d: {  	s3 =	simm.s32 $0x108;
	s8 =	sld [smem:$0x3FA5]  }
0x2e: {  	s3 =	simm.s32 @!p0 $0x1082;
	s9 =	sld [smem:$0x3FA6]  }
0x2f: {  	lr =	sadd.s32 s0, s3;
	s0 =	sld [smem:$0x3F9D]  }
0x30: {  	s3 =	sld [smem:$0x3FA0]  }
0x31: {  	[smem:$0x3FA9] =	sst s10  }
0x32: {  	s10 =	sld [smem:$0x3FA7];
	_ =	sdelay $0x3  }
0x33: {  	p0 =	seq.s32 s10, $0x1;
	s10 =	sld [smem:$0x3FA9];
	_ =	sdelay $0x3  }
0x34: {  	[smem:$0x3FA9] =	sst s10  }
0x35: {  	s10 =	sld [smem:$0x3FA8];
	_ =	sdelay $0x3  }
0x36: {  	p1 =	seq.s32 s10, $0x1;
	s10 =	sld [smem:$0x3FA9];
	_ =	sdelay $0x3  }
0x37: {  	[smem:$0x3FA9] =	sst s10  }
0x38: {  	s10 =	sld [smem:$0x3FAA]  }
0x39: {  	_ = 	snop;
	(pc) =	sbr.ind lr, $3  }
0x3a: {  	_ = 	snop  }
0x3b: {  	_ = 	snop  }
0x3c: {  	p2 =	seq.s32 s10, $0x1;
	s10 =	sld [smem:$0x3FA9]  }
0x3d: {  	_ =	shalt  }
0x3e: {  	_ =	shalt  }
0x3f: {  	_ =	shalt  }
0x40: {  	_ =	shalt  }
0x41: {  	_ =	shalt  }
0x42: {  	_ =	shalt  }
0x43: {  	_ =	shalt  }
0x44: {  	_ =	shalt  }
0x45: {  	_ =	shalt  }
0x46: {  	_ =	shalt  }
0x47: {  	_ =	shalt  }
0x48: {  	_ =	shalt  }
0x49: {  	_ =	shalt  }
0x4a: {  	_ =	shalt  }
0x4b: {  	_ =	shalt  }
0x4c: {  	_ =	shalt  }
0x4d: {  	_ =	shalt  }
0x4e: {  	_ =	shalt  }
0x4f: {  	_ =	shalt  }
0x50: {  	_ =	shalt  }
0x51: {  	_ =	shalt  }
0x52: {  	_ =	shalt  }
0x53: {  	_ =	shalt  }
0x54: {  	_ =	shalt  }
0x55: {  	_ =	shalt  }
0x56: {  	_ =	shalt  }
0x57: {  	_ =	shalt  }
0x58: {  	_ =	shalt  }
0x59: {  	_ =	shalt  }
0x5a: {  	_ =	shalt  }
0x5b: {  	_ =	shalt  }
0x5c: {  	_ =	shalt  }
0x5d: {  	_ =	shalt  }
0x5e: {  	_ =	shalt  }
0x5f: {  	_ =	shalt  }
0x60: {  	_ =	shalt  }
0x61: {  	_ =	shalt  }
0x62: {  	_ =	shalt  }
0x63: {  	_ =	shalt  }
0x64: {  	_ =	shalt  }
0x65: {  	_ =	shalt  }
0x66: {  	_ =	shalt  }
0x67: {  	_ =	shalt  }
0x68: {  	_ =	shalt  }
0x69: {  	_ =	shalt  }
0x6a: {  	_ =	shalt  }
0x6b: {  	_ =	shalt  }
0x6c: {  	_ =	shalt  }
0x6d: {  	_ =	shalt  }
0x6e: {  	_ =	shalt  }
0x6f: {  	_ =	shalt  }
0x70: {  	_ =	shalt  }
0x71: {  	_ =	shalt  }
0x72: {  	_ =	shalt  }
0x73: {  	_ =	shalt  }
0x74: {  	_ =	shalt  }
0x75: {  	_ =	shalt  }
0x76: {  	_ =	shalt  }
0x77: {  	_ =	shalt  }
0x78: {  	_ =	shalt  }
0x79: {  	_ =	shalt  }
0x7a: {  	_ =	shalt  }
0x7b: {  	_ =	shalt  }
0x7c: {  	_ =	shalt  }
0x7d: {  	_ =	shalt  }
0x7e: {  	_ =	shalt  }
0x7f: {  	_ =	shalt  }
0x80: {  	_ =	shalt  }
0x81: {  	_ =	shalt  }
0x82: {  	_ =	shalt  }
0x83: {  	_ =	shalt  }
0x84: {  	_ =	shalt  }
0x85: {  	_ =	shalt  }
0x86: {  	_ =	shalt  }
0x87: {  	_ =	shalt  }
.Lfunc_end0:
.L_simem_size_0:
called_computation.3_lowered:
.L_overlay_start_0:
0x88: {  	s2 =	sld [smem:$0x3FD9]  }
0x89: {  	s3 =	sld [smem:$0x3FFE];
	_ =	sdelay $0x1  }
0x8a: {  	s1 =	srdreg.scid  }
0x8b: {  	s0 =	sand.u32 $0x1, s1  }
0x8c: {  	s14 =	sshll.u32 s0, $0xA;
	s2 =	sadd.s32 s3, s2  }
0x8d: {  	s2 =	sadd.s32 s2, s14  }
0x8e: {  	[smem:$0x3FB5] =	sst s2  }
0x8f: {  	_ = 	snop  }
0x90: {  	s2 =	sld [smem:$0x3FD0];
	_ =	sdelay $0x2  }
0x91: {  	s15 =	simm.s32 $0xB;
	s4 =	simm.s32 $0x10  }
0x92: {  	[smem:s4], [sflag:s15] =	dma.local [hbm:s2], $0x1  }
0x93: {  	_ =	swait.eq [sflag:s15], $0x1  }
0x94: {  	[sflag:s15] =	ssyncset.done $0x0  }
0x95: {  	[sflag:s15] =	ssyncadd.s32 $0xFFFFFFFF  }
0x96: {  	s16 =	sld [smem:$0x11];
	(tm) =	ssettm $0x1  }
0x97: {  	s17 =	sld [smem:$0x3FFB];
	_ =	sdelay $0x3  }
0x98: {  	_ =	strace s17  }
0x99: {  	s3 =	sld [smem:$0x3FFC];
	_ =	sdelay $0x3  }
0x9a: {  	_ =	strace s3  }
0x9b: {  	s3 =	sld [smem:$0x3FFD];
	_ =	sdelay $0x3  }
0x9c: {  	_ =	strace s3  }
0x9d: {  	_ =	strace $0x8FFFFFFF  }
0x9e: {  	s18 =	sld [smem:$0x3FDB];
	_ =	sdelay $0x1  }
0x9f: {  	s19 =	simm.s32 $_scs_section_size  }
0xa0: {  	s5 =	simm.s32 $_size__tile_overlayer_lowered;
	s6 =	simm.s32 $_tile_overlayer_lowered  }
0xa1: {  	s22 =	simm.s32 $0x1BFF;
	s21 =	sshll.u32 s6, $0x1;
	s3 =	sadd.s32 s19, s18  }
0xa2: {  	s7 =	simm.s32 $0x0;
	s20 =	sshll.u32 s5, $0x1;
	s5 =	sadd.s32 s21, s3  }
0xa3: {  	[timem:s7], [sflag:s22] =	dma.local [hbm:s5], s20  }
0xa4: {  	_ =	swait.ge [sflag:s22], s20  }
0xa5: {  	s4 =	ssub.s32 $0x0, s20;
	[sflag:s22] =	ssyncset.done $0x0  }
0xa6: {  	[sflag:s22] =	ssyncadd.s32 s4;
	_ =	sdelay $0x1  }
0xa7: {  	s23 =	simm.s32 $0x1B8B  }
0xa8: {  	_ =	swait.ge [sflag:s23], $0x1  }
0xa9: {  	[sflag:s23] =	ssyncset.done $0x0  }
0xaa: {  	s25 =	simm.s32 $0x1B8E;
	s24 =	sld [smem:$0x3FFE];
	[sflag:s23] =	ssyncadd.s32 $0xFFFFFFFF  }
0xab: {  	s26 =	simm.s32 $execute0_lowered;
	[smem:$0x3FD2] =	sst s25  }
0xac: {  	s5 =	sshll.u32 s26, $0x1;
	_ =	strace $0x8000004F;
	[dreg:$0x1] =	wrdreg $0xFFFFFFFF  }
0xad: {  	s28 =	simm.s32 $_size_execute0_lowered;
	s3 =	sadd.s32 s3, s5;
	[dreg:$0x0] =	wrdreg $0x0  }
0xae: {  	s5 =	sshll.u32 s28, $0x1;
	[dreg:$0x2] =	wrdreg s3  }
0xaf: {  	[dreg:$0x3] =	wrdreg s5  }
0xb0: {  	[dreg:$0x4] =	wrdreg $0xC0  }
0xb1: {  	_ =	task [dreg:s7], $0x5FFFF  }
0xb2: {  	[dreg:$0x1] =	wrdreg $0xFFFFFFFF  }
0xb3: {  	[dreg:$0x0] =	wrdreg $0x60  }
0xb4: {  	[dreg:$0x2] =	wrdreg s24  }
0xb5: {  	[dreg:$0x3] =	wrdreg s16  }
0xb6: {  	[dreg:$0x4] =	wrdreg $0xD0400  }
0xb7: {  	[dreg:$0x5] =	wrdreg $0xD1480  }
0xb8: {  	[dreg:$0x6] =	wrdreg $0x9  }
0xb9: {  	_ =	task.clear_ibuf [dreg:s7], $0x7FFFF;
	_ =	strace $0x9000004F  }
0xba: {  	s29 =	simm.s32 $0x9;
	_ =	strace $0x80000051  }
0xbb: {  	_ =	swait.ge [sflag:s29], $0x1  }
0xbc: {  	[sflag:s29] =	ssyncadd.s32 $0xFFFFFFFF  }
0xbd: {  	_ =	strace $0x90000051  }
0xbe: {  	_ =	sfence  }
0xbf: {  	s30 =	sld [smem:$0x0];
	_ =	sdelay $0x2  }
0xc0: {  	s31 =	sshll.u32 s1, $0xD;
	s1 =	sshrl.u32 s1, $0x2  }
0xc1: {  	s3 =	sand.u32 $0x4000, s31;
	s1 =	sadd.s32 s1, s30  }
0xc2: {  	s0 =	sor.u32 s3, s0;
	s1 =	sshll.u32 s1, $0x11  }
0xc3: {  	s0 =	sor.u32 s1, s0  }
0xc4: {  	s0 =	sadd.s32 $0x8F2B, s0  }
0xc5: {  	[sflag:s0] =	ssyncadd.remote.s32 $0x1  }
0xc6: {  	_ =	sfence.sel $0xFFFF  }
0xc7: {  	[dreg:$0x0] =	wrdreg $0xFFFFFFFF;
	(pc) =	sbr.abs _section_cstart, $3  }
0xc8: {  	[dreg:$0x1] =	wrdreg $0xFFFFFFFF  }
0xc9: {  	_ =	task.clear_ibuf [dreg:s7], $0x2FFFF;
	_ =	strace $0x9FFFFFFF  }
0xca: {  	(tm) =	ssettm $0x7FFFFFFF  }
0xcb: {  	_ =	shalt  }
tec
execute0_lowered:
.L_overlay_start_1:
0x0: {  	(tag) =	ssettag $0x1  }
0x1: {  	s4 =	rddreg [dreg:$0x0]  }
0x2: {  	s5 =	rddreg [dreg:$0x1]  }
0x3: {  	s0 =	srdreg.scid;
	s6 =	stileid.u32  }
0x4: {  	s2 =	rddreg [dreg:$0x2];
	s7 =	sand.u32 $0x1, s0;
	s30 =	sshll.u32 s6, $0x1  }
0x5: {  	s8 =	sor.u32 s7, s30;
	s10 =	smul.u32 $0x210, s7;
	s7 =	ssub.s32 $0x2, s7  }
0x6: {  	s1 =	rddreg [dreg:$0x3];
	s12 =	sshrl.u32 s7, $0x1  }
0x7: {  	s3 =	simm.s32 $0x0;
	s13 =	simm.s32 $0xC40;
	s7 =	ssub.s32 s7, s12  }
0x8: {  	p1 =	por $0x0, $0x0;
	s0 =	rddreg [dreg:$0x4];
	s31 =	smax.u32 s7, $0x1  }
0x9: {  	[smem:$0x7FF] =	sst s3;
	s9 =	smul.u32 $0xC40, s8;
	s17 =	sadd.s32 $0xFFFFFFFF, s31  }
0xa: {  	s11 =	sadd.s32 $0x22000, s4;
	s8 =	smul.u32 $0x188, s8;
	p2 =	sne.s32 s17, $0x0  }
.Ltmp0:
0xb: {  	s14 =	sadd.s32 $0x22E00, s4;
	p0 =	sne.s32 s6, $0x0;
	(pc) =	sbr.rel @!p2 .LBB2_3-.Ltmp0, $4  }
0xc: {  	_ =	strace $0x80000050;
	s6 =	sshrl.u32 @!p0 s1, $0x3;
	s5 =	sadd.s32 s5, s10  }
0xd: {  	s9 =	sadd.s32 s9, s4;
	s8 =	sadd.s32 s8, s4;
	s4 =	sadd.s32 s10, s4  }
0xe: {  	s7 =	sshrl.u32 @!p0 s2, $0x3;
	s10 =	simm.s32 $0x6E40;
	s12 =	sadd.s32 $0x6600, s8  }
0xf: {  	s9 =	sadd.s32 $0x9800, s9;
	s4 =	sadd.s32 $0x23200, s4;
	s8 =	simm.s32 $0x1  }
0x10: {  	s16 =	simm.s32 @!p0 $0x1C01;
	s15 =	simm.s32 @!p0 $0x1  }
0x11: {  	[spmem:s7], [sflag:s16] =	dma.local @!p0 [hbm:s14], $0x210  }
0x12: {  	_ =	swait.ge @!p0 [sflag:s15], $0x210  }
0x13: {  	[sflag:s15] =	ssyncset.done @!p0 $0x0  }
0x14: {  	[sflag:s15] =	ssyncadd.s32 @!p0 $0xFFFFFDF0  }
0x15: {  	[spmem:s6], [sflag:s16] =	dma.local @!p0 [hbm:s14], $0x210  }
0x16: {  	_ =	swait.ge @!p0 [sflag:s15], $0x210  }
0x17: {  	[sflag:s15] =	ssyncset.done @!p0 $0x0  }
0x18: {  	[sflag:s15] =	ssyncadd.s32 @!p0 $0xFFFFFDF0  }
0x19: {  	[tilespmem:s10], [sflag:$0x1] =	stream.linear.gather [hbm4b:s11+s3], $0x6200, $0x38;
	[tilespmem:$0xD250] =	vst v63  }
0x1a: {  	_ =	swait.ge [sflag:s8], $0x6200  }
0x1b: {  	[sflag:s8] =	ssyncset.done $0x0  }
0x1c: {  	[sflag:s8] =	ssyncadd.s32 $0xFFFF9E00  }
0x1d: {  	[bflag:$0x0] =	sbarrier.arrive $0xFFFF  }
0x1e: {  	[tilespmem:s3], [sflag:$0x1] =	stream.linear.gather [hbm4b:s12+s3], $0xC40, $0x38;
	[tilespmem:$0xD250] =	vst v63  }
0x1f: {  	_ =	swait.ge [sflag:s8], $0xC40  }
0x20: {  	[sflag:s8] =	ssyncset.done $0x0  }
0x21: {  	[sflag:s8] =	ssyncadd.s32 $0xFFFFF3C0  }
0x22: {  	[tilespmem:s13], [sflag:$0x1] =	stream.linear.gather [hbm4b:s9+s3], $0x6200, $0x38;
	[tilespmem:$0xD250] =	vst v63  }
0x23: {  	_ =	swait.ge [sflag:s8], $0x6200  }
0x24: {  	[sflag:s8] =	ssyncset.done $0x0  }
0x25: {  	[sflag:s8] =	ssyncadd.s32 $0xFFFF9E00  }
0x26: {  	[spmem:s2] =	stream.indirect.scatter.add.f32 [tilespmem:s13], [sflag:$0x1], $0x8, s3, s13, $0xb8;
	[tilespmem:$0xD250] =	vst v63  }
0x27: {  	_ =	swait.ge [sflag:s8], $0x6200  }
0x28: {  	[sflag:s8] =	ssyncset.done $0x0  }
0x29: {  	[sflag:s8] =	ssyncadd.s32 $0xFFFF9E00  }
0x2a: {  	[spmem:s1] =	stream.indirect.scatter.add.f32 [tilespmem:s10], [sflag:$0x1], $0x8, s3, s13, $0xb8;
	[tilespmem:$0xD250] =	vst v63  }
0x2b: {  	_ =	swait.ge [sflag:s8], $0x6200  }
0x2c: {  	[sflag:s8] =	ssyncset.done $0x0  }
0x2d: {  	[sflag:s8] =	ssyncadd.s32 $0xFFFF9E00  }
0x2e: {  	s17 =	sadd.s32 $0xFFFFFFFF, s17;
	[bflag:$0x0] =	sbarrier.arrive $0xFFFF  }
0x2f: {  	[hbm:s5], [sflag:s16] =	dma.local @!p0 [spmem:s7], $0x210  }
0x30: {  	p2 =	sne.s32 s17, $0x0;
	_ =	swait.ge @!p0 [sflag:s15], $0x210  }
.Ltmp1:
0x31: {  	[sflag:s15] =	ssyncset.done @!p0 $0x0;
	(pc) =	sbr.rel @!p2 .LBB2_3-.Ltmp1, $4  }
0x32: {  	[sflag:s15] =	ssyncadd.s32 @!p0 $0xFFFFFDF0  }
0x33: {  	[hbm:s4], [sflag:s16] =	dma.local @!p0 [spmem:s6], $0x210  }
0x34: {  	_ =	swait.ge @!p0 [sflag:s15], $0x210  }
0x35: {  	p1 =	por $0x1, $0x1;
	[sflag:s15] =	ssyncset.done @!p0 $0x0  }
.LBB2_2:
0x36: {  	[sflag:s15] =	ssyncadd.s32 @!p0 $0xFFFFFDF0  }
0x37: {  	[spmem:s7], [sflag:s16] =	dma.local @!p0 [hbm:s14], $0x210  }
0x38: {  	s17 =	sadd.s32 $0xFFFFFFFF, s17;
	_ =	swait.ge @!p0 [sflag:s15], $0x210  }
0x39: {  	p2 =	sne.s32 s17, $0x0;
	[sflag:s15] =	ssyncset.done @!p0 $0x0  }
0x3a: {  	[sflag:s15] =	ssyncadd.s32 @!p0 $0xFFFFFDF0  }
0x3b: {  	[spmem:s6], [sflag:s16] =	dma.local @!p0 [hbm:s14], $0x210  }
0x3c: {  	_ =	swait.ge @!p0 [sflag:s15], $0x210  }
0x3d: {  	[sflag:s15] =	ssyncset.done @!p0 $0x0  }
0x3e: {  	[sflag:s15] =	ssyncadd.s32 @!p0 $0xFFFFFDF0  }
0x3f: {  	[tilespmem:s10], [sflag:$0x1] =	stream.linear.gather [hbm4b:s11+s3], $0x6200, $0x38;
	[tilespmem:$0xD250] =	vst v63  }
0x40: {  	_ =	swait.ge [sflag:s8], $0x6200  }
0x41: {  	[sflag:s8] =	ssyncset.done $0x0  }
0x42: {  	[sflag:s8] =	ssyncadd.s32 $0xFFFF9E00  }
0x43: {  	[bflag:$0x0] =	sbarrier.arrive $0xFFFF  }
0x44: {  	[tilespmem:s3], [sflag:$0x1] =	stream.linear.gather [hbm4b:s12+s3], $0xC40, $0x38;
	[tilespmem:$0xD250] =	vst v63  }
0x45: {  	_ =	swait.ge [sflag:s8], $0xC40  }
0x46: {  	[sflag:s8] =	ssyncset.done $0x0  }
0x47: {  	[sflag:s8] =	ssyncadd.s32 $0xFFFFF3C0  }
0x48: {  	[tilespmem:s13], [sflag:$0x1] =	stream.linear.gather [hbm4b:s9+s3], $0x6200, $0x38;
	[tilespmem:$0xD250] =	vst v63  }
0x49: {  	_ =	swait.ge [sflag:s8], $0x6200  }
0x4a: {  	[sflag:s8] =	ssyncset.done $0x0  }
0x4b: {  	[sflag:s8] =	ssyncadd.s32 $0xFFFF9E00  }
0x4c: {  	[spmem:s2] =	stream.indirect.scatter.add.f32 [tilespmem:s13], [sflag:$0x1], $0x8, s3, s13, $0xb8;
	[tilespmem:$0xD250] =	vst v63  }
0x4d: {  	_ =	swait.ge [sflag:s8], $0x6200  }
0x4e: {  	[sflag:s8] =	ssyncset.done $0x0  }
0x4f: {  	[sflag:s8] =	ssyncadd.s32 $0xFFFF9E00  }
0x50: {  	[spmem:s1] =	stream.indirect.scatter.add.f32 [tilespmem:s10], [sflag:$0x1], $0x8, s3, s13, $0xb8;
	[tilespmem:$0xD250] =	vst v63  }
0x51: {  	_ =	swait.ge [sflag:s8], $0x6200  }
0x52: {  	[sflag:s8] =	ssyncset.done $0x0  }
0x53: {  	[sflag:s8] =	ssyncadd.s32 $0xFFFF9E00  }
0x54: {  	[bflag:$0x0] =	sbarrier.arrive $0xFFFF  }
0x55: {  	[hbm:s5], [sflag:s16] =	dma.local @!p0 [spmem:s7], $0x210  }
0x56: {  	_ =	swait.ge @!p0 [sflag:s15], $0x210  }
.Ltmp2:
0x57: {  	[sflag:s15] =	ssyncset.done @!p0 $0x0;
	(pc) =	sbr.rel @p2 .LBB2_2-.Ltmp2, $4  }
0x58: {  	[sflag:s15] =	ssyncadd.s32 @!p0 $0xFFFFFDF0  }
0x59: {  	[hbm:s4], [sflag:s16] =	dma.local @!p0 [spmem:s6], $0x210  }
0x5a: {  	_ =	swait.ge @!p0 [sflag:s15], $0x210  }
0x5b: {  	[sflag:s15] =	ssyncset.done @!p0 $0x0  }
.LBB2_3:
0x5c: {  	p1 =	por p0, !p1  }
0x5d: {  	s16 =	simm.s32 @!p0 $0x1C01;
	s17 =	simm.s32 @!p0 $0x1;
	[sflag:s15] =	ssyncadd.s32 @!p1 $0xFFFFFDF0  }
0x5e: {  	[spmem:s7], [sflag:s16] =	dma.local @!p0 [hbm:s14], $0x210  }
0x5f: {  	_ =	swait.ge @!p0 [sflag:s17], $0x210  }
0x60: {  	[sflag:s17] =	ssyncset.done @!p0 $0x0  }
0x61: {  	[sflag:s17] =	ssyncadd.s32 @!p0 $0xFFFFFDF0  }
0x62: {  	[spmem:s6], [sflag:s16] =	dma.local @!p0 [hbm:s14], $0x210  }
0x63: {  	_ =	swait.ge @!p0 [sflag:s17], $0x210  }
0x64: {  	[sflag:s17] =	ssyncset.done @!p0 $0x0  }
0x65: {  	[sflag:s17] =	ssyncadd.s32 @!p0 $0xFFFFFDF0  }
0x66: {  	[tilespmem:s10], [sflag:$0x1] =	stream.linear.gather [hbm4b:s11+s3], $0x6200, $0x38;
	[tilespmem:$0xD250] =	vst v63  }
0x67: {  	_ =	swait.ge [sflag:s8], $0x6200  }
0x68: {  	[sflag:s8] =	ssyncset.done $0x0  }
0x69: {  	[sflag:s8] =	ssyncadd.s32 $0xFFFF9E00  }
0x6a: {  	[bflag:$0x0] =	sbarrier.arrive $0xFFFF  }
0x6b: {  	[tilespmem:s3], [sflag:$0x1] =	stream.linear.gather [hbm4b:s12+s3], $0xC40, $0x38;
	[tilespmem:$0xD250] =	vst v63  }
0x6c: {  	_ =	swait.ge [sflag:s8], $0xC40  }
0x6d: {  	[sflag:s8] =	ssyncset.done $0x0  }
0x6e: {  	[sflag:s8] =	ssyncadd.s32 $0xFFFFF3C0  }
0x6f: {  	[tilespmem:s13], [sflag:$0x1] =	stream.linear.gather [hbm4b:s9+s3], $0x6200, $0x38;
	[tilespmem:$0xD250] =	vst v63  }
0x70: {  	_ =	swait.ge [sflag:s8], $0x6200  }
0x71: {  	[sflag:s8] =	ssyncset.done $0x0  }
0x72: {  	[sflag:s8] =	ssyncadd.s32 $0xFFFF9E00  }
0x73: {  	[spmem:s2] =	stream.indirect.scatter.add.f32 [tilespmem:s13], [sflag:$0x1], $0x8, s3, s13, $0xb8;
	[tilespmem:$0xD250] =	vst v63  }
0x74: {  	_ =	swait.ge [sflag:s8], $0x6200  }
0x75: {  	[sflag:s8] =	ssyncset.done $0x0  }
0x76: {  	[sflag:s8] =	ssyncadd.s32 $0xFFFF9E00  }
0x77: {  	[spmem:s1] =	stream.indirect.scatter.add.f32 [tilespmem:s10], [sflag:$0x1], $0x8, s3, s13, $0xb8;
	[tilespmem:$0xD250] =	vst v63  }
0x78: {  	_ =	swait.ge [sflag:s8], $0x6200  }
0x79: {  	[sflag:s8] =	ssyncset.done $0x0  }
0x7a: {  	[sflag:s8] =	ssyncadd.s32 $0xFFFF9E00  }
0x7b: {  	[bflag:$0x0] =	sbarrier.arrive $0xFFFF  }
0x7c: {  	[hbm:s5], [sflag:s16] =	dma.local @!p0 [spmem:s7], $0x210  }
0x7d: {  	_ =	swait.ge @!p0 [sflag:s17], $0x210  }
0x7e: {  	[sflag:s17] =	ssyncset.done @!p0 $0x0  }
0x7f: {  	[sflag:s17] =	ssyncadd.s32 @!p0 $0xFFFFFDF0  }
0x80: {  	[hbm:s4], [sflag:s16] =	dma.local @!p0 [spmem:s6], $0x210  }
0x81: {  	_ =	swait.ge @!p0 [sflag:s17], $0x210  }
0x82: {  	[sflag:s17] =	ssyncset.done @!p0 $0x0  }
0x83: {  	[sflag:s17] =	ssyncadd.s32 @!p0 $0xFFFFFDF0  }
0x84: {  	_ =	sfence.sel $0x180000  }
0x85: {  	[bflag:$0x0] =	sbarrier.arrive $0xFFFF  }
0x86: {  	_ =	strace $0x90000050  }
0x87: {  	s0 =	sadd.s32 @!p0 $0x100000, s0;
	[bflag:$0x2] =	sbarrier.arrive $0xFFFF  }
0x88: {  	[sflag:s0] =	ssyncadd.tile.s32 @!p0 $0x1;
	_ =	shalt  }
.Lfunc_end2:
_tile_overlayer_lowered:
.L_overlay_start_2:
0x89: {  	(tag) =	ssettag $0x2  }
0x8a: {  	s0 =	rddreg [dreg:$0x0];
	s2 =	stileid.u32  }
0x8b: {  	s1 =	rddreg [dreg:$0x1];
	p0 =	sne.s32 s2, $0x0  }
0x8c: {  	s3 =	rddreg [dreg:$0x2];
	[bflag:$0x3] =	sbarrier.arrive $0xFFFF;
	s2 =	simm.s32 @!p0 $0x1C01  }
0x8d: {  	[timem:s3], [sflag:s2] =	dma.local @!p0 [hbm:s0], s1  }
0x8e: {  	s0 =	simm.s32 @!p0 $0x1  }
0x8f: {  	_ =	swait.ge @!p0 [sflag:s0], s1  }
0x90: {  	s1 =	ssub.s32 @!p0 $0x0, s1;
	[sflag:s0] =	ssyncset.done @!p0 $0x0  }
0x91: {  	[sflag:s0] =	ssyncadd.s32 @!p0 s1  }
0x92: {  	[bflag:$0x3] =	sbarrier.arrive $0xFFFF  }
0x93: {  	_ =	shalt  }

</sc_bundles>
